<compile_context>
chip_gen: v7x
topology: tpu7x:2x2x1
jax: 0.10.2.dev20260603
libtpu: 0.0.44.dev20260713+nightly
codegen_flags: <defaults>
</compile_context>

<pallas_src>
import functools

import jax
import jax.numpy as jnp
from jax import lax
from jax.experimental import pallas as pl
from jax.experimental.pallas import tpu as pltpu
from jax.experimental.pallas import tpu_sc as plsc

D = 128
L = 16
NVEC = D // L
CH = 64
NBUF = 4

_GATHER_DNUMS = lax.GatherDimensionNumbers(
    offset_dims=(), collapsed_slice_dims=(0,), start_index_map=(0,))


def _shuffle(v, idx):
    return lax.gather(v, idx[:, None], _GATHER_DNUMS, (1,),
                      mode=lax.GatherScatterMode.PROMISE_IN_BOUNDS)


def _scale_from_sumsq(n2):
    a = jnp.maximum(n2, 1.28e-22)
    i = jnp.int32(0x5F3759DF + (7 << 22)) - (plsc.bitcast(a, jnp.int32) >> 1)
    y = plsc.bitcast(i, jnp.float32)
    xh = a * (0.5 / D)
    y = y * (1.5 - xh * y * y)
    return y


def _make_kernel(total_rows):
    info = plsc.get_sparse_core_info()
    nc, ns = info.num_cores, info.num_subcores
    nw = nc * ns
    per_w = total_rows // nw
    steps = per_w // CH
    njs = steps // NBUF

    mesh = plsc.VectorSubcoreMesh(core_axis_name="c", subcore_axis_name="s")

    @functools.partial(
        pl.kernel,
        mesh=mesh,
        compiler_params=pltpu.CompilerParams(needs_layout_passes=False),
        out_type=jax.ShapeDtypeStruct((total_rows, D), jnp.float32),
        scratch_types=[
            pltpu.VMEM((per_w,), jnp.int32),
            pltpu.VMEM((NBUF, CH, D), jnp.float32),
            pltpu.VMEM((NBUF, CH, D), jnp.float32),
        ] + [pltpu.SemaphoreType.DMA] * (2 * NBUF),
    )
    def emb_kernel(idx_hbm, table_hbm, out_hbm, idx_v, rin, rout, *sems):
        cid = lax.axis_index("c")
        sid = lax.axis_index("s")
        wid = sid * nc + cid
        base = wid * per_w
        gsems = sems[:NBUF]
        ssems = sems[NBUF:]
        last_lane = jnp.full((L,), L - 1, jnp.int32)

        pltpu.sync_copy(idx_hbm.at[pl.ds(base, per_w)], idx_v)

        def gather_chunk(b, i):
            pltpu.make_async_copy(
                table_hbm.at[idx_v.at[pl.ds(i * CH, CH)]],
                rin.at[b], gsems[b]).start()

        def compute_chunk(b):
            rin_b = rin.at[b]
            rout_b = rout.at[b]

            @plsc.parallel_loop(0, CH, unroll=2)
            def row(r):
                xs = [rin_b[r, pl.ds(k * L, L)] for k in range(NVEC)]
                sq = [x * x for x in xs]
                for st in (4, 2, 1):
                    sq = [sq[k] + sq[k + st] for k in range(st)]
                c = jnp.cumsum(sq[0])
                acc = _shuffle(c, last_lane)
                scale = _scale_from_sumsq(acc)
                for k in range(NVEC):
                    rout_b[r, pl.ds(k * L, L)] = xs[k] * scale

        for b in range(NBUF):
            gather_chunk(b, b)

        def trip(j, carry):
            for b in range(NBUF):
                i = j * NBUF + b
                off = base + i * CH
                pltpu.make_async_copy(
                    table_hbm.at[idx_v.at[pl.ds(i * CH, CH)]],
                    rin.at[b], gsems[b]).wait()

                @pl.when(j > 0)
                def _():
                    pltpu.make_async_copy(
                        rout.at[b], out_hbm.at[pl.ds(off, CH)],
                        ssems[b]).wait()

                compute_chunk(b)
                pltpu.make_async_copy(
                    rout.at[b], out_hbm.at[pl.ds(off, CH)], ssems[b]).start()

                @pl.when(j < njs - 1)
                def _():
                    gather_chunk(b, i + NBUF)
            return carry

        lax.fori_loop(0, njs, trip, 0)

        for b in range(NBUF):
            off = base + (steps - NBUF + b) * CH
            pltpu.make_async_copy(
                rout.at[b], out_hbm.at[pl.ds(off, CH)], ssems[b]).wait()

    return emb_kernel


def kernel(token_indices, embed_table):
    b, h = token_indices.shape
    total = b * h
    idx_flat = token_indices.reshape(total).astype(jnp.int32)
    out = _make_kernel(total)(idx_flat, embed_table)
    return out.reshape(b, h, embed_table.shape[1])

# --- scband reference (transcript-rebuilt; emitter-appended) ---
"""Pipeline reference for scband-token-embedding-64183991271806 (READ-ONLY COPY).

The authoritative reference and input builder live on the scoring server;
editing this copy changes nothing except your own understanding.
"""

import jax, jax.numpy as jnp
import numpy as np

NUM_EMBED = 100000  # already a multiple of 8, so _real_nembed == num_embed
EMBED_DIM = 128
BATCH = 4096
HIST = 200


def _l2norm_scaled(x, eps=1e-12):
    # l2norm with scaled=True: unit-normalize along last dim, then scale by sqrt(dim)
    n = jnp.linalg.norm(x, axis=-1, keepdims=True)
    return x / jnp.maximum(n, eps) * jnp.sqrt(jnp.asarray(x.shape[-1], dtype=x.dtype))


def setup_inputs(seed: int = 0) -> dict:
    key = jax.random.key(seed)
    k_idx, k_tab = jax.random.split(key)
    token_indices = jax.random.randint(k_idx, (BATCH, HIST), 0, NUM_EMBED, dtype=jnp.int64 if jax.config.jax_enable_x64 else jnp.int32)
    embed_table = jax.random.normal(k_tab, (NUM_EMBED, EMBED_DIM), dtype=jnp.float32) * 0.02
    return {"token_indices": token_indices, "embed_table": embed_table}


def reference(token_indices, embed_table):
    # nn.Embedding lookup -> gather rows
    embeds = jnp.take(embed_table, token_indices, axis=0)
    # norm=True -> scaled l2 normalization
    embeds = _l2norm_scaled(embeds)
    return embeds

if __name__ == "__main__":
    import jax
    _d = setup_inputs()
    print(jax.jit(kernel)(*tuple(_d.values())))

</pallas_src>

<mosaic_0001>
#map = affine_map<(d0, d1) -> (0)>
#map1 = affine_map<(d0, d1) -> (0, 0)>
module attributes {stable_mosaic.version = 14 : i64} {
  func.func @emb_kernel(%arg0: i32, %arg1: i32, %arg2: memref<819200xi32, #tpu.memory_space<hbm>>, %arg3: memref<100000x128xf32, #tpu.memory_space<hbm>>, %arg4: memref<819200x128xf32, #tpu.memory_space<hbm>>, %arg5: memref<25600xi32, #tpu.memory_space<vmem>>, %arg6: memref<4x64x128xf32, #tpu.memory_space<vmem>>, %arg7: memref<4x64x128xf32, #tpu.memory_space<vmem>>, %arg8: memref<!tpu.dma_semaphore, #tpu.memory_space<semaphore_mem>>, %arg9: memref<!tpu.dma_semaphore, #tpu.memory_space<semaphore_mem>>, %arg10: memref<!tpu.dma_semaphore, #tpu.memory_space<semaphore_mem>>, %arg11: memref<!tpu.dma_semaphore, #tpu.memory_space<semaphore_mem>>, %arg12: memref<!tpu.dma_semaphore, #tpu.memory_space<semaphore_mem>>, %arg13: memref<!tpu.dma_semaphore, #tpu.memory_space<semaphore_mem>>, %arg14: memref<!tpu.dma_semaphore, #tpu.memory_space<semaphore_mem>>, %arg15: memref<!tpu.dma_semaphore, #tpu.memory_space<semaphore_mem>>) attributes {dimension_semantics = [#tpu.dimension_semantics<core_parallel>, #tpu.dimension_semantics<subcore_parallel>], iteration_bounds = array<i64: 2, 16>, scalar_prefetch = 0 : i64, scratch_operands = 11 : i64, tpu.core_type = #tpu.core_type<sc_vector_subcore>, window_params = [{transform_indices = #map}, {transform_indices = #map1}, {transform_indices = #map1}]} {
    %mul3A = arith.constant 2 : i32
    %mul3A_0 = arith.muli %arg1, %mul3A : i32
    %add3A = arith.addi %mul3A_0, %arg0 : i32
    %mul3A_1 = arith.constant 25600 : i32
    %mul3A_2 = arith.muli %add3A, %mul3A_1 : i32
    %broadcast_in_dim3A = arith.constant 15 : i32
    %broadcast_in_dim3A_3 = vector.broadcast %broadcast_in_dim3A : i32 to vector<16xi32>
    "tpu.region"() ({
      %run_scoped3A = tpu.sem_alloc : memref<!tpu.dma_semaphore, #tpu.memory_space<semaphore_mem>>
      %dma_start3A_107 = tpu.memref_slice %arg2[%mul3A_2] : memref<819200xi32, #tpu.memory_space<hbm>> -> memref<25600xi32, #tpu.memory_space<hbm>>
      %dma_start3A_108 = tpu.memref_slice %arg2[%mul3A_2] : memref<819200xi32, #tpu.memory_space<hbm>> -> memref<25600xi32, #tpu.memory_space<hbm>>
      tpu.enqueue_dma source(%dma_start3A_108 : memref<25600xi32, #tpu.memory_space<hbm>>) target(%arg5 : memref<25600xi32, #tpu.memory_space<vmem>>) target_semaphore(%run_scoped3A : memref<!tpu.dma_semaphore, #tpu.memory_space<semaphore_mem>>)
      %dma_wait3A_109 = tpu.memref_slice %arg2[%mul3A_2] : memref<819200xi32, #tpu.memory_space<hbm>> -> memref<25600xi32, #tpu.memory_space<hbm>>
      %dma_wait3A_110 = tpu.memref_slice %arg2[%mul3A_2] : memref<819200xi32, #tpu.memory_space<hbm>> -> memref<25600xi32, #tpu.memory_space<hbm>>
      tpu.wait_dma2 semaphore(%run_scoped3A : memref<!tpu.dma_semaphore, #tpu.memory_space<semaphore_mem>>) src(%dma_wait3A_110 : memref<25600xi32, #tpu.memory_space<hbm>>) dst(%arg5 : memref<25600xi32, #tpu.memory_space<vmem>>)
      tpu.yield
    }) : () -> ()
    %dma_start3A = arith.constant 0 : i32
    %dma_start3A_4 = arith.constant 0 : i32
    %dma_start3A_5 = arith.constant 0 : i32
    %dma_start3A_6 = tpu.memref_slice %arg6[%dma_start3A, %dma_start3A_4, %dma_start3A_5] : memref<4x64x128xf32, #tpu.memory_space<vmem>> -> memref<1x64x128xf32, #tpu.memory_space<vmem>>
    %dma_start3A_7 = tpu.memref_squeeze %dma_start3A_6 : memref<1x64x128xf32, #tpu.memory_space<vmem>> -> memref<64x128xf32, #tpu.memory_space<vmem>>
    %dma_start3A_8 = arith.constant 0 : i32
    %dma_start3A_9 = tpu.memref_slice %arg5[%dma_start3A_8] : memref<25600xi32, #tpu.memory_space<vmem>> -> memref<64xi32, #tpu.memory_space<vmem>>
    %dma_start3A_10 = arith.constant 0 : i32
    %dma_start3A_11 = arith.constant 0 : i32
    %dma_start3A_12 = tpu.memref_slice %arg3[%dma_start3A_10, %dma_start3A_11] : memref<100000x128xf32, #tpu.memory_space<hbm>> -> memref<100000x128xf32, #tpu.memory_space<hbm>>
    tpu.enqueue_indirect_dma source(%dma_start3A_12 : memref<100000x128xf32, #tpu.memory_space<hbm>>) target(%dma_start3A_7 : memref<64x128xf32, #tpu.memory_space<vmem>>) offsets(%dma_start3A_9 : memref<64xi32, #tpu.memory_space<vmem>>) semaphore(%arg8 : memref<!tpu.dma_semaphore, #tpu.memory_space<semaphore_mem>>)
    %dma_start3A_13 = arith.constant 1 : i32
    %dma_start3A_14 = arith.constant 0 : i32
    %dma_start3A_15 = arith.constant 0 : i32
    %dma_start3A_16 = tpu.memref_slice %arg6[%dma_start3A_13, %dma_start3A_14, %dma_start3A_15] : memref<4x64x128xf32, #tpu.memory_space<vmem>> -> memref<1x64x128xf32, #tpu.memory_space<vmem>>
    %dma_start3A_17 = tpu.memref_squeeze %dma_start3A_16 : memref<1x64x128xf32, #tpu.memory_space<vmem>> -> memref<64x128xf32, #tpu.memory_space<vmem>>
    %dma_start3A_18 = arith.constant 64 : i32
    %dma_start3A_19 = tpu.memref_slice %arg5[%dma_start3A_18] : memref<25600xi32, #tpu.memory_space<vmem>> -> memref<64xi32, #tpu.memory_space<vmem>>
    %dma_start3A_20 = arith.constant 0 : i32
    %dma_start3A_21 = arith.constant 0 : i32
    %dma_start3A_22 = tpu.memref_slice %arg3[%dma_start3A_20, %dma_start3A_21] : memref<100000x128xf32, #tpu.memory_space<hbm>> -> memref<100000x128xf32, #tpu.memory_space<hbm>>
    tpu.enqueue_indirect_dma source(%dma_start3A_22 : memref<100000x128xf32, #tpu.memory_space<hbm>>) target(%dma_start3A_17 : memref<64x128xf32, #tpu.memory_space<vmem>>) offsets(%dma_start3A_19 : memref<64xi32, #tpu.memory_space<vmem>>) semaphore(%arg9 : memref<!tpu.dma_semaphore, #tpu.memory_space<semaphore_mem>>)
    %dma_start3A_23 = arith.constant 2 : i32
    %dma_start3A_24 = arith.constant 0 : i32
    %dma_start3A_25 = arith.constant 0 : i32
    %dma_start3A_26 = tpu.memref_slice %arg6[%dma_start3A_23, %dma_start3A_24, %dma_start3A_25] : memref<4x64x128xf32, #tpu.memory_space<vmem>> -> memref<1x64x128xf32, #tpu.memory_space<vmem>>
    %dma_start3A_27 = tpu.memref_squeeze %dma_start3A_26 : memref<1x64x128xf32, #tpu.memory_space<vmem>> -> memref<64x128xf32, #tpu.memory_space<vmem>>
    %dma_start3A_28 = arith.constant 128 : i32
    %dma_start3A_29 = tpu.memref_slice %arg5[%dma_start3A_28] : memref<25600xi32, #tpu.memory_space<vmem>> -> memref<64xi32, #tpu.memory_space<vmem>>
    %dma_start3A_30 = arith.constant 0 : i32
    %dma_start3A_31 = arith.constant 0 : i32
    %dma_start3A_32 = tpu.memref_slice %arg3[%dma_start3A_30, %dma_start3A_31] : memref<100000x128xf32, #tpu.memory_space<hbm>> -> memref<100000x128xf32, #tpu.memory_space<hbm>>
    tpu.enqueue_indirect_dma source(%dma_start3A_32 : memref<100000x128xf32, #tpu.memory_space<hbm>>) target(%dma_start3A_27 : memref<64x128xf32, #tpu.memory_space<vmem>>) offsets(%dma_start3A_29 : memref<64xi32, #tpu.memory_space<vmem>>) semaphore(%arg10 : memref<!tpu.dma_semaphore, #tpu.memory_space<semaphore_mem>>)
    %dma_start3A_33 = arith.constant 3 : i32
    %dma_start3A_34 = arith.constant 0 : i32
    %dma_start3A_35 = arith.constant 0 : i32
    %dma_start3A_36 = tpu.memref_slice %arg6[%dma_start3A_33, %dma_start3A_34, %dma_start3A_35] : memref<4x64x128xf32, #tpu.memory_space<vmem>> -> memref<1x64x128xf32, #tpu.memory_space<vmem>>
    %dma_start3A_37 = tpu.memref_squeeze %dma_start3A_36 : memref<1x64x128xf32, #tpu.memory_space<vmem>> -> memref<64x128xf32, #tpu.memory_space<vmem>>
    %dma_start3A_38 = arith.constant 192 : i32
    %dma_start3A_39 = tpu.memref_slice %arg5[%dma_start3A_38] : memref<25600xi32, #tpu.memory_space<vmem>> -> memref<64xi32, #tpu.memory_space<vmem>>
    %dma_start3A_40 = arith.constant 0 : i32
    %dma_start3A_41 = arith.constant 0 : i32
    %dma_start3A_42 = tpu.memref_slice %arg3[%dma_start3A_40, %dma_start3A_41] : memref<100000x128xf32, #tpu.memory_space<hbm>> -> memref<100000x128xf32, #tpu.memory_space<hbm>>
    tpu.enqueue_indirect_dma source(%dma_start3A_42 : memref<100000x128xf32, #tpu.memory_space<hbm>>) target(%dma_start3A_37 : memref<64x128xf32, #tpu.memory_space<vmem>>) offsets(%dma_start3A_39 : memref<64xi32, #tpu.memory_space<vmem>>) semaphore(%arg11 : memref<!tpu.dma_semaphore, #tpu.memory_space<semaphore_mem>>)
    %scan3A = arith.constant 0 : i32
    %scan3A_43 = arith.constant 0 : i32
    %scan3A_44 = arith.constant 100 : i32
    %scan3A_45 = arith.addi %scan3A_43, %scan3A_44 : i32
    %scan3A_46 = arith.constant 1 : i32
    scf.for %scan3A_107 = %scan3A_43 to %scan3A_45 step %scan3A_46  : i32 {
      %mul3A_108 = arith.constant 4 : i32
      %mul3A_109 = arith.muli %scan3A_107, %mul3A_108 : i32
      %add3A_110 = arith.constant 0 : i32
      %add3A_111 = arith.addi %mul3A_109, %add3A_110 : i32
      %mul3A_112 = arith.constant 64 : i32
      %mul3A_113 = arith.muli %add3A_111, %mul3A_112 : i32
      %add3A_114 = arith.addi %mul3A_2, %mul3A_113 : i32
      %mul3A_115 = arith.constant 64 : i32
      %mul3A_116 = arith.muli %add3A_111, %mul3A_115 : i32
      %dma_wait3A_117 = arith.constant 0 : i32
      %dma_wait3A_118 = arith.constant 0 : i32
      %dma_wait3A_119 = arith.constant 0 : i32
      %dma_wait3A_120 = tpu.memref_slice %arg6[%dma_wait3A_117, %dma_wait3A_118, %dma_wait3A_119] : memref<4x64x128xf32, #tpu.memory_space<vmem>> -> memref<1x64x128xf32, #tpu.memory_space<vmem>>
      %dma_wait3A_121 = tpu.memref_squeeze %dma_wait3A_120 : memref<1x64x128xf32, #tpu.memory_space<vmem>> -> memref<64x128xf32, #tpu.memory_space<vmem>>
      %dma_wait3A_122 = tpu.memref_slice %arg5[%mul3A_116] : memref<25600xi32, #tpu.memory_space<vmem>> -> memref<64xi32, #tpu.memory_space<vmem>>
      %dma_wait3A_123 = arith.constant 0 : i32
      %dma_wait3A_124 = arith.constant 0 : i32
      %dma_wait3A_125 = tpu.memref_slice %arg3[%dma_wait3A_123, %dma_wait3A_124] : memref<100000x128xf32, #tpu.memory_space<hbm>> -> memref<100000x128xf32, #tpu.memory_space<hbm>>
      tpu.wait_indirect_dma semaphore(%arg8 : memref<!tpu.dma_semaphore, #tpu.memory_space<semaphore_mem>>) src(%dma_wait3A_125 : memref<100000x128xf32, #tpu.memory_space<hbm>>) dst(%dma_wait3A_121 : memref<64x128xf32, #tpu.memory_space<vmem>>)
      %gt3A = arith.constant 0 : i32
      %gt3A_126 = arith.cmpi sgt, %scan3A_107, %gt3A : i32
      %convert_element_type3A = arith.extui %gt3A_126 : i1 to i32
      %cond3A = arith.constant 0 : i32
      %cond3A_127 = arith.cmpi ne, %convert_element_type3A, %cond3A : i32
      scf.if %cond3A_127 {
        %dma_wait3A_287 = arith.constant 0 : i32
        %dma_wait3A_288 = arith.constant 0 : i32
        %dma_wait3A_289 = arith.constant 0 : i32
        %dma_wait3A_290 = tpu.memref_slice %arg7[%dma_wait3A_287, %dma_wait3A_288, %dma_wait3A_289] : memref<4x64x128xf32, #tpu.memory_space<vmem>> -> memref<1x64x128xf32, #tpu.memory_space<vmem>>
        %dma_wait3A_291 = tpu.memref_squeeze %dma_wait3A_290 : memref<1x64x128xf32, #tpu.memory_space<vmem>> -> memref<64x128xf32, #tpu.memory_space<vmem>>
        %dma_wait3A_292 = arith.constant 0 : i32
        %dma_wait3A_293 = tpu.memref_slice %arg4[%add3A_114, %dma_wait3A_292] : memref<819200x128xf32, #tpu.memory_space<hbm>> -> memref<64x128xf32, #tpu.memory_space<hbm>>
        %dma_wait3A_294 = arith.constant 0 : i32
        %dma_wait3A_295 = tpu.memref_slice %arg4[%add3A_114, %dma_wait3A_294] : memref<819200x128xf32, #tpu.memory_space<hbm>> -> memref<64x128xf32, #tpu.memory_space<hbm>>
        %dma_wait3A_296 = arith.constant 0 : i32
        %dma_wait3A_297 = arith.constant 0 : i32
        %dma_wait3A_298 = tpu.memref_slice %arg7[%dma_wait3A_287, %dma_wait3A_296, %dma_wait3A_297] : memref<4x64x128xf32, #tpu.memory_space<vmem>> -> memref<1x64x128xf32, #tpu.memory_space<vmem>>
        %dma_wait3A_299 = tpu.memref_squeeze %dma_wait3A_298 : memref<1x64x128xf32, #tpu.memory_space<vmem>> -> memref<64x128xf32, #tpu.memory_space<vmem>>
        tpu.wait_dma2 semaphore(%arg12 : memref<!tpu.dma_semaphore, #tpu.memory_space<semaphore_mem>>) src(%dma_wait3A_299 : memref<64x128xf32, #tpu.memory_space<vmem>>) dst(%dma_wait3A_295 : memref<64x128xf32, #tpu.memory_space<hbm>>)
      } else {
      }
      %parallel_loop3A = arith.constant 0 : i32
      %parallel_loop3A_128 = arith.constant 64 : i32
      %parallel_loop3A_129 = arith.constant 1 : i32
      %parallel_loop3A_130 = arith.constant 0 : i32
      %parallel_loop3A_131 = arith.constant 0 : i32
      scf.for %parallel_loop3A_287 = %parallel_loop3A to %parallel_loop3A_128 step %parallel_loop3A_129  : i32 {
        %parallel_loop3A_288 = arith.constant 0 : i32
        %parallel_loop3A_289 = arith.constant 0 : i32
        %parallel_loop3A_290 = tpu.memref_slice %arg6[%parallel_loop3A_130, %parallel_loop3A_288, %parallel_loop3A_289] : memref<4x64x128xf32, #tpu.memory_space<vmem>> -> memref<1x64x128xf32, #tpu.memory_space<vmem>>
        %parallel_loop3A_291 = tpu.memref_squeeze %parallel_loop3A_290 : memref<1x64x128xf32, #tpu.memory_space<vmem>> -> memref<64x128xf32, #tpu.memory_space<vmem>>
        %parallel_loop3A_292 = arith.index_cast %parallel_loop3A_287 : i32 to index
        %parallel_loop3A_293 = arith.constant 0 : index
        %parallel_loop3A_294 = tpu.vector_load %parallel_loop3A_291[%parallel_loop3A_292, %parallel_loop3A_293] {strides = array<i32>} : memref<64x128xf32, #tpu.memory_space<vmem>>, vector<16xf32>,
        %parallel_loop3A_295 = arith.constant 0 : i32
        %parallel_loop3A_296 = arith.constant 0 : i32
        %parallel_loop3A_297 = tpu.memref_slice %arg6[%parallel_loop3A_130, %parallel_loop3A_295, %parallel_loop3A_296] : memref<4x64x128xf32, #tpu.memory_space<vmem>> -> memref<1x64x128xf32, #tpu.memory_space<vmem>>
        %parallel_loop3A_298 = tpu.memref_squeeze %parallel_loop3A_297 : memref<1x64x128xf32, #tpu.memory_space<vmem>> -> memref<64x128xf32, #tpu.memory_space<vmem>>
        %parallel_loop3A_299 = arith.index_cast %parallel_loop3A_287 : i32 to index
        %parallel_loop3A_300 = arith.constant 16 : index
        %parallel_loop3A_301 = tpu.vector_load %parallel_loop3A_298[%parallel_loop3A_299, %parallel_loop3A_300] {strides = array<i32>} : memref<64x128xf32, #tpu.memory_space<vmem>>, vector<16xf32>,
        %parallel_loop3A_302 = arith.constant 0 : i32
        %parallel_loop3A_303 = arith.constant 0 : i32
        %parallel_loop3A_304 = tpu.memref_slice %arg6[%parallel_loop3A_130, %parallel_loop3A_302, %parallel_loop3A_303] : memref<4x64x128xf32, #tpu.memory_space<vmem>> -> memref<1x64x128xf32, #tpu.memory_space<vmem>>
        %parallel_loop3A_305 = tpu.memref_squeeze %parallel_loop3A_304 : memref<1x64x128xf32, #tpu.memory_space<vmem>> -> memref<64x128xf32, #tpu.memory_space<vmem>>
        %parallel_loop3A_306 = arith.index_cast %parallel_loop3A_287 : i32 to index
        %parallel_loop3A_307 = arith.constant 32 : index
        %parallel_loop3A_308 = tpu.vector_load %parallel_loop3A_305[%parallel_loop3A_306, %parallel_loop3A_307] {strides = array<i32>} : memref<64x128xf32, #tpu.memory_space<vmem>>, vector<16xf32>,
        %parallel_loop3A_309 = arith.constant 0 : i32
        %parallel_loop3A_310 = arith.constant 0 : i32
        %parallel_loop3A_311 = tpu.memref_slice %arg6[%parallel_loop3A_130, %parallel_loop3A_309, %parallel_loop3A_310] : memref<4x64x128xf32, #tpu.memory_space<vmem>> -> memref<1x64x128xf32, #tpu.memory_space<vmem>>
        %parallel_loop3A_312 = tpu.memref_squeeze %parallel_loop3A_311 : memref<1x64x128xf32, #tpu.memory_space<vmem>> -> memref<64x128xf32, #tpu.memory_space<vmem>>
        %parallel_loop3A_313 = arith.index_cast %parallel_loop3A_287 : i32 to index
        %parallel_loop3A_314 = arith.constant 48 : index
        %parallel_loop3A_315 = tpu.vector_load %parallel_loop3A_312[%parallel_loop3A_313, %parallel_loop3A_314] {strides = array<i32>} : memref<64x128xf32, #tpu.memory_space<vmem>>, vector<16xf32>,
        %parallel_loop3A_316 = arith.constant 0 : i32
        %parallel_loop3A_317 = arith.constant 0 : i32
        %parallel_loop3A_318 = tpu.memref_slice %arg6[%parallel_loop3A_130, %parallel_loop3A_316, %parallel_loop3A_317] : memref<4x64x128xf32, #tpu.memory_space<vmem>> -> memref<1x64x128xf32, #tpu.memory_space<vmem>>
        %parallel_loop3A_319 = tpu.memref_squeeze %parallel_loop3A_318 : memref<1x64x128xf32, #tpu.memory_space<vmem>> -> memref<64x128xf32, #tpu.memory_space<vmem>>
        %parallel_loop3A_320 = arith.index_cast %parallel_loop3A_287 : i32 to index
        %parallel_loop3A_321 = arith.constant 64 : index
        %parallel_loop3A_322 = tpu.vector_load %parallel_loop3A_319[%parallel_loop3A_320, %parallel_loop3A_321] {strides = array<i32>} : memref<64x128xf32, #tpu.memory_space<vmem>>, vector<16xf32>,
        %parallel_loop3A_323 = arith.constant 0 : i32
        %parallel_loop3A_324 = arith.constant 0 : i32
        %parallel_loop3A_325 = tpu.memref_slice %arg6[%parallel_loop3A_130, %parallel_loop3A_323, %parallel_loop3A_324] : memref<4x64x128xf32, #tpu.memory_space<vmem>> -> memref<1x64x128xf32, #tpu.memory_space<vmem>>
        %parallel_loop3A_326 = tpu.memref_squeeze %parallel_loop3A_325 : memref<1x64x128xf32, #tpu.memory_space<vmem>> -> memref<64x128xf32, #tpu.memory_space<vmem>>
        %parallel_loop3A_327 = arith.index_cast %parallel_loop3A_287 : i32 to index
        %parallel_loop3A_328 = arith.constant 80 : index
        %parallel_loop3A_329 = tpu.vector_load %parallel_loop3A_326[%parallel_loop3A_327, %parallel_loop3A_328] {strides = array<i32>} : memref<64x128xf32, #tpu.memory_space<vmem>>, vector<16xf32>,
        %parallel_loop3A_330 = arith.constant 0 : i32
        %parallel_loop3A_331 = arith.constant 0 : i32
        %parallel_loop3A_332 = tpu.memref_slice %arg6[%parallel_loop3A_130, %parallel_loop3A_330, %parallel_loop3A_331] : memref<4x64x128xf32, #tpu.memory_space<vmem>> -> memref<1x64x128xf32, #tpu.memory_space<vmem>>
        %parallel_loop3A_333 = tpu.memref_squeeze %parallel_loop3A_332 : memref<1x64x128xf32, #tpu.memory_space<vmem>> -> memref<64x128xf32, #tpu.memory_space<vmem>>
        %parallel_loop3A_334 = arith.index_cast %parallel_loop3A_287 : i32 to index
        %parallel_loop3A_335 = arith.constant 96 : index
        %parallel_loop3A_336 = tpu.vector_load %parallel_loop3A_333[%parallel_loop3A_334, %parallel_loop3A_335] {strides = array<i32>} : memref<64x128xf32, #tpu.memory_space<vmem>>, vector<16xf32>,
        %parallel_loop3A_337 = arith.constant 0 : i32
        %parallel_loop3A_338 = arith.constant 0 : i32
        %parallel_loop3A_339 = tpu.memref_slice %arg6[%parallel_loop3A_130, %parallel_loop3A_337, %parallel_loop3A_338] : memref<4x64x128xf32, #tpu.memory_space<vmem>> -> memref<1x64x128xf32, #tpu.memory_space<vmem>>
        %parallel_loop3A_340 = tpu.memref_squeeze %parallel_loop3A_339 : memref<1x64x128xf32, #tpu.memory_space<vmem>> -> memref<64x128xf32, #tpu.memory_space<vmem>>
        %parallel_loop3A_341 = arith.index_cast %parallel_loop3A_287 : i32 to index
        %parallel_loop3A_342 = arith.constant 112 : index
        %parallel_loop3A_343 = tpu.vector_load %parallel_loop3A_340[%parallel_loop3A_341, %parallel_loop3A_342] {strides = array<i32>} : memref<64x128xf32, #tpu.memory_space<vmem>>, vector<16xf32>,
        %parallel_loop3A_344 = arith.mulf %parallel_loop3A_294, %parallel_loop3A_294 : vector<16xf32>
        %parallel_loop3A_345 = arith.mulf %parallel_loop3A_301, %parallel_loop3A_301 : vector<16xf32>
        %parallel_loop3A_346 = arith.mulf %parallel_loop3A_308, %parallel_loop3A_308 : vector<16xf32>
        %parallel_loop3A_347 = arith.mulf %parallel_loop3A_315, %parallel_loop3A_315 : vector<16xf32>
        %parallel_loop3A_348 = arith.mulf %parallel_loop3A_322, %parallel_loop3A_322 : vector<16xf32>
        %parallel_loop3A_349 = arith.mulf %parallel_loop3A_329, %parallel_loop3A_329 : vector<16xf32>
        %parallel_loop3A_350 = arith.mulf %parallel_loop3A_336, %parallel_loop3A_336 : vector<16xf32>
        %parallel_loop3A_351 = arith.mulf %parallel_loop3A_343, %parallel_loop3A_343 : vector<16xf32>
        %parallel_loop3A_352 = arith.addf %parallel_loop3A_344, %parallel_loop3A_348 : vector<16xf32>
        %parallel_loop3A_353 = arith.addf %parallel_loop3A_345, %parallel_loop3A_349 : vector<16xf32>
        %parallel_loop3A_354 = arith.addf %parallel_loop3A_346, %parallel_loop3A_350 : vector<16xf32>
        %parallel_loop3A_355 = arith.addf %parallel_loop3A_347, %parallel_loop3A_351 : vector<16xf32>
        %parallel_loop3A_356 = arith.addf %parallel_loop3A_352, %parallel_loop3A_354 : vector<16xf32>
        %parallel_loop3A_357 = arith.addf %parallel_loop3A_353, %parallel_loop3A_355 : vector<16xf32>
        %parallel_loop3A_358 = arith.addf %parallel_loop3A_356, %parallel_loop3A_357 : vector<16xf32>
        %parallel_loop3A_359 = arith.constant true
        %parallel_loop3A_360 = vector.broadcast %parallel_loop3A_359 : i1 to vector<16xi1>
        %parallel_loop3A_361 = tpu.scan <sum>, %parallel_loop3A_358 masked %parallel_loop3A_360 : vector<16xf32>, vector<16xi1> -> vector<16xf32>
        %parallel_loop3A_362 = vector.shape_cast %broadcast_in_dim3A_3 : vector<16xi32> to vector<16x1xi32>
        %parallel_loop3A_363 = vector.shape_cast %parallel_loop3A_362 : vector<16x1xi32> to vector<16xi32>
        %parallel_loop3A_364 = tpu.dynamic_gather %parallel_loop3A_361[%parallel_loop3A_363] in [0] : vector<16xf32>, vector<16xi32> -> vector<16xf32>
        %parallel_loop3A_365 = arith.constant 1.280000e-22 : f32
        %parallel_loop3A_366 = vector.broadcast %parallel_loop3A_365 : f32 to vector<16xf32>
        %parallel_loop3A_367 = arith.maximumf %parallel_loop3A_364, %parallel_loop3A_366 : vector<16xf32>
        %parallel_loop3A_368 = vector.bitcast %parallel_loop3A_367 : vector<16xf32> to vector<16xi32>
        %parallel_loop3A_369 = arith.constant 1 : i32
        %parallel_loop3A_370 = vector.broadcast %parallel_loop3A_369 : i32 to vector<16xi32>
        %parallel_loop3A_371 = arith.shrsi %parallel_loop3A_368, %parallel_loop3A_370 : vector<16xi32>
        %parallel_loop3A_372 = arith.constant 1626823135 : i32
        %parallel_loop3A_373 = vector.broadcast %parallel_loop3A_372 : i32 to vector<16xi32>
        %parallel_loop3A_374 = arith.subi %parallel_loop3A_373, %parallel_loop3A_371 : vector<16xi32>
        %parallel_loop3A_375 = vector.bitcast %parallel_loop3A_374 : vector<16xi32> to vector<16xf32>
        %parallel_loop3A_376 = arith.constant 3.906250e-03 : f32
        %parallel_loop3A_377 = vector.broadcast %parallel_loop3A_376 : f32 to vector<16xf32>
        %parallel_loop3A_378 = arith.mulf %parallel_loop3A_367, %parallel_loop3A_377 : vector<16xf32>
        %parallel_loop3A_379 = arith.mulf %parallel_loop3A_378, %parallel_loop3A_375 : vector<16xf32>
        %parallel_loop3A_380 = arith.mulf %parallel_loop3A_379, %parallel_loop3A_375 : vector<16xf32>
        %parallel_loop3A_381 = arith.constant 1.500000e+00 : f32
        %parallel_loop3A_382 = vector.broadcast %parallel_loop3A_381 : f32 to vector<16xf32>
        %parallel_loop3A_383 = arith.subf %parallel_loop3A_382, %parallel_loop3A_380 : vector<16xf32>
        %parallel_loop3A_384 = arith.mulf %parallel_loop3A_375, %parallel_loop3A_383 : vector<16xf32>
        %parallel_loop3A_385 = arith.mulf %parallel_loop3A_294, %parallel_loop3A_384 : vector<16xf32>
        %parallel_loop3A_386 = arith.constant 0 : i32
        %parallel_loop3A_387 = arith.constant 0 : i32
        %parallel_loop3A_388 = tpu.memref_slice %arg7[%parallel_loop3A_131, %parallel_loop3A_386, %parallel_loop3A_387] : memref<4x64x128xf32, #tpu.memory_space<vmem>> -> memref<1x64x128xf32, #tpu.memory_space<vmem>>
        %parallel_loop3A_389 = tpu.memref_squeeze %parallel_loop3A_388 : memref<1x64x128xf32, #tpu.memory_space<vmem>> -> memref<64x128xf32, #tpu.memory_space<vmem>>
        %parallel_loop3A_390 = arith.index_cast %parallel_loop3A_287 : i32 to index
        %parallel_loop3A_391 = arith.constant 0 : index
        %parallel_loop3A_392 = tpu.vector_load %parallel_loop3A_389[%parallel_loop3A_390, %parallel_loop3A_391] {strides = array<i32>} : memref<64x128xf32, #tpu.memory_space<vmem>>, vector<16xf32>,
        tpu.vector_store %parallel_loop3A_389[%parallel_loop3A_390, %parallel_loop3A_391], %parallel_loop3A_385 {strides = array<i32>} : memref<64x128xf32, #tpu.memory_space<vmem>>, vector<16xf32>,
        %parallel_loop3A_393 = arith.mulf %parallel_loop3A_301, %parallel_loop3A_384 : vector<16xf32>
        %parallel_loop3A_394 = arith.constant 0 : i32
        %parallel_loop3A_395 = arith.constant 0 : i32
        %parallel_loop3A_396 = tpu.memref_slice %arg7[%parallel_loop3A_131, %parallel_loop3A_394, %parallel_loop3A_395] : memref<4x64x128xf32, #tpu.memory_space<vmem>> -> memref<1x64x128xf32, #tpu.memory_space<vmem>>
        %parallel_loop3A_397 = tpu.memref_squeeze %parallel_loop3A_396 : memref<1x64x128xf32, #tpu.memory_space<vmem>> -> memref<64x128xf32, #tpu.memory_space<vmem>>
        %parallel_loop3A_398 = arith.index_cast %parallel_loop3A_287 : i32 to index
        %parallel_loop3A_399 = arith.constant 16 : index
        %parallel_loop3A_400 = tpu.vector_load %parallel_loop3A_397[%parallel_loop3A_398, %parallel_loop3A_399] {strides = array<i32>} : memref<64x128xf32, #tpu.memory_space<vmem>>, vector<16xf32>,
        tpu.vector_store %parallel_loop3A_397[%parallel_loop3A_398, %parallel_loop3A_399], %parallel_loop3A_393 {strides = array<i32>} : memref<64x128xf32, #tpu.memory_space<vmem>>, vector<16xf32>,
        %parallel_loop3A_401 = arith.mulf %parallel_loop3A_308, %parallel_loop3A_384 : vector<16xf32>
        %parallel_loop3A_402 = arith.constant 0 : i32
        %parallel_loop3A_403 = arith.constant 0 : i32
        %parallel_loop3A_404 = tpu.memref_slice %arg7[%parallel_loop3A_131, %parallel_loop3A_402, %parallel_loop3A_403] : memref<4x64x128xf32, #tpu.memory_space<vmem>> -> memref<1x64x128xf32, #tpu.memory_space<vmem>>
        %parallel_loop3A_405 = tpu.memref_squeeze %parallel_loop3A_404 : memref<1x64x128xf32, #tpu.memory_space<vmem>> -> memref<64x128xf32, #tpu.memory_space<vmem>>
        %parallel_loop3A_406 = arith.index_cast %parallel_loop3A_287 : i32 to index
        %parallel_loop3A_407 = arith.constant 32 : index
        %parallel_loop3A_408 = tpu.vector_load %parallel_loop3A_405[%parallel_loop3A_406, %parallel_loop3A_407] {strides = array<i32>} : memref<64x128xf32, #tpu.memory_space<vmem>>, vector<16xf32>,
        tpu.vector_store %parallel_loop3A_405[%parallel_loop3A_406, %parallel_loop3A_407], %parallel_loop3A_401 {strides = array<i32>} : memref<64x128xf32, #tpu.memory_space<vmem>>, vector<16xf32>,
        %parallel_loop3A_409 = arith.mulf %parallel_loop3A_315, %parallel_loop3A_384 : vector<16xf32>
        %parallel_loop3A_410 = arith.constant 0 : i32
        %parallel_loop3A_411 = arith.constant 0 : i32
        %parallel_loop3A_412 = tpu.memref_slice %arg7[%parallel_loop3A_131, %parallel_loop3A_410, %parallel_loop3A_411] : memref<4x64x128xf32, #tpu.memory_space<vmem>> -> memref<1x64x128xf32, #tpu.memory_space<vmem>>
        %parallel_loop3A_413 = tpu.memref_squeeze %parallel_loop3A_412 : memref<1x64x128xf32, #tpu.memory_space<vmem>> -> memref<64x128xf32, #tpu.memory_space<vmem>>
        %parallel_loop3A_414 = arith.index_cast %parallel_loop3A_287 : i32 to index
        %parallel_loop3A_415 = arith.constant 48 : index
        %parallel_loop3A_416 = tpu.vector_load %parallel_loop3A_413[%parallel_loop3A_414, %parallel_loop3A_415] {strides = array<i32>} : memref<64x128xf32, #tpu.memory_space<vmem>>, vector<16xf32>,
        tpu.vector_store %parallel_loop3A_413[%parallel_loop3A_414, %parallel_loop3A_415], %parallel_loop3A_409 {strides = array<i32>} : memref<64x128xf32, #tpu.memory_space<vmem>>, vector<16xf32>,
        %parallel_loop3A_417 = arith.mulf %parallel_loop3A_322, %parallel_loop3A_384 : vector<16xf32>
        %parallel_loop3A_418 = arith.constant 0 : i32
        %parallel_loop3A_419 = arith.constant 0 : i32
        %parallel_loop3A_420 = tpu.memref_slice %arg7[%parallel_loop3A_131, %parallel_loop3A_418, %parallel_loop3A_419] : memref<4x64x128xf32, #tpu.memory_space<vmem>> -> memref<1x64x128xf32, #tpu.memory_space<vmem>>
        %parallel_loop3A_421 = tpu.memref_squeeze %parallel_loop3A_420 : memref<1x64x128xf32, #tpu.memory_space<vmem>> -> memref<64x128xf32, #tpu.memory_space<vmem>>
        %parallel_loop3A_422 = arith.index_cast %parallel_loop3A_287 : i32 to index
        %parallel_loop3A_423 = arith.constant 64 : index
        %parallel_loop3A_424 = tpu.vector_load %parallel_loop3A_421[%parallel_loop3A_422, %parallel_loop3A_423] {strides = array<i32>} : memref<64x128xf32, #tpu.memory_space<vmem>>, vector<16xf32>,
        tpu.vector_store %parallel_loop3A_421[%parallel_loop3A_422, %parallel_loop3A_423], %parallel_loop3A_417 {strides = array<i32>} : memref<64x128xf32, #tpu.memory_space<vmem>>, vector<16xf32>,
        %parallel_loop3A_425 = arith.mulf %parallel_loop3A_329, %parallel_loop3A_384 : vector<16xf32>
        %parallel_loop3A_426 = arith.constant 0 : i32
        %parallel_loop3A_427 = arith.constant 0 : i32
        %parallel_loop3A_428 = tpu.memref_slice %arg7[%parallel_loop3A_131, %parallel_loop3A_426, %parallel_loop3A_427] : memref<4x64x128xf32, #tpu.memory_space<vmem>> -> memref<1x64x128xf32, #tpu.memory_space<vmem>>
        %parallel_loop3A_429 = tpu.memref_squeeze %parallel_loop3A_428 : memref<1x64x128xf32, #tpu.memory_space<vmem>> -> memref<64x128xf32, #tpu.memory_space<vmem>>
        %parallel_loop3A_430 = arith.index_cast %parallel_loop3A_287 : i32 to index
        %parallel_loop3A_431 = arith.constant 80 : index
        %parallel_loop3A_432 = tpu.vector_load %parallel_loop3A_429[%parallel_loop3A_430, %parallel_loop3A_431] {strides = array<i32>} : memref<64x128xf32, #tpu.memory_space<vmem>>, vector<16xf32>,
        tpu.vector_store %parallel_loop3A_429[%parallel_loop3A_430, %parallel_loop3A_431], %parallel_loop3A_425 {strides = array<i32>} : memref<64x128xf32, #tpu.memory_space<vmem>>, vector<16xf32>,
        %parallel_loop3A_433 = arith.mulf %parallel_loop3A_336, %parallel_loop3A_384 : vector<16xf32>
        %parallel_loop3A_434 = arith.constant 0 : i32
        %parallel_loop3A_435 = arith.constant 0 : i32
        %parallel_loop3A_436 = tpu.memref_slice %arg7[%parallel_loop3A_131, %parallel_loop3A_434, %parallel_loop3A_435] : memref<4x64x128xf32, #tpu.memory_space<vmem>> -> memref<1x64x128xf32, #tpu.memory_space<vmem>>
        %parallel_loop3A_437 = tpu.memref_squeeze %parallel_loop3A_436 : memref<1x64x128xf32, #tpu.memory_space<vmem>> -> memref<64x128xf32, #tpu.memory_space<vmem>>
        %parallel_loop3A_438 = arith.index_cast %parallel_loop3A_287 : i32 to index
        %parallel_loop3A_439 = arith.constant 96 : index
        %parallel_loop3A_440 = tpu.vector_load %parallel_loop3A_437[%parallel_loop3A_438, %parallel_loop3A_439] {strides = array<i32>} : memref<64x128xf32, #tpu.memory_space<vmem>>, vector<16xf32>,
        tpu.vector_store %parallel_loop3A_437[%parallel_loop3A_438, %parallel_loop3A_439], %parallel_loop3A_433 {strides = array<i32>} : memref<64x128xf32, #tpu.memory_space<vmem>>, vector<16xf32>,
        %parallel_loop3A_441 = arith.mulf %parallel_loop3A_343, %parallel_loop3A_384 : vector<16xf32>
        %parallel_loop3A_442 = arith.constant 0 : i32
        %parallel_loop3A_443 = arith.constant 0 : i32
        %parallel_loop3A_444 = tpu.memref_slice %arg7[%parallel_loop3A_131, %parallel_loop3A_442, %parallel_loop3A_443] : memref<4x64x128xf32, #tpu.memory_space<vmem>> -> memref<1x64x128xf32, #tpu.memory_space<vmem>>
        %parallel_loop3A_445 = tpu.memref_squeeze %parallel_loop3A_444 : memref<1x64x128xf32, #tpu.memory_space<vmem>> -> memref<64x128xf32, #tpu.memory_space<vmem>>
        %parallel_loop3A_446 = arith.index_cast %parallel_loop3A_287 : i32 to index
        %parallel_loop3A_447 = arith.constant 112 : index
        %parallel_loop3A_448 = tpu.vector_load %parallel_loop3A_445[%parallel_loop3A_446, %parallel_loop3A_447] {strides = array<i32>} : memref<64x128xf32, #tpu.memory_space<vmem>>, vector<16xf32>,
        tpu.vector_store %parallel_loop3A_445[%parallel_loop3A_446, %parallel_loop3A_447], %parallel_loop3A_441 {strides = array<i32>} : memref<64x128xf32, #tpu.memory_space<vmem>>, vector<16xf32>,
      } {sc.loop_unroll_factor = 2 : i64, sc.parallel_access}
      %dma_start3A_132 = arith.constant 0 : i32
      %dma_start3A_133 = arith.constant 0 : i32
      %dma_start3A_134 = arith.constant 0 : i32
      %dma_start3A_135 = tpu.memref_slice %arg7[%dma_start3A_132, %dma_start3A_133, %dma_start3A_134] : memref<4x64x128xf32, #tpu.memory_space<vmem>> -> memref<1x64x128xf32, #tpu.memory_space<vmem>>
      %dma_start3A_136 = tpu.memref_squeeze %dma_start3A_135 : memref<1x64x128xf32, #tpu.memory_space<vmem>> -> memref<64x128xf32, #tpu.memory_space<vmem>>
      %dma_start3A_137 = arith.constant 0 : i32
      %dma_start3A_138 = tpu.memref_slice %arg4[%add3A_114, %dma_start3A_137] : memref<819200x128xf32, #tpu.memory_space<hbm>> -> memref<64x128xf32, #tpu.memory_space<hbm>>
      %dma_start3A_139 = arith.constant 0 : i32
      %dma_start3A_140 = tpu.memref_slice %arg4[%add3A_114, %dma_start3A_139] : memref<819200x128xf32, #tpu.memory_space<hbm>> -> memref<64x128xf32, #tpu.memory_space<hbm>>
      %dma_start3A_141 = arith.constant 0 : i32
      %dma_start3A_142 = arith.constant 0 : i32
      %dma_start3A_143 = tpu.memref_slice %arg7[%dma_start3A_132, %dma_start3A_141, %dma_start3A_142] : memref<4x64x128xf32, #tpu.memory_space<vmem>> -> memref<1x64x128xf32, #tpu.memory_space<vmem>>
      %dma_start3A_144 = tpu.memref_squeeze %dma_start3A_143 : memref<1x64x128xf32, #tpu.memory_space<vmem>> -> memref<64x128xf32, #tpu.memory_space<vmem>>
      tpu.enqueue_dma source(%dma_start3A_144 : memref<64x128xf32, #tpu.memory_space<vmem>>) target(%dma_start3A_140 : memref<64x128xf32, #tpu.memory_space<hbm>>) target_semaphore(%arg12 : memref<!tpu.dma_semaphore, #tpu.memory_space<semaphore_mem>>)
      %lt3A = arith.constant 99 : i32
      %lt3A_145 = arith.cmpi slt, %scan3A_107, %lt3A : i32
      %convert_element_type3A_146 = arith.extui %lt3A_145 : i1 to i32
      %cond3A_147 = arith.constant 0 : i32
      %cond3A_148 = arith.cmpi ne, %convert_element_type3A_146, %cond3A_147 : i32
      scf.if %cond3A_148 {
        %add3A_287 = arith.constant 4 : i32
        %add3A_288 = arith.addi %add3A_111, %add3A_287 : i32
        %mul3A_289 = arith.constant 64 : i32
        %mul3A_290 = arith.muli %add3A_288, %mul3A_289 : i32
        %dma_start3A_291 = arith.constant 0 : i32
        %dma_start3A_292 = arith.constant 0 : i32
        %dma_start3A_293 = arith.constant 0 : i32
        %dma_start3A_294 = tpu.memref_slice %arg6[%dma_start3A_291, %dma_start3A_292, %dma_start3A_293] : memref<4x64x128xf32, #tpu.memory_space<vmem>> -> memref<1x64x128xf32, #tpu.memory_space<vmem>>
        %dma_start3A_295 = tpu.memref_squeeze %dma_start3A_294 : memref<1x64x128xf32, #tpu.memory_space<vmem>> -> memref<64x128xf32, #tpu.memory_space<vmem>>
        %dma_start3A_296 = tpu.memref_slice %arg5[%mul3A_290] : memref<25600xi32, #tpu.memory_space<vmem>> -> memref<64xi32, #tpu.memory_space<vmem>>
        %dma_start3A_297 = arith.constant 0 : i32
        %dma_start3A_298 = arith.constant 0 : i32
        %dma_start3A_299 = tpu.memref_slice %arg3[%dma_start3A_297, %dma_start3A_298] : memref<100000x128xf32, #tpu.memory_space<hbm>> -> memref<100000x128xf32, #tpu.memory_space<hbm>>
        tpu.enqueue_indirect_dma source(%dma_start3A_299 : memref<100000x128xf32, #tpu.memory_space<hbm>>) target(%dma_start3A_295 : memref<64x128xf32, #tpu.memory_space<vmem>>) offsets(%dma_start3A_296 : memref<64xi32, #tpu.memory_space<vmem>>) semaphore(%arg8 : memref<!tpu.dma_semaphore, #tpu.memory_space<semaphore_mem>>)
      } else {
      }
      %mul3A_149 = arith.constant 4 : i32
      %mul3A_150 = arith.muli %scan3A_107, %mul3A_149 : i32
      %add3A_151 = arith.constant 1 : i32
      %add3A_152 = arith.addi %mul3A_150, %add3A_151 : i32
      %mul3A_153 = arith.constant 64 : i32
      %mul3A_154 = arith.muli %add3A_152, %mul3A_153 : i32
      %add3A_155 = arith.addi %mul3A_2, %mul3A_154 : i32
      %mul3A_156 = arith.constant 64 : i32
      %mul3A_157 = arith.muli %add3A_152, %mul3A_156 : i32
      %dma_wait3A_158 = arith.constant 1 : i32
      %dma_wait3A_159 = arith.constant 0 : i32
      %dma_wait3A_160 = arith.constant 0 : i32
      %dma_wait3A_161 = tpu.memref_slice %arg6[%dma_wait3A_158, %dma_wait3A_159, %dma_wait3A_160] : memref<4x64x128xf32, #tpu.memory_space<vmem>> -> memref<1x64x128xf32, #tpu.memory_space<vmem>>
      %dma_wait3A_162 = tpu.memref_squeeze %dma_wait3A_161 : memref<1x64x128xf32, #tpu.memory_space<vmem>> -> memref<64x128xf32, #tpu.memory_space<vmem>>
      %dma_wait3A_163 = tpu.memref_slice %arg5[%mul3A_157] : memref<25600xi32, #tpu.memory_space<vmem>> -> memref<64xi32, #tpu.memory_space<vmem>>
      %dma_wait3A_164 = arith.constant 0 : i32
      %dma_wait3A_165 = arith.constant 0 : i32
      %dma_wait3A_166 = tpu.memref_slice %arg3[%dma_wait3A_164, %dma_wait3A_165] : memref<100000x128xf32, #tpu.memory_space<hbm>> -> memref<100000x128xf32, #tpu.memory_space<hbm>>
      tpu.wait_indirect_dma semaphore(%arg9 : memref<!tpu.dma_semaphore, #tpu.memory_space<semaphore_mem>>) src(%dma_wait3A_166 : memref<100000x128xf32, #tpu.memory_space<hbm>>) dst(%dma_wait3A_162 : memref<64x128xf32, #tpu.memory_space<vmem>>)
      %gt3A_167 = arith.constant 0 : i32
      %gt3A_168 = arith.cmpi sgt, %scan3A_107, %gt3A_167 : i32
      %convert_element_type3A_169 = arith.extui %gt3A_168 : i1 to i32
      %cond3A_170 = arith.constant 0 : i32
      %cond3A_171 = arith.cmpi ne, %convert_element_type3A_169, %cond3A_170 : i32
      scf.if %cond3A_171 {
        %dma_wait3A_287 = arith.constant 1 : i32
        %dma_wait3A_288 = arith.constant 0 : i32
        %dma_wait3A_289 = arith.constant 0 : i32
        %dma_wait3A_290 = tpu.memref_slice %arg7[%dma_wait3A_287, %dma_wait3A_288, %dma_wait3A_289] : memref<4x64x128xf32, #tpu.memory_space<vmem>> -> memref<1x64x128xf32, #tpu.memory_space<vmem>>
        %dma_wait3A_291 = tpu.memref_squeeze %dma_wait3A_290 : memref<1x64x128xf32, #tpu.memory_space<vmem>> -> memref<64x128xf32, #tpu.memory_space<vmem>>
        %dma_wait3A_292 = arith.constant 0 : i32
        %dma_wait3A_293 = tpu.memref_slice %arg4[%add3A_155, %dma_wait3A_292] : memref<819200x128xf32, #tpu.memory_space<hbm>> -> memref<64x128xf32, #tpu.memory_space<hbm>>
        %dma_wait3A_294 = arith.constant 0 : i32
        %dma_wait3A_295 = tpu.memref_slice %arg4[%add3A_155, %dma_wait3A_294] : memref<819200x128xf32, #tpu.memory_space<hbm>> -> memref<64x128xf32, #tpu.memory_space<hbm>>
        %dma_wait3A_296 = arith.constant 0 : i32
        %dma_wait3A_297 = arith.constant 0 : i32
        %dma_wait3A_298 = tpu.memref_slice %arg7[%dma_wait3A_287, %dma_wait3A_296, %dma_wait3A_297] : memref<4x64x128xf32, #tpu.memory_space<vmem>> -> memref<1x64x128xf32, #tpu.memory_space<vmem>>
        %dma_wait3A_299 = tpu.memref_squeeze %dma_wait3A_298 : memref<1x64x128xf32, #tpu.memory_space<vmem>> -> memref<64x128xf32, #tpu.memory_space<vmem>>
        tpu.wait_dma2 semaphore(%arg13 : memref<!tpu.dma_semaphore, #tpu.memory_space<semaphore_mem>>) src(%dma_wait3A_299 : memref<64x128xf32, #tpu.memory_space<vmem>>) dst(%dma_wait3A_295 : memref<64x128xf32, #tpu.memory_space<hbm>>)
      } else {
      }
      %parallel_loop3A_172 = arith.constant 0 : i32
      %parallel_loop3A_173 = arith.constant 64 : i32
      %parallel_loop3A_174 = arith.constant 1 : i32
      %parallel_loop3A_175 = arith.constant 1 : i32
      %parallel_loop3A_176 = arith.constant 1 : i32
      scf.for %parallel_loop3A_287 = %parallel_loop3A_172 to %parallel_loop3A_173 step %parallel_loop3A_174  : i32 {
        %parallel_loop3A_288 = arith.constant 0 : i32
        %parallel_loop3A_289 = arith.constant 0 : i32
        %parallel_loop3A_290 = tpu.memref_slice %arg6[%parallel_loop3A_175, %parallel_loop3A_288, %parallel_loop3A_289] : memref<4x64x128xf32, #tpu.memory_space<vmem>> -> memref<1x64x128xf32, #tpu.memory_space<vmem>>
        %parallel_loop3A_291 = tpu.memref_squeeze %parallel_loop3A_290 : memref<1x64x128xf32, #tpu.memory_space<vmem>> -> memref<64x128xf32, #tpu.memory_space<vmem>>
        %parallel_loop3A_292 = arith.index_cast %parallel_loop3A_287 : i32 to index
        %parallel_loop3A_293 = arith.constant 0 : index
        %parallel_loop3A_294 = tpu.vector_load %parallel_loop3A_291[%parallel_loop3A_292, %parallel_loop3A_293] {strides = array<i32>} : memref<64x128xf32, #tpu.memory_space<vmem>>, vector<16xf32>,
        %parallel_loop3A_295 = arith.constant 0 : i32
        %parallel_loop3A_296 = arith.constant 0 : i32
        %parallel_loop3A_297 = tpu.memref_slice %arg6[%parallel_loop3A_175, %parallel_loop3A_295, %parallel_loop3A_296] : memref<4x64x128xf32, #tpu.memory_space<vmem>> -> memref<1x64x128xf32, #tpu.memory_space<vmem>>
        %parallel_loop3A_298 = tpu.memref_squeeze %parallel_loop3A_297 : memref<1x64x128xf32, #tpu.memory_space<vmem>> -> memref<64x128xf32, #tpu.memory_space<vmem>>
        %parallel_loop3A_299 = arith.index_cast %parallel_loop3A_287 : i32 to index
        %parallel_loop3A_300 = arith.constant 16 : index
        %parallel_loop3A_301 = tpu.vector_load %parallel_loop3A_298[%parallel_loop3A_299, %parallel_loop3A_300] {strides = array<i32>} : memref<64x128xf32, #tpu.memory_space<vmem>>, vector<16xf32>,
        %parallel_loop3A_302 = arith.constant 0 : i32
        %parallel_loop3A_303 = arith.constant 0 : i32
        %parallel_loop3A_304 = tpu.memref_slice %arg6[%parallel_loop3A_175, %parallel_loop3A_302, %parallel_loop3A_303] : memref<4x64x128xf32, #tpu.memory_space<vmem>> -> memref<1x64x128xf32, #tpu.memory_space<vmem>>
        %parallel_loop3A_305 = tpu.memref_squeeze %parallel_loop3A_304 : memref<1x64x128xf32, #tpu.memory_space<vmem>> -> memref<64x128xf32, #tpu.memory_space<vmem>>
        %parallel_loop3A_306 = arith.index_cast %parallel_loop3A_287 : i32 to index
        %parallel_loop3A_307 = arith.constant 32 : index
        %parallel_loop3A_308 = tpu.vector_load %parallel_loop3A_305[%parallel_loop3A_306, %parallel_loop3A_307] {strides = array<i32>} : memref<64x128xf32, #tpu.memory_space<vmem>>, vector<16xf32>,
        %parallel_loop3A_309 = arith.constant 0 : i32
        %parallel_loop3A_310 = arith.constant 0 : i32
        %parallel_loop3A_311 = tpu.memref_slice %arg6[%parallel_loop3A_175, %parallel_loop3A_309, %parallel_loop3A_310] : memref<4x64x128xf32, #tpu.memory_space<vmem>> -> memref<1x64x128xf32, #tpu.memory_space<vmem>>
        %parallel_loop3A_312 = tpu.memref_squeeze %parallel_loop3A_311 : memref<1x64x128xf32, #tpu.memory_space<vmem>> -> memref<64x128xf32, #tpu.memory_space<vmem>>
        %parallel_loop3A_313 = arith.index_cast %parallel_loop3A_287 : i32 to index
        %parallel_loop3A_314 = arith.constant 48 : index
        %parallel_loop3A_315 = tpu.vector_load %parallel_loop3A_312[%parallel_loop3A_313, %parallel_loop3A_314] {strides = array<i32>} : memref<64x128xf32, #tpu.memory_space<vmem>>, vector<16xf32>,
        %parallel_loop3A_316 = arith.constant 0 : i32
        %parallel_loop3A_317 = arith.constant 0 : i32
        %parallel_loop3A_318 = tpu.memref_slice %arg6[%parallel_loop3A_175, %parallel_loop3A_316, %parallel_loop3A_317] : memref<4x64x128xf32, #tpu.memory_space<vmem>> -> memref<1x64x128xf32, #tpu.memory_space<vmem>>
        %parallel_loop3A_319 = tpu.memref_squeeze %parallel_loop3A_318 : memref<1x64x128xf32, #tpu.memory_space<vmem>> -> memref<64x128xf32, #tpu.memory_space<vmem>>
        %parallel_loop3A_320 = arith.index_cast %parallel_loop3A_287 : i32 to index
        %parallel_loop3A_321 = arith.constant 64 : index
        %parallel_loop3A_322 = tpu.vector_load %parallel_loop3A_319[%parallel_loop3A_320, %parallel_loop3A_321] {strides = array<i32>} : memref<64x128xf32, #tpu.memory_space<vmem>>, vector<16xf32>,
        %parallel_loop3A_323 = arith.constant 0 : i32
        %parallel_loop3A_324 = arith.constant 0 : i32
        %parallel_loop3A_325 = tpu.memref_slice %arg6[%parallel_loop3A_175, %parallel_loop3A_323, %parallel_loop3A_324] : memref<4x64x128xf32, #tpu.memory_space<vmem>> -> memref<1x64x128xf32, #tpu.memory_space<vmem>>
        %parallel_loop3A_326 = tpu.memref_squeeze %parallel_loop3A_325 : memref<1x64x128xf32, #tpu.memory_space<vmem>> -> memref<64x128xf32, #tpu.memory_space<vmem>>
        %parallel_loop3A_327 = arith.index_cast %parallel_loop3A_287 : i32 to index
        %parallel_loop3A_328 = arith.constant 80 : index
        %parallel_loop3A_329 = tpu.vector_load %parallel_loop3A_326[%parallel_loop3A_327, %parallel_loop3A_328] {strides = array<i32>} : memref<64x128xf32, #tpu.memory_space<vmem>>, vector<16xf32>,
        %parallel_loop3A_330 = arith.constant 0 : i32
        %parallel_loop3A_331 = arith.constant 0 : i32
        %parallel_loop3A_332 = tpu.memref_slice %arg6[%parallel_loop3A_175, %parallel_loop3A_330, %parallel_loop3A_331] : memref<4x64x128xf32, #tpu.memory_space<vmem>> -> memref<1x64x128xf32, #tpu.memory_space<vmem>>
        %parallel_loop3A_333 = tpu.memref_squeeze %parallel_loop3A_332 : memref<1x64x128xf32, #tpu.memory_space<vmem>> -> memref<64x128xf32, #tpu.memory_space<vmem>>
        %parallel_loop3A_334 = arith.index_cast %parallel_loop3A_287 : i32 to index
        %parallel_loop3A_335 = arith.constant 96 : index
        %parallel_loop3A_336 = tpu.vector_load %parallel_loop3A_333[%parallel_loop3A_334, %parallel_loop3A_335] {strides = array<i32>} : memref<64x128xf32, #tpu.memory_space<vmem>>, vector<16xf32>,
        %parallel_loop3A_337 = arith.constant 0 : i32
        %parallel_loop3A_338 = arith.constant 0 : i32
        %parallel_loop3A_339 = tpu.memref_slice %arg6[%parallel_loop3A_175, %parallel_loop3A_337, %parallel_loop3A_338] : memref<4x64x128xf32, #tpu.memory_space<vmem>> -> memref<1x64x128xf32, #tpu.memory_space<vmem>>
        %parallel_loop3A_340 = tpu.memref_squeeze %parallel_loop3A_339 : memref<1x64x128xf32, #tpu.memory_space<vmem>> -> memref<64x128xf32, #tpu.memory_space<vmem>>
        %parallel_loop3A_341 = arith.index_cast %parallel_loop3A_287 : i32 to index
        %parallel_loop3A_342 = arith.constant 112 : index
        %parallel_loop3A_343 = tpu.vector_load %parallel_loop3A_340[%parallel_loop3A_341, %parallel_loop3A_342] {strides = array<i32>} : memref<64x128xf32, #tpu.memory_space<vmem>>, vector<16xf32>,
        %parallel_loop3A_344 = arith.mulf %parallel_loop3A_294, %parallel_loop3A_294 : vector<16xf32>
        %parallel_loop3A_345 = arith.mulf %parallel_loop3A_301, %parallel_loop3A_301 : vector<16xf32>
        %parallel_loop3A_346 = arith.mulf %parallel_loop3A_308, %parallel_loop3A_308 : vector<16xf32>
        %parallel_loop3A_347 = arith.mulf %parallel_loop3A_315, %parallel_loop3A_315 : vector<16xf32>
        %parallel_loop3A_348 = arith.mulf %parallel_loop3A_322, %parallel_loop3A_322 : vector<16xf32>
        %parallel_loop3A_349 = arith.mulf %parallel_loop3A_329, %parallel_loop3A_329 : vector<16xf32>
        %parallel_loop3A_350 = arith.mulf %parallel_loop3A_336, %parallel_loop3A_336 : vector<16xf32>
        %parallel_loop3A_351 = arith.mulf %parallel_loop3A_343, %parallel_loop3A_343 : vector<16xf32>
        %parallel_loop3A_352 = arith.addf %parallel_loop3A_344, %parallel_loop3A_348 : vector<16xf32>
        %parallel_loop3A_353 = arith.addf %parallel_loop3A_345, %parallel_loop3A_349 : vector<16xf32>
        %parallel_loop3A_354 = arith.addf %parallel_loop3A_346, %parallel_loop3A_350 : vector<16xf32>
        %parallel_loop3A_355 = arith.addf %parallel_loop3A_347, %parallel_loop3A_351 : vector<16xf32>
        %parallel_loop3A_356 = arith.addf %parallel_loop3A_352, %parallel_loop3A_354 : vector<16xf32>
        %parallel_loop3A_357 = arith.addf %parallel_loop3A_353, %parallel_loop3A_355 : vector<16xf32>
        %parallel_loop3A_358 = arith.addf %parallel_loop3A_356, %parallel_loop3A_357 : vector<16xf32>
        %parallel_loop3A_359 = arith.constant true
        %parallel_loop3A_360 = vector.broadcast %parallel_loop3A_359 : i1 to vector<16xi1>
        %parallel_loop3A_361 = tpu.scan <sum>, %parallel_loop3A_358 masked %parallel_loop3A_360 : vector<16xf32>, vector<16xi1> -> vector<16xf32>
        %parallel_loop3A_362 = vector.shape_cast %broadcast_in_dim3A_3 : vector<16xi32> to vector<16x1xi32>
        %parallel_loop3A_363 = vector.shape_cast %parallel_loop3A_362 : vector<16x1xi32> to vector<16xi32>
        %parallel_loop3A_364 = tpu.dynamic_gather %parallel_loop3A_361[%parallel_loop3A_363] in [0] : vector<16xf32>, vector<16xi32> -> vector<16xf32>
        %parallel_loop3A_365 = arith.constant 1.280000e-22 : f32
        %parallel_loop3A_366 = vector.broadcast %parallel_loop3A_365 : f32 to vector<16xf32>
        %parallel_loop3A_367 = arith.maximumf %parallel_loop3A_364, %parallel_loop3A_366 : vector<16xf32>
        %parallel_loop3A_368 = vector.bitcast %parallel_loop3A_367 : vector<16xf32> to vector<16xi32>
        %parallel_loop3A_369 = arith.constant 1 : i32
        %parallel_loop3A_370 = vector.broadcast %parallel_loop3A_369 : i32 to vector<16xi32>
        %parallel_loop3A_371 = arith.shrsi %parallel_loop3A_368, %parallel_loop3A_370 : vector<16xi32>
        %parallel_loop3A_372 = arith.constant 1626823135 : i32
        %parallel_loop3A_373 = vector.broadcast %parallel_loop3A_372 : i32 to vector<16xi32>
        %parallel_loop3A_374 = arith.subi %parallel_loop3A_373, %parallel_loop3A_371 : vector<16xi32>
        %parallel_loop3A_375 = vector.bitcast %parallel_loop3A_374 : vector<16xi32> to vector<16xf32>
        %parallel_loop3A_376 = arith.constant 3.906250e-03 : f32
        %parallel_loop3A_377 = vector.broadcast %parallel_loop3A_376 : f32 to vector<16xf32>
        %parallel_loop3A_378 = arith.mulf %parallel_loop3A_367, %parallel_loop3A_377 : vector<16xf32>
        %parallel_loop3A_379 = arith.mulf %parallel_loop3A_378, %parallel_loop3A_375 : vector<16xf32>
        %parallel_loop3A_380 = arith.mulf %parallel_loop3A_379, %parallel_loop3A_375 : vector<16xf32>
        %parallel_loop3A_381 = arith.constant 1.500000e+00 : f32
        %parallel_loop3A_382 = vector.broadcast %parallel_loop3A_381 : f32 to vector<16xf32>
        %parallel_loop3A_383 = arith.subf %parallel_loop3A_382, %parallel_loop3A_380 : vector<16xf32>
        %parallel_loop3A_384 = arith.mulf %parallel_loop3A_375, %parallel_loop3A_383 : vector<16xf32>
        %parallel_loop3A_385 = arith.mulf %parallel_loop3A_294, %parallel_loop3A_384 : vector<16xf32>
        %parallel_loop3A_386 = arith.constant 0 : i32
        %parallel_loop3A_387 = arith.constant 0 : i32
        %parallel_loop3A_388 = tpu.memref_slice %arg7[%parallel_loop3A_176, %parallel_loop3A_386, %parallel_loop3A_387] : memref<4x64x128xf32, #tpu.memory_space<vmem>> -> memref<1x64x128xf32, #tpu.memory_space<vmem>>
        %parallel_loop3A_389 = tpu.memref_squeeze %parallel_loop3A_388 : memref<1x64x128xf32, #tpu.memory_space<vmem>> -> memref<64x128xf32, #tpu.memory_space<vmem>>
        %parallel_loop3A_390 = arith.index_cast %parallel_loop3A_287 : i32 to index
        %parallel_loop3A_391 = arith.constant 0 : index
        %parallel_loop3A_392 = tpu.vector_load %parallel_loop3A_389[%parallel_loop3A_390, %parallel_loop3A_391] {strides = array<i32>} : memref<64x128xf32, #tpu.memory_space<vmem>>, vector<16xf32>,
        tpu.vector_store %parallel_loop3A_389[%parallel_loop3A_390, %parallel_loop3A_391], %parallel_loop3A_385 {strides = array<i32>} : memref<64x128xf32, #tpu.memory_space<vmem>>, vector<16xf32>,
        %parallel_loop3A_393 = arith.mulf %parallel_loop3A_301, %parallel_loop3A_384 : vector<16xf32>
        %parallel_loop3A_394 = arith.constant 0 : i32
        %parallel_loop3A_395 = arith.constant 0 : i32
        %parallel_loop3A_396 = tpu.memref_slice %arg7[%parallel_loop3A_176, %parallel_loop3A_394, %parallel_loop3A_395] : memref<4x64x128xf32, #tpu.memory_space<vmem>> -> memref<1x64x128xf32, #tpu.memory_space<vmem>>
        %parallel_loop3A_397 = tpu.memref_squeeze %parallel_loop3A_396 : memref<1x64x128xf32, #tpu.memory_space<vmem>> -> memref<64x128xf32, #tpu.memory_space<vmem>>
        %parallel_loop3A_398 = arith.index_cast %parallel_loop3A_287 : i32 to index
        %parallel_loop3A_399 = arith.constant 16 : index
        %parallel_loop3A_400 = tpu.vector_load %parallel_loop3A_397[%parallel_loop3A_398, %parallel_loop3A_399] {strides = array<i32>} : memref<64x128xf32, #tpu.memory_space<vmem>>, vector<16xf32>,
        tpu.vector_store %parallel_loop3A_397[%parallel_loop3A_398, %parallel_loop3A_399], %parallel_loop3A_393 {strides = array<i32>} : memref<64x128xf32, #tpu.memory_space<vmem>>, vector<16xf32>,
        %parallel_loop3A_401 = arith.mulf %parallel_loop3A_308, %parallel_loop3A_384 : vector<16xf32>
        %parallel_loop3A_402 = arith.constant 0 : i32
        %parallel_loop3A_403 = arith.constant 0 : i32
        %parallel_loop3A_404 = tpu.memref_slice %arg7[%parallel_loop3A_176, %parallel_loop3A_402, %parallel_loop3A_403] : memref<4x64x128xf32, #tpu.memory_space<vmem>> -> memref<1x64x128xf32, #tpu.memory_space<vmem>>
        %parallel_loop3A_405 = tpu.memref_squeeze %parallel_loop3A_404 : memref<1x64x128xf32, #tpu.memory_space<vmem>> -> memref<64x128xf32, #tpu.memory_space<vmem>>
        %parallel_loop3A_406 = arith.index_cast %parallel_loop3A_287 : i32 to index
        %parallel_loop3A_407 = arith.constant 32 : index
        %parallel_loop3A_408 = tpu.vector_load %parallel_loop3A_405[%parallel_loop3A_406, %parallel_loop3A_407] {strides = array<i32>} : memref<64x128xf32, #tpu.memory_space<vmem>>, vector<16xf32>,
        tpu.vector_store %parallel_loop3A_405[%parallel_loop3A_406, %parallel_loop3A_407], %parallel_loop3A_401 {strides = array<i32>} : memref<64x128xf32, #tpu.memory_space<vmem>>, vector<16xf32>,
        %parallel_loop3A_409 = arith.mulf %parallel_loop3A_315, %parallel_loop3A_384 : vector<16xf32>
        %parallel_loop3A_410 = arith.constant 0 : i32
        %parallel_loop3A_411 = arith.constant 0 : i32
        %parallel_loop3A_412 = tpu.memref_slice %arg7[%parallel_loop3A_176, %parallel_loop3A_410, %parallel_loop3A_411] : memref<4x64x128xf32, #tpu.memory_space<vmem>> -> memref<1x64x128xf32, #tpu.memory_space<vmem>>
        %parallel_loop3A_413 = tpu.memref_squeeze %parallel_loop3A_412 : memref<1x64x128xf32, #tpu.memory_space<vmem>> -> memref<64x128xf32, #tpu.memory_space<vmem>>
        %parallel_loop3A_414 = arith.index_cast %parallel_loop3A_287 : i32 to index
        %parallel_loop3A_415 = arith.constant 48 : index
        %parallel_loop3A_416 = tpu.vector_load %parallel_loop3A_413[%parallel_loop3A_414, %parallel_loop3A_415] {strides = array<i32>} : memref<64x128xf32, #tpu.memory_space<vmem>>, vector<16xf32>,
        tpu.vector_store %parallel_loop3A_413[%parallel_loop3A_414, %parallel_loop3A_415], %parallel_loop3A_409 {strides = array<i32>} : memref<64x128xf32, #tpu.memory_space<vmem>>, vector<16xf32>,
        %parallel_loop3A_417 = arith.mulf %parallel_loop3A_322, %parallel_loop3A_384 : vector<16xf32>
        %parallel_loop3A_418 = arith.constant 0 : i32
        %parallel_loop3A_419 = arith.constant 0 : i32
        %parallel_loop3A_420 = tpu.memref_slice %arg7[%parallel_loop3A_176, %parallel_loop3A_418, %parallel_loop3A_419] : memref<4x64x128xf32, #tpu.memory_space<vmem>> -> memref<1x64x128xf32, #tpu.memory_space<vmem>>
        %parallel_loop3A_421 = tpu.memref_squeeze %parallel_loop3A_420 : memref<1x64x128xf32, #tpu.memory_space<vmem>> -> memref<64x128xf32, #tpu.memory_space<vmem>>
        %parallel_loop3A_422 = arith.index_cast %parallel_loop3A_287 : i32 to index
        %parallel_loop3A_423 = arith.constant 64 : index
        %parallel_loop3A_424 = tpu.vector_load %parallel_loop3A_421[%parallel_loop3A_422, %parallel_loop3A_423] {strides = array<i32>} : memref<64x128xf32, #tpu.memory_space<vmem>>, vector<16xf32>,
        tpu.vector_store %parallel_loop3A_421[%parallel_loop3A_422, %parallel_loop3A_423], %parallel_loop3A_417 {strides = array<i32>} : memref<64x128xf32, #tpu.memory_space<vmem>>, vector<16xf32>,
        %parallel_loop3A_425 = arith.mulf %parallel_loop3A_329, %parallel_loop3A_384 : vector<16xf32>
        %parallel_loop3A_426 = arith.constant 0 : i32
        %parallel_loop3A_427 = arith.constant 0 : i32
        %parallel_loop3A_428 = tpu.memref_slice %arg7[%parallel_loop3A_176, %parallel_loop3A_426, %parallel_loop3A_427] : memref<4x64x128xf32, #tpu.memory_space<vmem>> -> memref<1x64x128xf32, #tpu.memory_space<vmem>>
        %parallel_loop3A_429 = tpu.memref_squeeze %parallel_loop3A_428 : memref<1x64x128xf32, #tpu.memory_space<vmem>> -> memref<64x128xf32, #tpu.memory_space<vmem>>
        %parallel_loop3A_430 = arith.index_cast %parallel_loop3A_287 : i32 to index
        %parallel_loop3A_431 = arith.constant 80 : index
        %parallel_loop3A_432 = tpu.vector_load %parallel_loop3A_429[%parallel_loop3A_430, %parallel_loop3A_431] {strides = array<i32>} : memref<64x128xf32, #tpu.memory_space<vmem>>, vector<16xf32>,
        tpu.vector_store %parallel_loop3A_429[%parallel_loop3A_430, %parallel_loop3A_431], %parallel_loop3A_425 {strides = array<i32>} : memref<64x128xf32, #tpu.memory_space<vmem>>, vector<16xf32>,
        %parallel_loop3A_433 = arith.mulf %parallel_loop3A_336, %parallel_loop3A_384 : vector<16xf32>
        %parallel_loop3A_434 = arith.constant 0 : i32
        %parallel_loop3A_435 = arith.constant 0 : i32
        %parallel_loop3A_436 = tpu.memref_slice %arg7[%parallel_loop3A_176, %parallel_loop3A_434, %parallel_loop3A_435] : memref<4x64x128xf32, #tpu.memory_space<vmem>> -> memref<1x64x128xf32, #tpu.memory_space<vmem>>
        %parallel_loop3A_437 = tpu.memref_squeeze %parallel_loop3A_436 : memref<1x64x128xf32, #tpu.memory_space<vmem>> -> memref<64x128xf32, #tpu.memory_space<vmem>>
        %parallel_loop3A_438 = arith.index_cast %parallel_loop3A_287 : i32 to index
        %parallel_loop3A_439 = arith.constant 96 : index
        %parallel_loop3A_440 = tpu.vector_load %parallel_loop3A_437[%parallel_loop3A_438, %parallel_loop3A_439] {strides = array<i32>} : memref<64x128xf32, #tpu.memory_space<vmem>>, vector<16xf32>,
        tpu.vector_store %parallel_loop3A_437[%parallel_loop3A_438, %parallel_loop3A_439], %parallel_loop3A_433 {strides = array<i32>} : memref<64x128xf32, #tpu.memory_space<vmem>>, vector<16xf32>,
        %parallel_loop3A_441 = arith.mulf %parallel_loop3A_343, %parallel_loop3A_384 : vector<16xf32>
        %parallel_loop3A_442 = arith.constant 0 : i32
        %parallel_loop3A_443 = arith.constant 0 : i32
        %parallel_loop3A_444 = tpu.memref_slice %arg7[%parallel_loop3A_176, %parallel_loop3A_442, %parallel_loop3A_443] : memref<4x64x128xf32, #tpu.memory_space<vmem>> -> memref<1x64x128xf32, #tpu.memory_space<vmem>>
        %parallel_loop3A_445 = tpu.memref_squeeze %parallel_loop3A_444 : memref<1x64x128xf32, #tpu.memory_space<vmem>> -> memref<64x128xf32, #tpu.memory_space<vmem>>
        %parallel_loop3A_446 = arith.index_cast %parallel_loop3A_287 : i32 to index
        %parallel_loop3A_447 = arith.constant 112 : index
        %parallel_loop3A_448 = tpu.vector_load %parallel_loop3A_445[%parallel_loop3A_446, %parallel_loop3A_447] {strides = array<i32>} : memref<64x128xf32, #tpu.memory_space<vmem>>, vector<16xf32>,
        tpu.vector_store %parallel_loop3A_445[%parallel_loop3A_446, %parallel_loop3A_447], %parallel_loop3A_441 {strides = array<i32>} : memref<64x128xf32, #tpu.memory_space<vmem>>, vector<16xf32>,
      } {sc.loop_unroll_factor = 2 : i64, sc.parallel_access}
      %dma_start3A_177 = arith.constant 1 : i32
      %dma_start3A_178 = arith.constant 0 : i32
      %dma_start3A_179 = arith.constant 0 : i32
      %dma_start3A_180 = tpu.memref_slice %arg7[%dma_start3A_177, %dma_start3A_178, %dma_start3A_179] : memref<4x64x128xf32, #tpu.memory_space<vmem>> -> memref<1x64x128xf32, #tpu.memory_space<vmem>>
      %dma_start3A_181 = tpu.memref_squeeze %dma_start3A_180 : memref<1x64x128xf32, #tpu.memory_space<vmem>> -> memref<64x128xf32, #tpu.memory_space<vmem>>
      %dma_start3A_182 = arith.constant 0 : i32
      %dma_start3A_183 = tpu.memref_slice %arg4[%add3A_155, %dma_start3A_182] : memref<819200x128xf32, #tpu.memory_space<hbm>> -> memref<64x128xf32, #tpu.memory_space<hbm>>
      %dma_start3A_184 = arith.constant 0 : i32
      %dma_start3A_185 = tpu.memref_slice %arg4[%add3A_155, %dma_start3A_184] : memref<819200x128xf32, #tpu.memory_space<hbm>> -> memref<64x128xf32, #tpu.memory_space<hbm>>
      %dma_start3A_186 = arith.constant 0 : i32
      %dma_start3A_187 = arith.constant 0 : i32
      %dma_start3A_188 = tpu.memref_slice %arg7[%dma_start3A_177, %dma_start3A_186, %dma_start3A_187] : memref<4x64x128xf32, #tpu.memory_space<vmem>> -> memref<1x64x128xf32, #tpu.memory_space<vmem>>
      %dma_start3A_189 = tpu.memref_squeeze %dma_start3A_188 : memref<1x64x128xf32, #tpu.memory_space<vmem>> -> memref<64x128xf32, #tpu.memory_space<vmem>>
      tpu.enqueue_dma source(%dma_start3A_189 : memref<64x128xf32, #tpu.memory_space<vmem>>) target(%dma_start3A_185 : memref<64x128xf32, #tpu.memory_space<hbm>>) target_semaphore(%arg13 : memref<!tpu.dma_semaphore, #tpu.memory_space<semaphore_mem>>)
      %lt3A_190 = arith.constant 99 : i32
      %lt3A_191 = arith.cmpi slt, %scan3A_107, %lt3A_190 : i32
      %convert_element_type3A_192 = arith.extui %lt3A_191 : i1 to i32
      %cond3A_193 = arith.constant 0 : i32
      %cond3A_194 = arith.cmpi ne, %convert_element_type3A_192, %cond3A_193 : i32
      scf.if %cond3A_194 {
        %add3A_287 = arith.constant 4 : i32
        %add3A_288 = arith.addi %add3A_152, %add3A_287 : i32
        %mul3A_289 = arith.constant 64 : i32
        %mul3A_290 = arith.muli %add3A_288, %mul3A_289 : i32
        %dma_start3A_291 = arith.constant 1 : i32
        %dma_start3A_292 = arith.constant 0 : i32
        %dma_start3A_293 = arith.constant 0 : i32
        %dma_start3A_294 = tpu.memref_slice %arg6[%dma_start3A_291, %dma_start3A_292, %dma_start3A_293] : memref<4x64x128xf32, #tpu.memory_space<vmem>> -> memref<1x64x128xf32, #tpu.memory_space<vmem>>
        %dma_start3A_295 = tpu.memref_squeeze %dma_start3A_294 : memref<1x64x128xf32, #tpu.memory_space<vmem>> -> memref<64x128xf32, #tpu.memory_space<vmem>>
        %dma_start3A_296 = tpu.memref_slice %arg5[%mul3A_290] : memref<25600xi32, #tpu.memory_space<vmem>> -> memref<64xi32, #tpu.memory_space<vmem>>
        %dma_start3A_297 = arith.constant 0 : i32
        %dma_start3A_298 = arith.constant 0 : i32
        %dma_start3A_299 = tpu.memref_slice %arg3[%dma_start3A_297, %dma_start3A_298] : memref<100000x128xf32, #tpu.memory_space<hbm>> -> memref<100000x128xf32, #tpu.memory_space<hbm>>
        tpu.enqueue_indirect_dma source(%dma_start3A_299 : memref<100000x128xf32, #tpu.memory_space<hbm>>) target(%dma_start3A_295 : memref<64x128xf32, #tpu.memory_space<vmem>>) offsets(%dma_start3A_296 : memref<64xi32, #tpu.memory_space<vmem>>) semaphore(%arg9 : memref<!tpu.dma_semaphore, #tpu.memory_space<semaphore_mem>>)
      } else {
      }
      %mul3A_195 = arith.constant 4 : i32
      %mul3A_196 = arith.muli %scan3A_107, %mul3A_195 : i32
      %add3A_197 = arith.constant 2 : i32
      %add3A_198 = arith.addi %mul3A_196, %add3A_197 : i32
      %mul3A_199 = arith.constant 64 : i32
      %mul3A_200 = arith.muli %add3A_198, %mul3A_199 : i32
      %add3A_201 = arith.addi %mul3A_2, %mul3A_200 : i32
      %mul3A_202 = arith.constant 64 : i32
      %mul3A_203 = arith.muli %add3A_198, %mul3A_202 : i32
      %dma_wait3A_204 = arith.constant 2 : i32
      %dma_wait3A_205 = arith.constant 0 : i32
      %dma_wait3A_206 = arith.constant 0 : i32
      %dma_wait3A_207 = tpu.memref_slice %arg6[%dma_wait3A_204, %dma_wait3A_205, %dma_wait3A_206] : memref<4x64x128xf32, #tpu.memory_space<vmem>> -> memref<1x64x128xf32, #tpu.memory_space<vmem>>
      %dma_wait3A_208 = tpu.memref_squeeze %dma_wait3A_207 : memref<1x64x128xf32, #tpu.memory_space<vmem>> -> memref<64x128xf32, #tpu.memory_space<vmem>>
      %dma_wait3A_209 = tpu.memref_slice %arg5[%mul3A_203] : memref<25600xi32, #tpu.memory_space<vmem>> -> memref<64xi32, #tpu.memory_space<vmem>>
      %dma_wait3A_210 = arith.constant 0 : i32
      %dma_wait3A_211 = arith.constant 0 : i32
      %dma_wait3A_212 = tpu.memref_slice %arg3[%dma_wait3A_210, %dma_wait3A_211] : memref<100000x128xf32, #tpu.memory_space<hbm>> -> memref<100000x128xf32, #tpu.memory_space<hbm>>
      tpu.wait_indirect_dma semaphore(%arg10 : memref<!tpu.dma_semaphore, #tpu.memory_space<semaphore_mem>>) src(%dma_wait3A_212 : memref<100000x128xf32, #tpu.memory_space<hbm>>) dst(%dma_wait3A_208 : memref<64x128xf32, #tpu.memory_space<vmem>>)
      %gt3A_213 = arith.constant 0 : i32
      %gt3A_214 = arith.cmpi sgt, %scan3A_107, %gt3A_213 : i32
      %convert_element_type3A_215 = arith.extui %gt3A_214 : i1 to i32
      %cond3A_216 = arith.constant 0 : i32
      %cond3A_217 = arith.cmpi ne, %convert_element_type3A_215, %cond3A_216 : i32
      scf.if %cond3A_217 {
        %dma_wait3A_287 = arith.constant 2 : i32
        %dma_wait3A_288 = arith.constant 0 : i32
        %dma_wait3A_289 = arith.constant 0 : i32
        %dma_wait3A_290 = tpu.memref_slice %arg7[%dma_wait3A_287, %dma_wait3A_288, %dma_wait3A_289] : memref<4x64x128xf32, #tpu.memory_space<vmem>> -> memref<1x64x128xf32, #tpu.memory_space<vmem>>
        %dma_wait3A_291 = tpu.memref_squeeze %dma_wait3A_290 : memref<1x64x128xf32, #tpu.memory_space<vmem>> -> memref<64x128xf32, #tpu.memory_space<vmem>>
        %dma_wait3A_292 = arith.constant 0 : i32
        %dma_wait3A_293 = tpu.memref_slice %arg4[%add3A_201, %dma_wait3A_292] : memref<819200x128xf32, #tpu.memory_space<hbm>> -> memref<64x128xf32, #tpu.memory_space<hbm>>
        %dma_wait3A_294 = arith.constant 0 : i32
        %dma_wait3A_295 = tpu.memref_slice %arg4[%add3A_201, %dma_wait3A_294] : memref<819200x128xf32, #tpu.memory_space<hbm>> -> memref<64x128xf32, #tpu.memory_space<hbm>>
        %dma_wait3A_296 = arith.constant 0 : i32
        %dma_wait3A_297 = arith.constant 0 : i32
        %dma_wait3A_298 = tpu.memref_slice %arg7[%dma_wait3A_287, %dma_wait3A_296, %dma_wait3A_297] : memref<4x64x128xf32, #tpu.memory_space<vmem>> -> memref<1x64x128xf32, #tpu.memory_space<vmem>>
        %dma_wait3A_299 = tpu.memref_squeeze %dma_wait3A_298 : memref<1x64x128xf32, #tpu.memory_space<vmem>> -> memref<64x128xf32, #tpu.memory_space<vmem>>
        tpu.wait_dma2 semaphore(%arg14 : memref<!tpu.dma_semaphore, #tpu.memory_space<semaphore_mem>>) src(%dma_wait3A_299 : memref<64x128xf32, #tpu.memory_space<vmem>>) dst(%dma_wait3A_295 : memref<64x128xf32, #tpu.memory_space<hbm>>)
      } else {
      }
      %parallel_loop3A_218 = arith.constant 0 : i32
      %parallel_loop3A_219 = arith.constant 64 : i32
      %parallel_loop3A_220 = arith.constant 1 : i32
      %parallel_loop3A_221 = arith.constant 2 : i32
      %parallel_loop3A_222 = arith.constant 2 : i32
      scf.for %parallel_loop3A_287 = %parallel_loop3A_218 to %parallel_loop3A_219 step %parallel_loop3A_220  : i32 {
        %parallel_loop3A_288 = arith.constant 0 : i32
        %parallel_loop3A_289 = arith.constant 0 : i32
        %parallel_loop3A_290 = tpu.memref_slice %arg6[%parallel_loop3A_221, %parallel_loop3A_288, %parallel_loop3A_289] : memref<4x64x128xf32, #tpu.memory_space<vmem>> -> memref<1x64x128xf32, #tpu.memory_space<vmem>>
        %parallel_loop3A_291 = tpu.memref_squeeze %parallel_loop3A_290 : memref<1x64x128xf32, #tpu.memory_space<vmem>> -> memref<64x128xf32, #tpu.memory_space<vmem>>
        %parallel_loop3A_292 = arith.index_cast %parallel_loop3A_287 : i32 to index
        %parallel_loop3A_293 = arith.constant 0 : index
        %parallel_loop3A_294 = tpu.vector_load %parallel_loop3A_291[%parallel_loop3A_292, %parallel_loop3A_293] {strides = array<i32>} : memref<64x128xf32, #tpu.memory_space<vmem>>, vector<16xf32>,
        %parallel_loop3A_295 = arith.constant 0 : i32
        %parallel_loop3A_296 = arith.constant 0 : i32
        %parallel_loop3A_297 = tpu.memref_slice %arg6[%parallel_loop3A_221, %parallel_loop3A_295, %parallel_loop3A_296] : memref<4x64x128xf32, #tpu.memory_space<vmem>> -> memref<1x64x128xf32, #tpu.memory_space<vmem>>
        %parallel_loop3A_298 = tpu.memref_squeeze %parallel_loop3A_297 : memref<1x64x128xf32, #tpu.memory_space<vmem>> -> memref<64x128xf32, #tpu.memory_space<vmem>>
        %parallel_loop3A_299 = arith.index_cast %parallel_loop3A_287 : i32 to index
        %parallel_loop3A_300 = arith.constant 16 : index
        %parallel_loop3A_301 = tpu.vector_load %parallel_loop3A_298[%parallel_loop3A_299, %parallel_loop3A_300] {strides = array<i32>} : memref<64x128xf32, #tpu.memory_space<vmem>>, vector<16xf32>,
        %parallel_loop3A_302 = arith.constant 0 : i32
        %parallel_loop3A_303 = arith.constant 0 : i32
        %parallel_loop3A_304 = tpu.memref_slice %arg6[%parallel_loop3A_221, %parallel_loop3A_302, %parallel_loop3A_303] : memref<4x64x128xf32, #tpu.memory_space<vmem>> -> memref<1x64x128xf32, #tpu.memory_space<vmem>>
        %parallel_loop3A_305 = tpu.memref_squeeze %parallel_loop3A_304 : memref<1x64x128xf32, #tpu.memory_space<vmem>> -> memref<64x128xf32, #tpu.memory_space<vmem>>
        %parallel_loop3A_306 = arith.index_cast %parallel_loop3A_287 : i32 to index
        %parallel_loop3A_307 = arith.constant 32 : index
        %parallel_loop3A_308 = tpu.vector_load %parallel_loop3A_305[%parallel_loop3A_306, %parallel_loop3A_307] {strides = array<i32>} : memref<64x128xf32, #tpu.memory_space<vmem>>, vector<16xf32>,
        %parallel_loop3A_309 = arith.constant 0 : i32
        %parallel_loop3A_310 = arith.constant 0 : i32
        %parallel_loop3A_311 = tpu.memref_slice %arg6[%parallel_loop3A_221, %parallel_loop3A_309, %parallel_loop3A_310] : memref<4x64x128xf32, #tpu.memory_space<vmem>> -> memref<1x64x128xf32, #tpu.memory_space<vmem>>
        %parallel_loop3A_312 = tpu.memref_squeeze %parallel_loop3A_311 : memref<1x64x128xf32, #tpu.memory_space<vmem>> -> memref<64x128xf32, #tpu.memory_space<vmem>>
        %parallel_loop3A_313 = arith.index_cast %parallel_loop3A_287 : i32 to index
        %parallel_loop3A_314 = arith.constant 48 : index
        %parallel_loop3A_315 = tpu.vector_load %parallel_loop3A_312[%parallel_loop3A_313, %parallel_loop3A_314] {strides = array<i32>} : memref<64x128xf32, #tpu.memory_space<vmem>>, vector<16xf32>,
        %parallel_loop3A_316 = arith.constant 0 : i32
        %parallel_loop3A_317 = arith.constant 0 : i32
        %parallel_loop3A_318 = tpu.memref_slice %arg6[%parallel_loop3A_221, %parallel_loop3A_316, %parallel_loop3A_317] : memref<4x64x128xf32, #tpu.memory_space<vmem>> -> memref<1x64x128xf32, #tpu.memory_space<vmem>>
        %parallel_loop3A_319 = tpu.memref_squeeze %parallel_loop3A_318 : memref<1x64x128xf32, #tpu.memory_space<vmem>> -> memref<64x128xf32, #tpu.memory_space<vmem>>
        %parallel_loop3A_320 = arith.index_cast %parallel_loop3A_287 : i32 to index
        %parallel_loop3A_321 = arith.constant 64 : index
        %parallel_loop3A_322 = tpu.vector_load %parallel_loop3A_319[%parallel_loop3A_320, %parallel_loop3A_321] {strides = array<i32>} : memref<64x128xf32, #tpu.memory_space<vmem>>, vector<16xf32>,
        %parallel_loop3A_323 = arith.constant 0 : i32
        %parallel_loop3A_324 = arith.constant 0 : i32
        %parallel_loop3A_325 = tpu.memref_slice %arg6[%parallel_loop3A_221, %parallel_loop3A_323, %parallel_loop3A_324] : memref<4x64x128xf32, #tpu.memory_space<vmem>> -> memref<1x64x128xf32, #tpu.memory_space<vmem>>
        %parallel_loop3A_326 = tpu.memref_squeeze %parallel_loop3A_325 : memref<1x64x128xf32, #tpu.memory_space<vmem>> -> memref<64x128xf32, #tpu.memory_space<vmem>>
        %parallel_loop3A_327 = arith.index_cast %parallel_loop3A_287 : i32 to index
        %parallel_loop3A_328 = arith.constant 80 : index
        %parallel_loop3A_329 = tpu.vector_load %parallel_loop3A_326[%parallel_loop3A_327, %parallel_loop3A_328] {strides = array<i32>} : memref<64x128xf32, #tpu.memory_space<vmem>>, vector<16xf32>,
        %parallel_loop3A_330 = arith.constant 0 : i32
        %parallel_loop3A_331 = arith.constant 0 : i32
        %parallel_loop3A_332 = tpu.memref_slice %arg6[%parallel_loop3A_221, %parallel_loop3A_330, %parallel_loop3A_331] : memref<4x64x128xf32, #tpu.memory_space<vmem>> -> memref<1x64x128xf32, #tpu.memory_space<vmem>>
        %parallel_loop3A_333 = tpu.memref_squeeze %parallel_loop3A_332 : memref<1x64x128xf32, #tpu.memory_space<vmem>> -> memref<64x128xf32, #tpu.memory_space<vmem>>
        %parallel_loop3A_334 = arith.index_cast %parallel_loop3A_287 : i32 to index
        %parallel_loop3A_335 = arith.constant 96 : index
        %parallel_loop3A_336 = tpu.vector_load %parallel_loop3A_333[%parallel_loop3A_334, %parallel_loop3A_335] {strides = array<i32>} : memref<64x128xf32, #tpu.memory_space<vmem>>, vector<16xf32>,
        %parallel_loop3A_337 = arith.constant 0 : i32
        %parallel_loop3A_338 = arith.constant 0 : i32
        %parallel_loop3A_339 = tpu.memref_slice %arg6[%parallel_loop3A_221, %parallel_loop3A_337, %parallel_loop3A_338] : memref<4x64x128xf32, #tpu.memory_space<vmem>> -> memref<1x64x128xf32, #tpu.memory_space<vmem>>
        %parallel_loop3A_340 = tpu.memref_squeeze %parallel_loop3A_339 : memref<1x64x128xf32, #tpu.memory_space<vmem>> -> memref<64x128xf32, #tpu.memory_space<vmem>>
        %parallel_loop3A_341 = arith.index_cast %parallel_loop3A_287 : i32 to index
        %parallel_loop3A_342 = arith.constant 112 : index
        %parallel_loop3A_343 = tpu.vector_load %parallel_loop3A_340[%parallel_loop3A_341, %parallel_loop3A_342] {strides = array<i32>} : memref<64x128xf32, #tpu.memory_space<vmem>>, vector<16xf32>,
        %parallel_loop3A_344 = arith.mulf %parallel_loop3A_294, %parallel_loop3A_294 : vector<16xf32>
        %parallel_loop3A_345 = arith.mulf %parallel_loop3A_301, %parallel_loop3A_301 : vector<16xf32>
        %parallel_loop3A_346 = arith.mulf %parallel_loop3A_308, %parallel_loop3A_308 : vector<16xf32>
        %parallel_loop3A_347 = arith.mulf %parallel_loop3A_315, %parallel_loop3A_315 : vector<16xf32>
        %parallel_loop3A_348 = arith.mulf %parallel_loop3A_322, %parallel_loop3A_322 : vector<16xf32>
        %parallel_loop3A_349 = arith.mulf %parallel_loop3A_329, %parallel_loop3A_329 : vector<16xf32>
        %parallel_loop3A_350 = arith.mulf %parallel_loop3A_336, %parallel_loop3A_336 : vector<16xf32>
        %parallel_loop3A_351 = arith.mulf %parallel_loop3A_343, %parallel_loop3A_343 : vector<16xf32>
        %parallel_loop3A_352 = arith.addf %parallel_loop3A_344, %parallel_loop3A_348 : vector<16xf32>
        %parallel_loop3A_353 = arith.addf %parallel_loop3A_345, %parallel_loop3A_349 : vector<16xf32>
        %parallel_loop3A_354 = arith.addf %parallel_loop3A_346, %parallel_loop3A_350 : vector<16xf32>
        %parallel_loop3A_355 = arith.addf %parallel_loop3A_347, %parallel_loop3A_351 : vector<16xf32>
        %parallel_loop3A_356 = arith.addf %parallel_loop3A_352, %parallel_loop3A_354 : vector<16xf32>
        %parallel_loop3A_357 = arith.addf %parallel_loop3A_353, %parallel_loop3A_355 : vector<16xf32>
        %parallel_loop3A_358 = arith.addf %parallel_loop3A_356, %parallel_loop3A_357 : vector<16xf32>
        %parallel_loop3A_359 = arith.constant true
        %parallel_loop3A_360 = vector.broadcast %parallel_loop3A_359 : i1 to vector<16xi1>
        %parallel_loop3A_361 = tpu.scan <sum>, %parallel_loop3A_358 masked %parallel_loop3A_360 : vector<16xf32>, vector<16xi1> -> vector<16xf32>
        %parallel_loop3A_362 = vector.shape_cast %broadcast_in_dim3A_3 : vector<16xi32> to vector<16x1xi32>
        %parallel_loop3A_363 = vector.shape_cast %parallel_loop3A_362 : vector<16x1xi32> to vector<16xi32>
        %parallel_loop3A_364 = tpu.dynamic_gather %parallel_loop3A_361[%parallel_loop3A_363] in [0] : vector<16xf32>, vector<16xi32> -> vector<16xf32>
        %parallel_loop3A_365 = arith.constant 1.280000e-22 : f32
        %parallel_loop3A_366 = vector.broadcast %parallel_loop3A_365 : f32 to vector<16xf32>
        %parallel_loop3A_367 = arith.maximumf %parallel_loop3A_364, %parallel_loop3A_366 : vector<16xf32>
        %parallel_loop3A_368 = vector.bitcast %parallel_loop3A_367 : vector<16xf32> to vector<16xi32>
        %parallel_loop3A_369 = arith.constant 1 : i32
        %parallel_loop3A_370 = vector.broadcast %parallel_loop3A_369 : i32 to vector<16xi32>
        %parallel_loop3A_371 = arith.shrsi %parallel_loop3A_368, %parallel_loop3A_370 : vector<16xi32>
        %parallel_loop3A_372 = arith.constant 1626823135 : i32
        %parallel_loop3A_373 = vector.broadcast %parallel_loop3A_372 : i32 to vector<16xi32>
        %parallel_loop3A_374 = arith.subi %parallel_loop3A_373, %parallel_loop3A_371 : vector<16xi32>
        %parallel_loop3A_375 = vector.bitcast %parallel_loop3A_374 : vector<16xi32> to vector<16xf32>
        %parallel_loop3A_376 = arith.constant 3.906250e-03 : f32
        %parallel_loop3A_377 = vector.broadcast %parallel_loop3A_376 : f32 to vector<16xf32>
        %parallel_loop3A_378 = arith.mulf %parallel_loop3A_367, %parallel_loop3A_377 : vector<16xf32>
        %parallel_loop3A_379 = arith.mulf %parallel_loop3A_378, %parallel_loop3A_375 : vector<16xf32>
        %parallel_loop3A_380 = arith.mulf %parallel_loop3A_379, %parallel_loop3A_375 : vector<16xf32>
        %parallel_loop3A_381 = arith.constant 1.500000e+00 : f32
        %parallel_loop3A_382 = vector.broadcast %parallel_loop3A_381 : f32 to vector<16xf32>
        %parallel_loop3A_383 = arith.subf %parallel_loop3A_382, %parallel_loop3A_380 : vector<16xf32>
        %parallel_loop3A_384 = arith.mulf %parallel_loop3A_375, %parallel_loop3A_383 : vector<16xf32>
        %parallel_loop3A_385 = arith.mulf %parallel_loop3A_294, %parallel_loop3A_384 : vector<16xf32>
        %parallel_loop3A_386 = arith.constant 0 : i32
        %parallel_loop3A_387 = arith.constant 0 : i32
        %parallel_loop3A_388 = tpu.memref_slice %arg7[%parallel_loop3A_222, %parallel_loop3A_386, %parallel_loop3A_387] : memref<4x64x128xf32, #tpu.memory_space<vmem>> -> memref<1x64x128xf32, #tpu.memory_space<vmem>>
        %parallel_loop3A_389 = tpu.memref_squeeze %parallel_loop3A_388 : memref<1x64x128xf32, #tpu.memory_space<vmem>> -> memref<64x128xf32, #tpu.memory_space<vmem>>
        %parallel_loop3A_390 = arith.index_cast %parallel_loop3A_287 : i32 to index
        %parallel_loop3A_391 = arith.constant 0 : index
        %parallel_loop3A_392 = tpu.vector_load %parallel_loop3A_389[%parallel_loop3A_390, %parallel_loop3A_391] {strides = array<i32>} : memref<64x128xf32, #tpu.memory_space<vmem>>, vector<16xf32>,
        tpu.vector_store %parallel_loop3A_389[%parallel_loop3A_390, %parallel_loop3A_391], %parallel_loop3A_385 {strides = array<i32>} : memref<64x128xf32, #tpu.memory_space<vmem>>, vector<16xf32>,
        %parallel_loop3A_393 = arith.mulf %parallel_loop3A_301, %parallel_loop3A_384 : vector<16xf32>
        %parallel_loop3A_394 = arith.constant 0 : i32
        %parallel_loop3A_395 = arith.constant 0 : i32
        %parallel_loop3A_396 = tpu.memref_slice %arg7[%parallel_loop3A_222, %parallel_loop3A_394, %parallel_loop3A_395] : memref<4x64x128xf32, #tpu.memory_space<vmem>> -> memref<1x64x128xf32, #tpu.memory_space<vmem>>
        %parallel_loop3A_397 = tpu.memref_squeeze %parallel_loop3A_396 : memref<1x64x128xf32, #tpu.memory_space<vmem>> -> memref<64x128xf32, #tpu.memory_space<vmem>>
        %parallel_loop3A_398 = arith.index_cast %parallel_loop3A_287 : i32 to index
        %parallel_loop3A_399 = arith.constant 16 : index
        %parallel_loop3A_400 = tpu.vector_load %parallel_loop3A_397[%parallel_loop3A_398, %parallel_loop3A_399] {strides = array<i32>} : memref<64x128xf32, #tpu.memory_space<vmem>>, vector<16xf32>,
        tpu.vector_store %parallel_loop3A_397[%parallel_loop3A_398, %parallel_loop3A_399], %parallel_loop3A_393 {strides = array<i32>} : memref<64x128xf32, #tpu.memory_space<vmem>>, vector<16xf32>,
        %parallel_loop3A_401 = arith.mulf %parallel_loop3A_308, %parallel_loop3A_384 : vector<16xf32>
        %parallel_loop3A_402 = arith.constant 0 : i32
        %parallel_loop3A_403 = arith.constant 0 : i32
        %parallel_loop3A_404 = tpu.memref_slice %arg7[%parallel_loop3A_222, %parallel_loop3A_402, %parallel_loop3A_403] : memref<4x64x128xf32, #tpu.memory_space<vmem>> -> memref<1x64x128xf32, #tpu.memory_space<vmem>>
        %parallel_loop3A_405 = tpu.memref_squeeze %parallel_loop3A_404 : memref<1x64x128xf32, #tpu.memory_space<vmem>> -> memref<64x128xf32, #tpu.memory_space<vmem>>
        %parallel_loop3A_406 = arith.index_cast %parallel_loop3A_287 : i32 to index
        %parallel_loop3A_407 = arith.constant 32 : index
        %parallel_loop3A_408 = tpu.vector_load %parallel_loop3A_405[%parallel_loop3A_406, %parallel_loop3A_407] {strides = array<i32>} : memref<64x128xf32, #tpu.memory_space<vmem>>, vector<16xf32>,
        tpu.vector_store %parallel_loop3A_405[%parallel_loop3A_406, %parallel_loop3A_407], %parallel_loop3A_401 {strides = array<i32>} : memref<64x128xf32, #tpu.memory_space<vmem>>, vector<16xf32>,
        %parallel_loop3A_409 = arith.mulf %parallel_loop3A_315, %parallel_loop3A_384 : vector<16xf32>
        %parallel_loop3A_410 = arith.constant 0 : i32
        %parallel_loop3A_411 = arith.constant 0 : i32
        %parallel_loop3A_412 = tpu.memref_slice %arg7[%parallel_loop3A_222, %parallel_loop3A_410, %parallel_loop3A_411] : memref<4x64x128xf32, #tpu.memory_space<vmem>> -> memref<1x64x128xf32, #tpu.memory_space<vmem>>
        %parallel_loop3A_413 = tpu.memref_squeeze %parallel_loop3A_412 : memref<1x64x128xf32, #tpu.memory_space<vmem>> -> memref<64x128xf32, #tpu.memory_space<vmem>>
        %parallel_loop3A_414 = arith.index_cast %parallel_loop3A_287 : i32 to index
        %parallel_loop3A_415 = arith.constant 48 : index
        %parallel_loop3A_416 = tpu.vector_load %parallel_loop3A_413[%parallel_loop3A_414, %parallel_loop3A_415] {strides = array<i32>} : memref<64x128xf32, #tpu.memory_space<vmem>>, vector<16xf32>,
        tpu.vector_store %parallel_loop3A_413[%parallel_loop3A_414, %parallel_loop3A_415], %parallel_loop3A_409 {strides = array<i32>} : memref<64x128xf32, #tpu.memory_space<vmem>>, vector<16xf32>,
        %parallel_loop3A_417 = arith.mulf %parallel_loop3A_322, %parallel_loop3A_384 : vector<16xf32>
        %parallel_loop3A_418 = arith.constant 0 : i32
        %parallel_loop3A_419 = arith.constant 0 : i32
        %parallel_loop3A_420 = tpu.memref_slice %arg7[%parallel_loop3A_222, %parallel_loop3A_418, %parallel_loop3A_419] : memref<4x64x128xf32, #tpu.memory_space<vmem>> -> memref<1x64x128xf32, #tpu.memory_space<vmem>>
        %parallel_loop3A_421 = tpu.memref_squeeze %parallel_loop3A_420 : memref<1x64x128xf32, #tpu.memory_space<vmem>> -> memref<64x128xf32, #tpu.memory_space<vmem>>
        %parallel_loop3A_422 = arith.index_cast %parallel_loop3A_287 : i32 to index
        %parallel_loop3A_423 = arith.constant 64 : index
        %parallel_loop3A_424 = tpu.vector_load %parallel_loop3A_421[%parallel_loop3A_422, %parallel_loop3A_423] {strides = array<i32>} : memref<64x128xf32, #tpu.memory_space<vmem>>, vector<16xf32>,
        tpu.vector_store %parallel_loop3A_421[%parallel_loop3A_422, %parallel_loop3A_423], %parallel_loop3A_417 {strides = array<i32>} : memref<64x128xf32, #tpu.memory_space<vmem>>, vector<16xf32>,
        %parallel_loop3A_425 = arith.mulf %parallel_loop3A_329, %parallel_loop3A_384 : vector<16xf32>
        %parallel_loop3A_426 = arith.constant 0 : i32
        %parallel_loop3A_427 = arith.constant 0 : i32
        %parallel_loop3A_428 = tpu.memref_slice %arg7[%parallel_loop3A_222, %parallel_loop3A_426, %parallel_loop3A_427] : memref<4x64x128xf32, #tpu.memory_space<vmem>> -> memref<1x64x128xf32, #tpu.memory_space<vmem>>
        %parallel_loop3A_429 = tpu.memref_squeeze %parallel_loop3A_428 : memref<1x64x128xf32, #tpu.memory_space<vmem>> -> memref<64x128xf32, #tpu.memory_space<vmem>>
        %parallel_loop3A_430 = arith.index_cast %parallel_loop3A_287 : i32 to index
        %parallel_loop3A_431 = arith.constant 80 : index
        %parallel_loop3A_432 = tpu.vector_load %parallel_loop3A_429[%parallel_loop3A_430, %parallel_loop3A_431] {strides = array<i32>} : memref<64x128xf32, #tpu.memory_space<vmem>>, vector<16xf32>,
        tpu.vector_store %parallel_loop3A_429[%parallel_loop3A_430, %parallel_loop3A_431], %parallel_loop3A_425 {strides = array<i32>} : memref<64x128xf32, #tpu.memory_space<vmem>>, vector<16xf32>,
        %parallel_loop3A_433 = arith.mulf %parallel_loop3A_336, %parallel_loop3A_384 : vector<16xf32>
        %parallel_loop3A_434 = arith.constant 0 : i32
        %parallel_loop3A_435 = arith.constant 0 : i32
        %parallel_loop3A_436 = tpu.memref_slice %arg7[%parallel_loop3A_222, %parallel_loop3A_434, %parallel_loop3A_435] : memref<4x64x128xf32, #tpu.memory_space<vmem>> -> memref<1x64x128xf32, #tpu.memory_space<vmem>>
        %parallel_loop3A_437 = tpu.memref_squeeze %parallel_loop3A_436 : memref<1x64x128xf32, #tpu.memory_space<vmem>> -> memref<64x128xf32, #tpu.memory_space<vmem>>
        %parallel_loop3A_438 = arith.index_cast %parallel_loop3A_287 : i32 to index
        %parallel_loop3A_439 = arith.constant 96 : index
        %parallel_loop3A_440 = tpu.vector_load %parallel_loop3A_437[%parallel_loop3A_438, %parallel_loop3A_439] {strides = array<i32>} : memref<64x128xf32, #tpu.memory_space<vmem>>, vector<16xf32>,
        tpu.vector_store %parallel_loop3A_437[%parallel_loop3A_438, %parallel_loop3A_439], %parallel_loop3A_433 {strides = array<i32>} : memref<64x128xf32, #tpu.memory_space<vmem>>, vector<16xf32>,
        %parallel_loop3A_441 = arith.mulf %parallel_loop3A_343, %parallel_loop3A_384 : vector<16xf32>
        %parallel_loop3A_442 = arith.constant 0 : i32
        %parallel_loop3A_443 = arith.constant 0 : i32
        %parallel_loop3A_444 = tpu.memref_slice %arg7[%parallel_loop3A_222, %parallel_loop3A_442, %parallel_loop3A_443] : memref<4x64x128xf32, #tpu.memory_space<vmem>> -> memref<1x64x128xf32, #tpu.memory_space<vmem>>
        %parallel_loop3A_445 = tpu.memref_squeeze %parallel_loop3A_444 : memref<1x64x128xf32, #tpu.memory_space<vmem>> -> memref<64x128xf32, #tpu.memory_space<vmem>>
        %parallel_loop3A_446 = arith.index_cast %parallel_loop3A_287 : i32 to index
        %parallel_loop3A_447 = arith.constant 112 : index
        %parallel_loop3A_448 = tpu.vector_load %parallel_loop3A_445[%parallel_loop3A_446, %parallel_loop3A_447] {strides = array<i32>} : memref<64x128xf32, #tpu.memory_space<vmem>>, vector<16xf32>,
        tpu.vector_store %parallel_loop3A_445[%parallel_loop3A_446, %parallel_loop3A_447], %parallel_loop3A_441 {strides = array<i32>} : memref<64x128xf32, #tpu.memory_space<vmem>>, vector<16xf32>,
      } {sc.loop_unroll_factor = 2 : i64, sc.parallel_access}
      %dma_start3A_223 = arith.constant 2 : i32
      %dma_start3A_224 = arith.constant 0 : i32
      %dma_start3A_225 = arith.constant 0 : i32
      %dma_start3A_226 = tpu.memref_slice %arg7[%dma_start3A_223, %dma_start3A_224, %dma_start3A_225] : memref<4x64x128xf32, #tpu.memory_space<vmem>> -> memref<1x64x128xf32, #tpu.memory_space<vmem>>
      %dma_start3A_227 = tpu.memref_squeeze %dma_start3A_226 : memref<1x64x128xf32, #tpu.memory_space<vmem>> -> memref<64x128xf32, #tpu.memory_space<vmem>>
      %dma_start3A_228 = arith.constant 0 : i32
      %dma_start3A_229 = tpu.memref_slice %arg4[%add3A_201, %dma_start3A_228] : memref<819200x128xf32, #tpu.memory_space<hbm>> -> memref<64x128xf32, #tpu.memory_space<hbm>>
      %dma_start3A_230 = arith.constant 0 : i32
      %dma_start3A_231 = tpu.memref_slice %arg4[%add3A_201, %dma_start3A_230] : memref<819200x128xf32, #tpu.memory_space<hbm>> -> memref<64x128xf32, #tpu.memory_space<hbm>>
      %dma_start3A_232 = arith.constant 0 : i32
      %dma_start3A_233 = arith.constant 0 : i32
      %dma_start3A_234 = tpu.memref_slice %arg7[%dma_start3A_223, %dma_start3A_232, %dma_start3A_233] : memref<4x64x128xf32, #tpu.memory_space<vmem>> -> memref<1x64x128xf32, #tpu.memory_space<vmem>>
      %dma_start3A_235 = tpu.memref_squeeze %dma_start3A_234 : memref<1x64x128xf32, #tpu.memory_space<vmem>> -> memref<64x128xf32, #tpu.memory_space<vmem>>
      tpu.enqueue_dma source(%dma_start3A_235 : memref<64x128xf32, #tpu.memory_space<vmem>>) target(%dma_start3A_231 : memref<64x128xf32, #tpu.memory_space<hbm>>) target_semaphore(%arg14 : memref<!tpu.dma_semaphore, #tpu.memory_space<semaphore_mem>>)
      %lt3A_236 = arith.constant 99 : i32
      %lt3A_237 = arith.cmpi slt, %scan3A_107, %lt3A_236 : i32
      %convert_element_type3A_238 = arith.extui %lt3A_237 : i1 to i32
      %cond3A_239 = arith.constant 0 : i32
      %cond3A_240 = arith.cmpi ne, %convert_element_type3A_238, %cond3A_239 : i32
      scf.if %cond3A_240 {
        %add3A_287 = arith.constant 4 : i32
        %add3A_288 = arith.addi %add3A_198, %add3A_287 : i32
        %mul3A_289 = arith.constant 64 : i32
        %mul3A_290 = arith.muli %add3A_288, %mul3A_289 : i32
        %dma_start3A_291 = arith.constant 2 : i32
        %dma_start3A_292 = arith.constant 0 : i32
        %dma_start3A_293 = arith.constant 0 : i32
        %dma_start3A_294 = tpu.memref_slice %arg6[%dma_start3A_291, %dma_start3A_292, %dma_start3A_293] : memref<4x64x128xf32, #tpu.memory_space<vmem>> -> memref<1x64x128xf32, #tpu.memory_space<vmem>>
        %dma_start3A_295 = tpu.memref_squeeze %dma_start3A_294 : memref<1x64x128xf32, #tpu.memory_space<vmem>> -> memref<64x128xf32, #tpu.memory_space<vmem>>
        %dma_start3A_296 = tpu.memref_slice %arg5[%mul3A_290] : memref<25600xi32, #tpu.memory_space<vmem>> -> memref<64xi32, #tpu.memory_space<vmem>>
        %dma_start3A_297 = arith.constant 0 : i32
        %dma_start3A_298 = arith.constant 0 : i32
        %dma_start3A_299 = tpu.memref_slice %arg3[%dma_start3A_297, %dma_start3A_298] : memref<100000x128xf32, #tpu.memory_space<hbm>> -> memref<100000x128xf32, #tpu.memory_space<hbm>>
        tpu.enqueue_indirect_dma source(%dma_start3A_299 : memref<100000x128xf32, #tpu.memory_space<hbm>>) target(%dma_start3A_295 : memref<64x128xf32, #tpu.memory_space<vmem>>) offsets(%dma_start3A_296 : memref<64xi32, #tpu.memory_space<vmem>>) semaphore(%arg10 : memref<!tpu.dma_semaphore, #tpu.memory_space<semaphore_mem>>)
      } else {
      }
      %mul3A_241 = arith.constant 4 : i32
      %mul3A_242 = arith.muli %scan3A_107, %mul3A_241 : i32
      %add3A_243 = arith.constant 3 : i32
      %add3A_244 = arith.addi %mul3A_242, %add3A_243 : i32
      %mul3A_245 = arith.constant 64 : i32
      %mul3A_246 = arith.muli %add3A_244, %mul3A_245 : i32
      %add3A_247 = arith.addi %mul3A_2, %mul3A_246 : i32
      %mul3A_248 = arith.constant 64 : i32
      %mul3A_249 = arith.muli %add3A_244, %mul3A_248 : i32
      %dma_wait3A_250 = arith.constant 3 : i32
      %dma_wait3A_251 = arith.constant 0 : i32
      %dma_wait3A_252 = arith.constant 0 : i32
      %dma_wait3A_253 = tpu.memref_slice %arg6[%dma_wait3A_250, %dma_wait3A_251, %dma_wait3A_252] : memref<4x64x128xf32, #tpu.memory_space<vmem>> -> memref<1x64x128xf32, #tpu.memory_space<vmem>>
      %dma_wait3A_254 = tpu.memref_squeeze %dma_wait3A_253 : memref<1x64x128xf32, #tpu.memory_space<vmem>> -> memref<64x128xf32, #tpu.memory_space<vmem>>
      %dma_wait3A_255 = tpu.memref_slice %arg5[%mul3A_249] : memref<25600xi32, #tpu.memory_space<vmem>> -> memref<64xi32, #tpu.memory_space<vmem>>
      %dma_wait3A_256 = arith.constant 0 : i32
      %dma_wait3A_257 = arith.constant 0 : i32
      %dma_wait3A_258 = tpu.memref_slice %arg3[%dma_wait3A_256, %dma_wait3A_257] : memref<100000x128xf32, #tpu.memory_space<hbm>> -> memref<100000x128xf32, #tpu.memory_space<hbm>>
      tpu.wait_indirect_dma semaphore(%arg11 : memref<!tpu.dma_semaphore, #tpu.memory_space<semaphore_mem>>) src(%dma_wait3A_258 : memref<100000x128xf32, #tpu.memory_space<hbm>>) dst(%dma_wait3A_254 : memref<64x128xf32, #tpu.memory_space<vmem>>)
      %gt3A_259 = arith.constant 0 : i32
      %gt3A_260 = arith.cmpi sgt, %scan3A_107, %gt3A_259 : i32
      %convert_element_type3A_261 = arith.extui %gt3A_260 : i1 to i32
      %cond3A_262 = arith.constant 0 : i32
      %cond3A_263 = arith.cmpi ne, %convert_element_type3A_261, %cond3A_262 : i32
      scf.if %cond3A_263 {
        %dma_wait3A_287 = arith.constant 3 : i32
        %dma_wait3A_288 = arith.constant 0 : i32
        %dma_wait3A_289 = arith.constant 0 : i32
        %dma_wait3A_290 = tpu.memref_slice %arg7[%dma_wait3A_287, %dma_wait3A_288, %dma_wait3A_289] : memref<4x64x128xf32, #tpu.memory_space<vmem>> -> memref<1x64x128xf32, #tpu.memory_space<vmem>>
        %dma_wait3A_291 = tpu.memref_squeeze %dma_wait3A_290 : memref<1x64x128xf32, #tpu.memory_space<vmem>> -> memref<64x128xf32, #tpu.memory_space<vmem>>
        %dma_wait3A_292 = arith.constant 0 : i32
        %dma_wait3A_293 = tpu.memref_slice %arg4[%add3A_247, %dma_wait3A_292] : memref<819200x128xf32, #tpu.memory_space<hbm>> -> memref<64x128xf32, #tpu.memory_space<hbm>>
        %dma_wait3A_294 = arith.constant 0 : i32
        %dma_wait3A_295 = tpu.memref_slice %arg4[%add3A_247, %dma_wait3A_294] : memref<819200x128xf32, #tpu.memory_space<hbm>> -> memref<64x128xf32, #tpu.memory_space<hbm>>
        %dma_wait3A_296 = arith.constant 0 : i32
        %dma_wait3A_297 = arith.constant 0 : i32
        %dma_wait3A_298 = tpu.memref_slice %arg7[%dma_wait3A_287, %dma_wait3A_296, %dma_wait3A_297] : memref<4x64x128xf32, #tpu.memory_space<vmem>> -> memref<1x64x128xf32, #tpu.memory_space<vmem>>
        %dma_wait3A_299 = tpu.memref_squeeze %dma_wait3A_298 : memref<1x64x128xf32, #tpu.memory_space<vmem>> -> memref<64x128xf32, #tpu.memory_space<vmem>>
        tpu.wait_dma2 semaphore(%arg15 : memref<!tpu.dma_semaphore, #tpu.memory_space<semaphore_mem>>) src(%dma_wait3A_299 : memref<64x128xf32, #tpu.memory_space<vmem>>) dst(%dma_wait3A_295 : memref<64x128xf32, #tpu.memory_space<hbm>>)
      } else {
      }
      %parallel_loop3A_264 = arith.constant 0 : i32
      %parallel_loop3A_265 = arith.constant 64 : i32
      %parallel_loop3A_266 = arith.constant 1 : i32
      %parallel_loop3A_267 = arith.constant 3 : i32
      %parallel_loop3A_268 = arith.constant 3 : i32
      scf.for %parallel_loop3A_287 = %parallel_loop3A_264 to %parallel_loop3A_265 step %parallel_loop3A_266  : i32 {
        %parallel_loop3A_288 = arith.constant 0 : i32
        %parallel_loop3A_289 = arith.constant 0 : i32
        %parallel_loop3A_290 = tpu.memref_slice %arg6[%parallel_loop3A_267, %parallel_loop3A_288, %parallel_loop3A_289] : memref<4x64x128xf32, #tpu.memory_space<vmem>> -> memref<1x64x128xf32, #tpu.memory_space<vmem>>
        %parallel_loop3A_291 = tpu.memref_squeeze %parallel_loop3A_290 : memref<1x64x128xf32, #tpu.memory_space<vmem>> -> memref<64x128xf32, #tpu.memory_space<vmem>>
        %parallel_loop3A_292 = arith.index_cast %parallel_loop3A_287 : i32 to index
        %parallel_loop3A_293 = arith.constant 0 : index
        %parallel_loop3A_294 = tpu.vector_load %parallel_loop3A_291[%parallel_loop3A_292, %parallel_loop3A_293] {strides = array<i32>} : memref<64x128xf32, #tpu.memory_space<vmem>>, vector<16xf32>,
        %parallel_loop3A_295 = arith.constant 0 : i32
        %parallel_loop3A_296 = arith.constant 0 : i32
        %parallel_loop3A_297 = tpu.memref_slice %arg6[%parallel_loop3A_267, %parallel_loop3A_295, %parallel_loop3A_296] : memref<4x64x128xf32, #tpu.memory_space<vmem>> -> memref<1x64x128xf32, #tpu.memory_space<vmem>>
        %parallel_loop3A_298 = tpu.memref_squeeze %parallel_loop3A_297 : memref<1x64x128xf32, #tpu.memory_space<vmem>> -> memref<64x128xf32, #tpu.memory_space<vmem>>
        %parallel_loop3A_299 = arith.index_cast %parallel_loop3A_287 : i32 to index
        %parallel_loop3A_300 = arith.constant 16 : index
        %parallel_loop3A_301 = tpu.vector_load %parallel_loop3A_298[%parallel_loop3A_299, %parallel_loop3A_300] {strides = array<i32>} : memref<64x128xf32, #tpu.memory_space<vmem>>, vector<16xf32>,
        %parallel_loop3A_302 = arith.constant 0 : i32
        %parallel_loop3A_303 = arith.constant 0 : i32
        %parallel_loop3A_304 = tpu.memref_slice %arg6[%parallel_loop3A_267, %parallel_loop3A_302, %parallel_loop3A_303] : memref<4x64x128xf32, #tpu.memory_space<vmem>> -> memref<1x64x128xf32, #tpu.memory_space<vmem>>
        %parallel_loop3A_305 = tpu.memref_squeeze %parallel_loop3A_304 : memref<1x64x128xf32, #tpu.memory_space<vmem>> -> memref<64x128xf32, #tpu.memory_space<vmem>>
        %parallel_loop3A_306 = arith.index_cast %parallel_loop3A_287 : i32 to index
        %parallel_loop3A_307 = arith.constant 32 : index
        %parallel_loop3A_308 = tpu.vector_load %parallel_loop3A_305[%parallel_loop3A_306, %parallel_loop3A_307] {strides = array<i32>} : memref<64x128xf32, #tpu.memory_space<vmem>>, vector<16xf32>,
        %parallel_loop3A_309 = arith.constant 0 : i32
        %parallel_loop3A_310 = arith.constant 0 : i32
        %parallel_loop3A_311 = tpu.memref_slice %arg6[%parallel_loop3A_267, %parallel_loop3A_309, %parallel_loop3A_310] : memref<4x64x128xf32, #tpu.memory_space<vmem>> -> memref<1x64x128xf32, #tpu.memory_space<vmem>>
        %parallel_loop3A_312 = tpu.memref_squeeze %parallel_loop3A_311 : memref<1x64x128xf32, #tpu.memory_space<vmem>> -> memref<64x128xf32, #tpu.memory_space<vmem>>
        %parallel_loop3A_313 = arith.index_cast %parallel_loop3A_287 : i32 to index
        %parallel_loop3A_314 = arith.constant 48 : index
        %parallel_loop3A_315 = tpu.vector_load %parallel_loop3A_312[%parallel_loop3A_313, %parallel_loop3A_314] {strides = array<i32>} : memref<64x128xf32, #tpu.memory_space<vmem>>, vector<16xf32>,
        %parallel_loop3A_316 = arith.constant 0 : i32
        %parallel_loop3A_317 = arith.constant 0 : i32
        %parallel_loop3A_318 = tpu.memref_slice %arg6[%parallel_loop3A_267, %parallel_loop3A_316, %parallel_loop3A_317] : memref<4x64x128xf32, #tpu.memory_space<vmem>> -> memref<1x64x128xf32, #tpu.memory_space<vmem>>
        %parallel_loop3A_319 = tpu.memref_squeeze %parallel_loop3A_318 : memref<1x64x128xf32, #tpu.memory_space<vmem>> -> memref<64x128xf32, #tpu.memory_space<vmem>>
        %parallel_loop3A_320 = arith.index_cast %parallel_loop3A_287 : i32 to index
        %parallel_loop3A_321 = arith.constant 64 : index
        %parallel_loop3A_322 = tpu.vector_load %parallel_loop3A_319[%parallel_loop3A_320, %parallel_loop3A_321] {strides = array<i32>} : memref<64x128xf32, #tpu.memory_space<vmem>>, vector<16xf32>,
        %parallel_loop3A_323 = arith.constant 0 : i32
        %parallel_loop3A_324 = arith.constant 0 : i32
        %parallel_loop3A_325 = tpu.memref_slice %arg6[%parallel_loop3A_267, %parallel_loop3A_323, %parallel_loop3A_324] : memref<4x64x128xf32, #tpu.memory_space<vmem>> -> memref<1x64x128xf32, #tpu.memory_space<vmem>>
        %parallel_loop3A_326 = tpu.memref_squeeze %parallel_loop3A_325 : memref<1x64x128xf32, #tpu.memory_space<vmem>> -> memref<64x128xf32, #tpu.memory_space<vmem>>
        %parallel_loop3A_327 = arith.index_cast %parallel_loop3A_287 : i32 to index
        %parallel_loop3A_328 = arith.constant 80 : index
        %parallel_loop3A_329 = tpu.vector_load %parallel_loop3A_326[%parallel_loop3A_327, %parallel_loop3A_328] {strides = array<i32>} : memref<64x128xf32, #tpu.memory_space<vmem>>, vector<16xf32>,
        %parallel_loop3A_330 = arith.constant 0 : i32
        %parallel_loop3A_331 = arith.constant 0 : i32
        %parallel_loop3A_332 = tpu.memref_slice %arg6[%parallel_loop3A_267, %parallel_loop3A_330, %parallel_loop3A_331] : memref<4x64x128xf32, #tpu.memory_space<vmem>> -> memref<1x64x128xf32, #tpu.memory_space<vmem>>
        %parallel_loop3A_333 = tpu.memref_squeeze %parallel_loop3A_332 : memref<1x64x128xf32, #tpu.memory_space<vmem>> -> memref<64x128xf32, #tpu.memory_space<vmem>>
        %parallel_loop3A_334 = arith.index_cast %parallel_loop3A_287 : i32 to index
        %parallel_loop3A_335 = arith.constant 96 : index
        %parallel_loop3A_336 = tpu.vector_load %parallel_loop3A_333[%parallel_loop3A_334, %parallel_loop3A_335] {strides = array<i32>} : memref<64x128xf32, #tpu.memory_space<vmem>>, vector<16xf32>,
        %parallel_loop3A_337 = arith.constant 0 : i32
        %parallel_loop3A_338 = arith.constant 0 : i32
        %parallel_loop3A_339 = tpu.memref_slice %arg6[%parallel_loop3A_267, %parallel_loop3A_337, %parallel_loop3A_338] : memref<4x64x128xf32, #tpu.memory_space<vmem>> -> memref<1x64x128xf32, #tpu.memory_space<vmem>>
        %parallel_loop3A_340 = tpu.memref_squeeze %parallel_loop3A_339 : memref<1x64x128xf32, #tpu.memory_space<vmem>> -> memref<64x128xf32, #tpu.memory_space<vmem>>
        %parallel_loop3A_341 = arith.index_cast %parallel_loop3A_287 : i32 to index
        %parallel_loop3A_342 = arith.constant 112 : index
        %parallel_loop3A_343 = tpu.vector_load %parallel_loop3A_340[%parallel_loop3A_341, %parallel_loop3A_342] {strides = array<i32>} : memref<64x128xf32, #tpu.memory_space<vmem>>, vector<16xf32>,
        %parallel_loop3A_344 = arith.mulf %parallel_loop3A_294, %parallel_loop3A_294 : vector<16xf32>
        %parallel_loop3A_345 = arith.mulf %parallel_loop3A_301, %parallel_loop3A_301 : vector<16xf32>
        %parallel_loop3A_346 = arith.mulf %parallel_loop3A_308, %parallel_loop3A_308 : vector<16xf32>
        %parallel_loop3A_347 = arith.mulf %parallel_loop3A_315, %parallel_loop3A_315 : vector<16xf32>
        %parallel_loop3A_348 = arith.mulf %parallel_loop3A_322, %parallel_loop3A_322 : vector<16xf32>
        %parallel_loop3A_349 = arith.mulf %parallel_loop3A_329, %parallel_loop3A_329 : vector<16xf32>
        %parallel_loop3A_350 = arith.mulf %parallel_loop3A_336, %parallel_loop3A_336 : vector<16xf32>
        %parallel_loop3A_351 = arith.mulf %parallel_loop3A_343, %parallel_loop3A_343 : vector<16xf32>
        %parallel_loop3A_352 = arith.addf %parallel_loop3A_344, %parallel_loop3A_348 : vector<16xf32>
        %parallel_loop3A_353 = arith.addf %parallel_loop3A_345, %parallel_loop3A_349 : vector<16xf32>
        %parallel_loop3A_354 = arith.addf %parallel_loop3A_346, %parallel_loop3A_350 : vector<16xf32>
        %parallel_loop3A_355 = arith.addf %parallel_loop3A_347, %parallel_loop3A_351 : vector<16xf32>
        %parallel_loop3A_356 = arith.addf %parallel_loop3A_352, %parallel_loop3A_354 : vector<16xf32>
        %parallel_loop3A_357 = arith.addf %parallel_loop3A_353, %parallel_loop3A_355 : vector<16xf32>
        %parallel_loop3A_358 = arith.addf %parallel_loop3A_356, %parallel_loop3A_357 : vector<16xf32>
        %parallel_loop3A_359 = arith.constant true
        %parallel_loop3A_360 = vector.broadcast %parallel_loop3A_359 : i1 to vector<16xi1>
        %parallel_loop3A_361 = tpu.scan <sum>, %parallel_loop3A_358 masked %parallel_loop3A_360 : vector<16xf32>, vector<16xi1> -> vector<16xf32>
        %parallel_loop3A_362 = vector.shape_cast %broadcast_in_dim3A_3 : vector<16xi32> to vector<16x1xi32>
        %parallel_loop3A_363 = vector.shape_cast %parallel_loop3A_362 : vector<16x1xi32> to vector<16xi32>
        %parallel_loop3A_364 = tpu.dynamic_gather %parallel_loop3A_361[%parallel_loop3A_363] in [0] : vector<16xf32>, vector<16xi32> -> vector<16xf32>
        %parallel_loop3A_365 = arith.constant 1.280000e-22 : f32
        %parallel_loop3A_366 = vector.broadcast %parallel_loop3A_365 : f32 to vector<16xf32>
        %parallel_loop3A_367 = arith.maximumf %parallel_loop3A_364, %parallel_loop3A_366 : vector<16xf32>
        %parallel_loop3A_368 = vector.bitcast %parallel_loop3A_367 : vector<16xf32> to vector<16xi32>
        %parallel_loop3A_369 = arith.constant 1 : i32
        %parallel_loop3A_370 = vector.broadcast %parallel_loop3A_369 : i32 to vector<16xi32>
        %parallel_loop3A_371 = arith.shrsi %parallel_loop3A_368, %parallel_loop3A_370 : vector<16xi32>
        %parallel_loop3A_372 = arith.constant 1626823135 : i32
        %parallel_loop3A_373 = vector.broadcast %parallel_loop3A_372 : i32 to vector<16xi32>
        %parallel_loop3A_374 = arith.subi %parallel_loop3A_373, %parallel_loop3A_371 : vector<16xi32>
        %parallel_loop3A_375 = vector.bitcast %parallel_loop3A_374 : vector<16xi32> to vector<16xf32>
        %parallel_loop3A_376 = arith.constant 3.906250e-03 : f32
        %parallel_loop3A_377 = vector.broadcast %parallel_loop3A_376 : f32 to vector<16xf32>
        %parallel_loop3A_378 = arith.mulf %parallel_loop3A_367, %parallel_loop3A_377 : vector<16xf32>
        %parallel_loop3A_379 = arith.mulf %parallel_loop3A_378, %parallel_loop3A_375 : vector<16xf32>
        %parallel_loop3A_380 = arith.mulf %parallel_loop3A_379, %parallel_loop3A_375 : vector<16xf32>
        %parallel_loop3A_381 = arith.constant 1.500000e+00 : f32
        %parallel_loop3A_382 = vector.broadcast %parallel_loop3A_381 : f32 to vector<16xf32>
        %parallel_loop3A_383 = arith.subf %parallel_loop3A_382, %parallel_loop3A_380 : vector<16xf32>
        %parallel_loop3A_384 = arith.mulf %parallel_loop3A_375, %parallel_loop3A_383 : vector<16xf32>
        %parallel_loop3A_385 = arith.mulf %parallel_loop3A_294, %parallel_loop3A_384 : vector<16xf32>
        %parallel_loop3A_386 = arith.constant 0 : i32
        %parallel_loop3A_387 = arith.constant 0 : i32
        %parallel_loop3A_388 = tpu.memref_slice %arg7[%parallel_loop3A_268, %parallel_loop3A_386, %parallel_loop3A_387] : memref<4x64x128xf32, #tpu.memory_space<vmem>> -> memref<1x64x128xf32, #tpu.memory_space<vmem>>
        %parallel_loop3A_389 = tpu.memref_squeeze %parallel_loop3A_388 : memref<1x64x128xf32, #tpu.memory_space<vmem>> -> memref<64x128xf32, #tpu.memory_space<vmem>>
        %parallel_loop3A_390 = arith.index_cast %parallel_loop3A_287 : i32 to index
        %parallel_loop3A_391 = arith.constant 0 : index
        %parallel_loop3A_392 = tpu.vector_load %parallel_loop3A_389[%parallel_loop3A_390, %parallel_loop3A_391] {strides = array<i32>} : memref<64x128xf32, #tpu.memory_space<vmem>>, vector<16xf32>,
        tpu.vector_store %parallel_loop3A_389[%parallel_loop3A_390, %parallel_loop3A_391], %parallel_loop3A_385 {strides = array<i32>} : memref<64x128xf32, #tpu.memory_space<vmem>>, vector<16xf32>,
        %parallel_loop3A_393 = arith.mulf %parallel_loop3A_301, %parallel_loop3A_384 : vector<16xf32>
        %parallel_loop3A_394 = arith.constant 0 : i32
        %parallel_loop3A_395 = arith.constant 0 : i32
        %parallel_loop3A_396 = tpu.memref_slice %arg7[%parallel_loop3A_268, %parallel_loop3A_394, %parallel_loop3A_395] : memref<4x64x128xf32, #tpu.memory_space<vmem>> -> memref<1x64x128xf32, #tpu.memory_space<vmem>>
        %parallel_loop3A_397 = tpu.memref_squeeze %parallel_loop3A_396 : memref<1x64x128xf32, #tpu.memory_space<vmem>> -> memref<64x128xf32, #tpu.memory_space<vmem>>
        %parallel_loop3A_398 = arith.index_cast %parallel_loop3A_287 : i32 to index
        %parallel_loop3A_399 = arith.constant 16 : index
        %parallel_loop3A_400 = tpu.vector_load %parallel_loop3A_397[%parallel_loop3A_398, %parallel_loop3A_399] {strides = array<i32>} : memref<64x128xf32, #tpu.memory_space<vmem>>, vector<16xf32>,
        tpu.vector_store %parallel_loop3A_397[%parallel_loop3A_398, %parallel_loop3A_399], %parallel_loop3A_393 {strides = array<i32>} : memref<64x128xf32, #tpu.memory_space<vmem>>, vector<16xf32>,
        %parallel_loop3A_401 = arith.mulf %parallel_loop3A_308, %parallel_loop3A_384 : vector<16xf32>
        %parallel_loop3A_402 = arith.constant 0 : i32
        %parallel_loop3A_403 = arith.constant 0 : i32
        %parallel_loop3A_404 = tpu.memref_slice %arg7[%parallel_loop3A_268, %parallel_loop3A_402, %parallel_loop3A_403] : memref<4x64x128xf32, #tpu.memory_space<vmem>> -> memref<1x64x128xf32, #tpu.memory_space<vmem>>
        %parallel_loop3A_405 = tpu.memref_squeeze %parallel_loop3A_404 : memref<1x64x128xf32, #tpu.memory_space<vmem>> -> memref<64x128xf32, #tpu.memory_space<vmem>>
        %parallel_loop3A_406 = arith.index_cast %parallel_loop3A_287 : i32 to index
        %parallel_loop3A_407 = arith.constant 32 : index
        %parallel_loop3A_408 = tpu.vector_load %parallel_loop3A_405[%parallel_loop3A_406, %parallel_loop3A_407] {strides = array<i32>} : memref<64x128xf32, #tpu.memory_space<vmem>>, vector<16xf32>,
        tpu.vector_store %parallel_loop3A_405[%parallel_loop3A_406, %parallel_loop3A_407], %parallel_loop3A_401 {strides = array<i32>} : memref<64x128xf32, #tpu.memory_space<vmem>>, vector<16xf32>,
        %parallel_loop3A_409 = arith.mulf %parallel_loop3A_315, %parallel_loop3A_384 : vector<16xf32>
        %parallel_loop3A_410 = arith.constant 0 : i32
        %parallel_loop3A_411 = arith.constant 0 : i32
        %parallel_loop3A_412 = tpu.memref_slice %arg7[%parallel_loop3A_268, %parallel_loop3A_410, %parallel_loop3A_411] : memref<4x64x128xf32, #tpu.memory_space<vmem>> -> memref<1x64x128xf32, #tpu.memory_space<vmem>>
        %parallel_loop3A_413 = tpu.memref_squeeze %parallel_loop3A_412 : memref<1x64x128xf32, #tpu.memory_space<vmem>> -> memref<64x128xf32, #tpu.memory_space<vmem>>
        %parallel_loop3A_414 = arith.index_cast %parallel_loop3A_287 : i32 to index
        %parallel_loop3A_415 = arith.constant 48 : index
        %parallel_loop3A_416 = tpu.vector_load %parallel_loop3A_413[%parallel_loop3A_414, %parallel_loop3A_415] {strides = array<i32>} : memref<64x128xf32, #tpu.memory_space<vmem>>, vector<16xf32>,
        tpu.vector_store %parallel_loop3A_413[%parallel_loop3A_414, %parallel_loop3A_415], %parallel_loop3A_409 {strides = array<i32>} : memref<64x128xf32, #tpu.memory_space<vmem>>, vector<16xf32>,
        %parallel_loop3A_417 = arith.mulf %parallel_loop3A_322, %parallel_loop3A_384 : vector<16xf32>
        %parallel_loop3A_418 = arith.constant 0 : i32
        %parallel_loop3A_419 = arith.constant 0 : i32
        %parallel_loop3A_420 = tpu.memref_slice %arg7[%parallel_loop3A_268, %parallel_loop3A_418, %parallel_loop3A_419] : memref<4x64x128xf32, #tpu.memory_space<vmem>> -> memref<1x64x128xf32, #tpu.memory_space<vmem>>
        %parallel_loop3A_421 = tpu.memref_squeeze %parallel_loop3A_420 : memref<1x64x128xf32, #tpu.memory_space<vmem>> -> memref<64x128xf32, #tpu.memory_space<vmem>>
        %parallel_loop3A_422 = arith.index_cast %parallel_loop3A_287 : i32 to index
        %parallel_loop3A_423 = arith.constant 64 : index
        %parallel_loop3A_424 = tpu.vector_load %parallel_loop3A_421[%parallel_loop3A_422, %parallel_loop3A_423] {strides = array<i32>} : memref<64x128xf32, #tpu.memory_space<vmem>>, vector<16xf32>,
        tpu.vector_store %parallel_loop3A_421[%parallel_loop3A_422, %parallel_loop3A_423], %parallel_loop3A_417 {strides = array<i32>} : memref<64x128xf32, #tpu.memory_space<vmem>>, vector<16xf32>,
        %parallel_loop3A_425 = arith.mulf %parallel_loop3A_329, %parallel_loop3A_384 : vector<16xf32>
        %parallel_loop3A_426 = arith.constant 0 : i32
        %parallel_loop3A_427 = arith.constant 0 : i32
        %parallel_loop3A_428 = tpu.memref_slice %arg7[%parallel_loop3A_268, %parallel_loop3A_426, %parallel_loop3A_427] : memref<4x64x128xf32, #tpu.memory_space<vmem>> -> memref<1x64x128xf32, #tpu.memory_space<vmem>>
        %parallel_loop3A_429 = tpu.memref_squeeze %parallel_loop3A_428 : memref<1x64x128xf32, #tpu.memory_space<vmem>> -> memref<64x128xf32, #tpu.memory_space<vmem>>
        %parallel_loop3A_430 = arith.index_cast %parallel_loop3A_287 : i32 to index
        %parallel_loop3A_431 = arith.constant 80 : index
        %parallel_loop3A_432 = tpu.vector_load %parallel_loop3A_429[%parallel_loop3A_430, %parallel_loop3A_431] {strides = array<i32>} : memref<64x128xf32, #tpu.memory_space<vmem>>, vector<16xf32>,
        tpu.vector_store %parallel_loop3A_429[%parallel_loop3A_430, %parallel_loop3A_431], %parallel_loop3A_425 {strides = array<i32>} : memref<64x128xf32, #tpu.memory_space<vmem>>, vector<16xf32>,
        %parallel_loop3A_433 = arith.mulf %parallel_loop3A_336, %parallel_loop3A_384 : vector<16xf32>
        %parallel_loop3A_434 = arith.constant 0 : i32
        %parallel_loop3A_435 = arith.constant 0 : i32
        %parallel_loop3A_436 = tpu.memref_slice %arg7[%parallel_loop3A_268, %parallel_loop3A_434, %parallel_loop3A_435] : memref<4x64x128xf32, #tpu.memory_space<vmem>> -> memref<1x64x128xf32, #tpu.memory_space<vmem>>
        %parallel_loop3A_437 = tpu.memref_squeeze %parallel_loop3A_436 : memref<1x64x128xf32, #tpu.memory_space<vmem>> -> memref<64x128xf32, #tpu.memory_space<vmem>>
        %parallel_loop3A_438 = arith.index_cast %parallel_loop3A_287 : i32 to index
        %parallel_loop3A_439 = arith.constant 96 : index
        %parallel_loop3A_440 = tpu.vector_load %parallel_loop3A_437[%parallel_loop3A_438, %parallel_loop3A_439] {strides = array<i32>} : memref<64x128xf32, #tpu.memory_space<vmem>>, vector<16xf32>,
        tpu.vector_store %parallel_loop3A_437[%parallel_loop3A_438, %parallel_loop3A_439], %parallel_loop3A_433 {strides = array<i32>} : memref<64x128xf32, #tpu.memory_space<vmem>>, vector<16xf32>,
        %parallel_loop3A_441 = arith.mulf %parallel_loop3A_343, %parallel_loop3A_384 : vector<16xf32>
        %parallel_loop3A_442 = arith.constant 0 : i32
        %parallel_loop3A_443 = arith.constant 0 : i32
        %parallel_loop3A_444 = tpu.memref_slice %arg7[%parallel_loop3A_268, %parallel_loop3A_442, %parallel_loop3A_443] : memref<4x64x128xf32, #tpu.memory_space<vmem>> -> memref<1x64x128xf32, #tpu.memory_space<vmem>>
        %parallel_loop3A_445 = tpu.memref_squeeze %parallel_loop3A_444 : memref<1x64x128xf32, #tpu.memory_space<vmem>> -> memref<64x128xf32, #tpu.memory_space<vmem>>
        %parallel_loop3A_446 = arith.index_cast %parallel_loop3A_287 : i32 to index
        %parallel_loop3A_447 = arith.constant 112 : index
        %parallel_loop3A_448 = tpu.vector_load %parallel_loop3A_445[%parallel_loop3A_446, %parallel_loop3A_447] {strides = array<i32>} : memref<64x128xf32, #tpu.memory_space<vmem>>, vector<16xf32>,
        tpu.vector_store %parallel_loop3A_445[%parallel_loop3A_446, %parallel_loop3A_447], %parallel_loop3A_441 {strides = array<i32>} : memref<64x128xf32, #tpu.memory_space<vmem>>, vector<16xf32>,
      } {sc.loop_unroll_factor = 2 : i64, sc.parallel_access}
      %dma_start3A_269 = arith.constant 3 : i32
      %dma_start3A_270 = arith.constant 0 : i32
      %dma_start3A_271 = arith.constant 0 : i32
      %dma_start3A_272 = tpu.memref_slice %arg7[%dma_start3A_269, %dma_start3A_270, %dma_start3A_271] : memref<4x64x128xf32, #tpu.memory_space<vmem>> -> memref<1x64x128xf32, #tpu.memory_space<vmem>>
      %dma_start3A_273 = tpu.memref_squeeze %dma_start3A_272 : memref<1x64x128xf32, #tpu.memory_space<vmem>> -> memref<64x128xf32, #tpu.memory_space<vmem>>
      %dma_start3A_274 = arith.constant 0 : i32
      %dma_start3A_275 = tpu.memref_slice %arg4[%add3A_247, %dma_start3A_274] : memref<819200x128xf32, #tpu.memory_space<hbm>> -> memref<64x128xf32, #tpu.memory_space<hbm>>
      %dma_start3A_276 = arith.constant 0 : i32
      %dma_start3A_277 = tpu.memref_slice %arg4[%add3A_247, %dma_start3A_276] : memref<819200x128xf32, #tpu.memory_space<hbm>> -> memref<64x128xf32, #tpu.memory_space<hbm>>
      %dma_start3A_278 = arith.constant 0 : i32
      %dma_start3A_279 = arith.constant 0 : i32
      %dma_start3A_280 = tpu.memref_slice %arg7[%dma_start3A_269, %dma_start3A_278, %dma_start3A_279] : memref<4x64x128xf32, #tpu.memory_space<vmem>> -> memref<1x64x128xf32, #tpu.memory_space<vmem>>
      %dma_start3A_281 = tpu.memref_squeeze %dma_start3A_280 : memref<1x64x128xf32, #tpu.memory_space<vmem>> -> memref<64x128xf32, #tpu.memory_space<vmem>>
      tpu.enqueue_dma source(%dma_start3A_281 : memref<64x128xf32, #tpu.memory_space<vmem>>) target(%dma_start3A_277 : memref<64x128xf32, #tpu.memory_space<hbm>>) target_semaphore(%arg15 : memref<!tpu.dma_semaphore, #tpu.memory_space<semaphore_mem>>)
      %lt3A_282 = arith.constant 99 : i32
      %lt3A_283 = arith.cmpi slt, %scan3A_107, %lt3A_282 : i32
      %convert_element_type3A_284 = arith.extui %lt3A_283 : i1 to i32
      %cond3A_285 = arith.constant 0 : i32
      %cond3A_286 = arith.cmpi ne, %convert_element_type3A_284, %cond3A_285 : i32
      scf.if %cond3A_286 {
        %add3A_287 = arith.constant 4 : i32
        %add3A_288 = arith.addi %add3A_244, %add3A_287 : i32
        %mul3A_289 = arith.constant 64 : i32
        %mul3A_290 = arith.muli %add3A_288, %mul3A_289 : i32
        %dma_start3A_291 = arith.constant 3 : i32
        %dma_start3A_292 = arith.constant 0 : i32
        %dma_start3A_293 = arith.constant 0 : i32
        %dma_start3A_294 = tpu.memref_slice %arg6[%dma_start3A_291, %dma_start3A_292, %dma_start3A_293] : memref<4x64x128xf32, #tpu.memory_space<vmem>> -> memref<1x64x128xf32, #tpu.memory_space<vmem>>
        %dma_start3A_295 = tpu.memref_squeeze %dma_start3A_294 : memref<1x64x128xf32, #tpu.memory_space<vmem>> -> memref<64x128xf32, #tpu.memory_space<vmem>>
        %dma_start3A_296 = tpu.memref_slice %arg5[%mul3A_290] : memref<25600xi32, #tpu.memory_space<vmem>> -> memref<64xi32, #tpu.memory_space<vmem>>
        %dma_start3A_297 = arith.constant 0 : i32
        %dma_start3A_298 = arith.constant 0 : i32
        %dma_start3A_299 = tpu.memref_slice %arg3[%dma_start3A_297, %dma_start3A_298] : memref<100000x128xf32, #tpu.memory_space<hbm>> -> memref<100000x128xf32, #tpu.memory_space<hbm>>
        tpu.enqueue_indirect_dma source(%dma_start3A_299 : memref<100000x128xf32, #tpu.memory_space<hbm>>) target(%dma_start3A_295 : memref<64x128xf32, #tpu.memory_space<vmem>>) offsets(%dma_start3A_296 : memref<64xi32, #tpu.memory_space<vmem>>) semaphore(%arg11 : memref<!tpu.dma_semaphore, #tpu.memory_space<semaphore_mem>>)
      } else {
      }
    }
    %scan3A_47 = arith.constant 100 : i32
    %add3A_48 = arith.constant 25344 : i32
    %add3A_49 = arith.addi %mul3A_2, %add3A_48 : i32
    %dma_wait3A = arith.constant 0 : i32
    %dma_wait3A_50 = arith.constant 0 : i32
    %dma_wait3A_51 = arith.constant 0 : i32
    %dma_wait3A_52 = tpu.memref_slice %arg7[%dma_wait3A, %dma_wait3A_50, %dma_wait3A_51] : memref<4x64x128xf32, #tpu.memory_space<vmem>> -> memref<1x64x128xf32, #tpu.memory_space<vmem>>
    %dma_wait3A_53 = tpu.memref_squeeze %dma_wait3A_52 : memref<1x64x128xf32, #tpu.memory_space<vmem>> -> memref<64x128xf32, #tpu.memory_space<vmem>>
    %dma_wait3A_54 = arith.constant 0 : i32
    %dma_wait3A_55 = tpu.memref_slice %arg4[%add3A_49, %dma_wait3A_54] : memref<819200x128xf32, #tpu.memory_space<hbm>> -> memref<64x128xf32, #tpu.memory_space<hbm>>
    %dma_wait3A_56 = arith.constant 0 : i32
    %dma_wait3A_57 = tpu.memref_slice %arg4[%add3A_49, %dma_wait3A_56] : memref<819200x128xf32, #tpu.memory_space<hbm>> -> memref<64x128xf32, #tpu.memory_space<hbm>>
    %dma_wait3A_58 = arith.constant 0 : i32
    %dma_wait3A_59 = arith.constant 0 : i32
    %dma_wait3A_60 = tpu.memref_slice %arg7[%dma_wait3A, %dma_wait3A_58, %dma_wait3A_59] : memref<4x64x128xf32, #tpu.memory_space<vmem>> -> memref<1x64x128xf32, #tpu.memory_space<vmem>>
    %dma_wait3A_61 = tpu.memref_squeeze %dma_wait3A_60 : memref<1x64x128xf32, #tpu.memory_space<vmem>> -> memref<64x128xf32, #tpu.memory_space<vmem>>
    tpu.wait_dma2 semaphore(%arg12 : memref<!tpu.dma_semaphore, #tpu.memory_space<semaphore_mem>>) src(%dma_wait3A_61 : memref<64x128xf32, #tpu.memory_space<vmem>>) dst(%dma_wait3A_57 : memref<64x128xf32, #tpu.memory_space<hbm>>)
    %add3A_62 = arith.constant 25408 : i32
    %add3A_63 = arith.addi %mul3A_2, %add3A_62 : i32
    %dma_wait3A_64 = arith.constant 1 : i32
    %dma_wait3A_65 = arith.constant 0 : i32
    %dma_wait3A_66 = arith.constant 0 : i32
    %dma_wait3A_67 = tpu.memref_slice %arg7[%dma_wait3A_64, %dma_wait3A_65, %dma_wait3A_66] : memref<4x64x128xf32, #tpu.memory_space<vmem>> -> memref<1x64x128xf32, #tpu.memory_space<vmem>>
    %dma_wait3A_68 = tpu.memref_squeeze %dma_wait3A_67 : memref<1x64x128xf32, #tpu.memory_space<vmem>> -> memref<64x128xf32, #tpu.memory_space<vmem>>
    %dma_wait3A_69 = arith.constant 0 : i32
    %dma_wait3A_70 = tpu.memref_slice %arg4[%add3A_63, %dma_wait3A_69] : memref<819200x128xf32, #tpu.memory_space<hbm>> -> memref<64x128xf32, #tpu.memory_space<hbm>>
    %dma_wait3A_71 = arith.constant 0 : i32
    %dma_wait3A_72 = tpu.memref_slice %arg4[%add3A_63, %dma_wait3A_71] : memref<819200x128xf32, #tpu.memory_space<hbm>> -> memref<64x128xf32, #tpu.memory_space<hbm>>
    %dma_wait3A_73 = arith.constant 0 : i32
    %dma_wait3A_74 = arith.constant 0 : i32
    %dma_wait3A_75 = tpu.memref_slice %arg7[%dma_wait3A_64, %dma_wait3A_73, %dma_wait3A_74] : memref<4x64x128xf32, #tpu.memory_space<vmem>> -> memref<1x64x128xf32, #tpu.memory_space<vmem>>
    %dma_wait3A_76 = tpu.memref_squeeze %dma_wait3A_75 : memref<1x64x128xf32, #tpu.memory_space<vmem>> -> memref<64x128xf32, #tpu.memory_space<vmem>>
    tpu.wait_dma2 semaphore(%arg13 : memref<!tpu.dma_semaphore, #tpu.memory_space<semaphore_mem>>) src(%dma_wait3A_76 : memref<64x128xf32, #tpu.memory_space<vmem>>) dst(%dma_wait3A_72 : memref<64x128xf32, #tpu.memory_space<hbm>>)
    %add3A_77 = arith.constant 25472 : i32
    %add3A_78 = arith.addi %mul3A_2, %add3A_77 : i32
    %dma_wait3A_79 = arith.constant 2 : i32
    %dma_wait3A_80 = arith.constant 0 : i32
    %dma_wait3A_81 = arith.constant 0 : i32
    %dma_wait3A_82 = tpu.memref_slice %arg7[%dma_wait3A_79, %dma_wait3A_80, %dma_wait3A_81] : memref<4x64x128xf32, #tpu.memory_space<vmem>> -> memref<1x64x128xf32, #tpu.memory_space<vmem>>
    %dma_wait3A_83 = tpu.memref_squeeze %dma_wait3A_82 : memref<1x64x128xf32, #tpu.memory_space<vmem>> -> memref<64x128xf32, #tpu.memory_space<vmem>>
    %dma_wait3A_84 = arith.constant 0 : i32
    %dma_wait3A_85 = tpu.memref_slice %arg4[%add3A_78, %dma_wait3A_84] : memref<819200x128xf32, #tpu.memory_space<hbm>> -> memref<64x128xf32, #tpu.memory_space<hbm>>
    %dma_wait3A_86 = arith.constant 0 : i32
    %dma_wait3A_87 = tpu.memref_slice %arg4[%add3A_78, %dma_wait3A_86] : memref<819200x128xf32, #tpu.memory_space<hbm>> -> memref<64x128xf32, #tpu.memory_space<hbm>>
    %dma_wait3A_88 = arith.constant 0 : i32
    %dma_wait3A_89 = arith.constant 0 : i32
    %dma_wait3A_90 = tpu.memref_slice %arg7[%dma_wait3A_79, %dma_wait3A_88, %dma_wait3A_89] : memref<4x64x128xf32, #tpu.memory_space<vmem>> -> memref<1x64x128xf32, #tpu.memory_space<vmem>>
    %dma_wait3A_91 = tpu.memref_squeeze %dma_wait3A_90 : memref<1x64x128xf32, #tpu.memory_space<vmem>> -> memref<64x128xf32, #tpu.memory_space<vmem>>
    tpu.wait_dma2 semaphore(%arg14 : memref<!tpu.dma_semaphore, #tpu.memory_space<semaphore_mem>>) src(%dma_wait3A_91 : memref<64x128xf32, #tpu.memory_space<vmem>>) dst(%dma_wait3A_87 : memref<64x128xf32, #tpu.memory_space<hbm>>)
    %add3A_92 = arith.constant 25536 : i32
    %add3A_93 = arith.addi %mul3A_2, %add3A_92 : i32
    %dma_wait3A_94 = arith.constant 3 : i32
    %dma_wait3A_95 = arith.constant 0 : i32
    %dma_wait3A_96 = arith.constant 0 : i32
    %dma_wait3A_97 = tpu.memref_slice %arg7[%dma_wait3A_94, %dma_wait3A_95, %dma_wait3A_96] : memref<4x64x128xf32, #tpu.memory_space<vmem>> -> memref<1x64x128xf32, #tpu.memory_space<vmem>>
    %dma_wait3A_98 = tpu.memref_squeeze %dma_wait3A_97 : memref<1x64x128xf32, #tpu.memory_space<vmem>> -> memref<64x128xf32, #tpu.memory_space<vmem>>
    %dma_wait3A_99 = arith.constant 0 : i32
    %dma_wait3A_100 = tpu.memref_slice %arg4[%add3A_93, %dma_wait3A_99] : memref<819200x128xf32, #tpu.memory_space<hbm>> -> memref<64x128xf32, #tpu.memory_space<hbm>>
    %dma_wait3A_101 = arith.constant 0 : i32
    %dma_wait3A_102 = tpu.memref_slice %arg4[%add3A_93, %dma_wait3A_101] : memref<819200x128xf32, #tpu.memory_space<hbm>> -> memref<64x128xf32, #tpu.memory_space<hbm>>
    %dma_wait3A_103 = arith.constant 0 : i32
    %dma_wait3A_104 = arith.constant 0 : i32
    %dma_wait3A_105 = tpu.memref_slice %arg7[%dma_wait3A_94, %dma_wait3A_103, %dma_wait3A_104] : memref<4x64x128xf32, #tpu.memory_space<vmem>> -> memref<1x64x128xf32, #tpu.memory_space<vmem>>
    %dma_wait3A_106 = tpu.memref_squeeze %dma_wait3A_105 : memref<1x64x128xf32, #tpu.memory_space<vmem>> -> memref<64x128xf32, #tpu.memory_space<vmem>>
    tpu.wait_dma2 semaphore(%arg15 : memref<!tpu.dma_semaphore, #tpu.memory_space<semaphore_mem>>) src(%dma_wait3A_106 : memref<64x128xf32, #tpu.memory_space<vmem>>) dst(%dma_wait3A_102 : memref<64x128xf32, #tpu.memory_space<hbm>>)
    return
  }
}

</mosaic_0001>

<sc_bundles>
// kernel: kernel.3.cloned.1.call-start
scs
__scs_entry_jumppad:
0x0: {  	(pc) =	sbr.rel $0x88, $3  }
0x1: {  	(tag) =	ssettag $0x0;
	lr =	simm.s32 $0x1  }
0x2: {  	[smem:$0x3F9F] =	sst lr;
	_ =	strace $0xD0000000  }
0x3: {  	_ = 	snop  }
0x4: {  	_ = 	snop  }
0x5: {  	_ = 	snop  }
0x6: {  	_ = 	snop  }
0x7: {  	_ = 	snop  }
__scs_overlays_trampoline_lowered:
0x8: {  	[smem:$0x3FAE] =	sst s0  }
0x9: {  	[smem:$0x3FAF] =	sst s1  }
0xa: {  	[smem:$0x3FB0] =	sst s2  }
0xb: {  	[smem:$0x3FB1] =	sst s3  }
0xc: {  	[smem:$0x3FB2] =	sst s4  }
0xd: {  	[smem:$0x3FB3] =	sst s5  }
0xe: {  	[smem:$0x3FB4] =	sst s6  }
0xf: {  	[smem:$0x3FB5] =	sst s7  }
0x10: {  	[smem:$0x3FB6] =	sst s8  }
0x11: {  	[smem:$0x3FB7] =	sst s9;
	s0 =	simm.s32 @!p0 $0x0  }
0x12: {  	s1 =	sld [smem:$0x3F9D];
	s0 =	simm.s32 @p0 $0x1  }
0x13: {  	[smem:$0x3FB8] =	sst s0;
	s0 =	simm.s32 @!p1 $0x0  }
0x14: {  	s2 =	sld [smem:$0x3F9C];
	s0 =	simm.s32 @p1 $0x1  }
0x15: {  	[smem:$0x3FB9] =	sst s0;
	s0 =	simm.s32 @!p2 $0x0  }
0x16: {  	s3 =	sld [smem:$0x3FDB];
	s0 =	simm.s32 @p2 $0x1  }
0x17: {  	s4 =	simm.s32 $0x1BF5;
	[smem:$0x3FBB] =	sst s0  }
0x18: {  	s0 =	sld [smem:$0x3F9E];
	_ =	swait.ge [sflag:s4], $0x0  }
0x19: {  	s7 =	sld [smem:$0x3F9F]  }
0x1a: {  	s8 =	sadd.s32 $0xFFFFE003, lr  }
0x1b: {  	s9 =	sadd.s32 $0xFFFFFEF7, lr;
	s5 =	simm.s32 $0xFFFFFFFF;
	p2 =	slt.u32 s8, $0xFFFFF086  }
0x1c: {  	p1 =	slt.u32 s9, $0xF7A;
	s5 =	simm.s32 @!p2 $0x0  }
0x1d: {  	s5 =	simm.s32 @p1 $0x1;
	p0 =	seq.s32 s7, s2  }
0x1e: {  	s7 =	smul.u32 @!p0 $0xF7A, s2;
	p2 =	seq.s32 @!p0 s5, $0x0  }
0x1f: {  	s9 =	smul.u32 $0xF7A, s1;
	s8 =	simm.s32 @!p0 $0x1BF5;
	p2 =	por !p2, p0  }
0x20: {  	[sflag:s8] =	ssyncset.s32 @!p0 $0xFFFFF086;
	s6 =	sadd.s32 @!p0 s3, s7;
	s7 =	simm.s32 @!p0 $0x108  }
0x21: {  	s3 =	sadd.s32 s3, s9;
	s6 =	sadd.s32 @!p0 $0x88, s6;
	s7 =	simm.s32 @p2 $0x1082  }
0x22: {  	[simem:s7], [sflag:s8] =	dma.local @!p0 [hbm:s6], $0xF7A  }
0x23: {  	s9 =	sor.u32 $0xD0000000, s2;
	s6 =	simm.s32 $0x108;
	_ =	swait.ge @!p0 [sflag:s8], $0x0  }
0x24: {  	s3 =	sadd.s32 $0x88, s3;
	s6 =	simm.s32 @!p1 $0x1082;
	[sflag:s4] =	ssyncset.s32 $0xFFFFF086  }
0x25: {  	[simem:s6], [sflag:s4] =	dma.local [hbm:s3], $0xF7A  }
0x26: {  	[smem:$0x3F9F] =	sst s1;
	(tag) =	ssettag s2;
	_ =	strace s9  }
0x27: {  	s1 =	sld [smem:$0x3FAF]  }
0x28: {  	s2 =	sld [smem:$0x3FB0]  }
0x29: {  	s4 =	sld [smem:$0x3FB2]  }
0x2a: {  	p0 =	seq.s32 s5, $0x0;
	s5 =	sld [smem:$0x3FB3]  }
0x2b: {  	s6 =	sld [smem:$0x3FB4]  }
0x2c: {  	s7 =	sld [smem:$0x3FB5]  }
0x2d: {  	s3 =	simm.s32 $0x108;
	s8 =	sld [smem:$0x3FB6]  }
0x2e: {  	s3 =	simm.s32 @!p0 $0x1082;
	s9 =	sld [smem:$0x3FB7]  }
0x2f: {  	lr =	sadd.s32 s0, s3;
	s0 =	sld [smem:$0x3FAE]  }
0x30: {  	s3 =	sld [smem:$0x3FB1]  }
0x31: {  	[smem:$0x3FBA] =	sst s10  }
0x32: {  	s10 =	sld [smem:$0x3FB8];
	_ =	sdelay $0x3  }
0x33: {  	p0 =	seq.s32 s10, $0x1;
	s10 =	sld [smem:$0x3FBA];
	_ =	sdelay $0x3  }
0x34: {  	[smem:$0x3FBA] =	sst s10  }
0x35: {  	s10 =	sld [smem:$0x3FB9];
	_ =	sdelay $0x3  }
0x36: {  	p1 =	seq.s32 s10, $0x1;
	s10 =	sld [smem:$0x3FBA];
	_ =	sdelay $0x3  }
0x37: {  	[smem:$0x3FBA] =	sst s10  }
0x38: {  	s10 =	sld [smem:$0x3FBB]  }
0x39: {  	_ = 	snop;
	(pc) =	sbr.ind lr, $3  }
0x3a: {  	_ = 	snop  }
0x3b: {  	_ = 	snop  }
0x3c: {  	p2 =	seq.s32 s10, $0x1;
	s10 =	sld [smem:$0x3FBA]  }
0x3d: {  	_ =	shalt  }
0x3e: {  	_ =	shalt  }
0x3f: {  	_ =	shalt  }
0x40: {  	_ =	shalt  }
0x41: {  	_ =	shalt  }
0x42: {  	_ =	shalt  }
0x43: {  	_ =	shalt  }
0x44: {  	_ =	shalt  }
0x45: {  	_ =	shalt  }
0x46: {  	_ =	shalt  }
0x47: {  	_ =	shalt  }
0x48: {  	_ =	shalt  }
0x49: {  	_ =	shalt  }
0x4a: {  	_ =	shalt  }
0x4b: {  	_ =	shalt  }
0x4c: {  	_ =	shalt  }
0x4d: {  	_ =	shalt  }
0x4e: {  	_ =	shalt  }
0x4f: {  	_ =	shalt  }
0x50: {  	_ =	shalt  }
0x51: {  	_ =	shalt  }
0x52: {  	_ =	shalt  }
0x53: {  	_ =	shalt  }
0x54: {  	_ =	shalt  }
0x55: {  	_ =	shalt  }
0x56: {  	_ =	shalt  }
0x57: {  	_ =	shalt  }
0x58: {  	_ =	shalt  }
0x59: {  	_ =	shalt  }
0x5a: {  	_ =	shalt  }
0x5b: {  	_ =	shalt  }
0x5c: {  	_ =	shalt  }
0x5d: {  	_ =	shalt  }
0x5e: {  	_ =	shalt  }
0x5f: {  	_ =	shalt  }
0x60: {  	_ =	shalt  }
0x61: {  	_ =	shalt  }
0x62: {  	_ =	shalt  }
0x63: {  	_ =	shalt  }
0x64: {  	_ =	shalt  }
0x65: {  	_ =	shalt  }
0x66: {  	_ =	shalt  }
0x67: {  	_ =	shalt  }
0x68: {  	_ =	shalt  }
0x69: {  	_ =	shalt  }
0x6a: {  	_ =	shalt  }
0x6b: {  	_ =	shalt  }
0x6c: {  	_ =	shalt  }
0x6d: {  	_ =	shalt  }
0x6e: {  	_ =	shalt  }
0x6f: {  	_ =	shalt  }
0x70: {  	_ =	shalt  }
0x71: {  	_ =	shalt  }
0x72: {  	_ =	shalt  }
0x73: {  	_ =	shalt  }
0x74: {  	_ =	shalt  }
0x75: {  	_ =	shalt  }
0x76: {  	_ =	shalt  }
0x77: {  	_ =	shalt  }
0x78: {  	_ =	shalt  }
0x79: {  	_ =	shalt  }
0x7a: {  	_ =	shalt  }
0x7b: {  	_ =	shalt  }
0x7c: {  	_ =	shalt  }
0x7d: {  	_ =	shalt  }
0x7e: {  	_ =	shalt  }
0x7f: {  	_ =	shalt  }
0x80: {  	_ =	shalt  }
0x81: {  	_ =	shalt  }
0x82: {  	_ =	shalt  }
0x83: {  	_ =	shalt  }
0x84: {  	_ =	shalt  }
0x85: {  	_ =	shalt  }
0x86: {  	_ =	shalt  }
0x87: {  	_ =	shalt  }
.Lfunc_end0:
.L_simem_size_0:
called_computation_lowered:
.L_overlay_start_0:
0x88: {  	s2 =	sld [smem:$0x3FD9]  }
0x89: {  	s3 =	sld [smem:$0x3FFE];
	_ =	sdelay $0x1  }
0x8a: {  	s1 =	srdreg.scid  }
0x8b: {  	s0 =	sand.u32 $0x1, s1  }
0x8c: {  	s17 =	sshll.u32 s0, $0xA;
	s2 =	sadd.s32 s3, s2  }
0x8d: {  	s2 =	sadd.s32 s2, s17  }
0x8e: {  	[smem:$0x3FC6] =	sst s2  }
0x8f: {  	_ = 	snop  }
0x90: {  	s2 =	sld [smem:$0x3FC8]  }
0x91: {  	s18 =	sld [smem:$0x3FD0];
	(tm) =	ssettm $0x1  }
0x92: {  	s4 =	sld [smem:$0x3FFB];
	_ =	sdelay $0x3  }
0x93: {  	_ =	strace s4  }
0x94: {  	s4 =	sld [smem:$0x3FFC];
	_ =	sdelay $0x3  }
0x95: {  	_ =	strace s4  }
0x96: {  	s4 =	sld [smem:$0x3FFD];
	_ =	sdelay $0x3  }
0x97: {  	_ =	strace s4  }
0x98: {  	_ =	strace $0x8FFFFFFF  }
0x99: {  	s19 =	sld [smem:$0x3FDB];
	_ =	sdelay $0x1  }
0x9a: {  	s5 =	simm.s32 $_scs_section_size  }
0x9b: {  	s6 =	simm.s32 $_size__tile_overlayer_lowered;
	s7 =	simm.s32 $_tile_overlayer_lowered  }
0x9c: {  	s22 =	simm.s32 $0x1BFF;
	s21 =	sshll.u32 s7, $0x1;
	s4 =	sadd.s32 s5, s19  }
0x9d: {  	s8 =	simm.s32 $0x0;
	s20 =	sshll.u32 s6, $0x1;
	s6 =	sadd.s32 s21, s4  }
0x9e: {  	[timem:s8], [sflag:s22] =	dma.local [hbm:s6], s20  }
0x9f: {  	_ =	swait.ge [sflag:s22], s20  }
0xa0: {  	s5 =	ssub.s32 $0x0, s20;
	[sflag:s22] =	ssyncset.done $0x0  }
0xa1: {  	[sflag:s22] =	ssyncadd.s32 s5;
	_ =	sdelay $0x1  }
0xa2: {  	s23 =	simm.s32 $0x1B8B  }
0xa3: {  	_ =	swait.ge [sflag:s23], $0x1  }
0xa4: {  	[sflag:s23] =	ssyncset.done $0x0  }
0xa5: {  	s25 =	simm.s32 $0x1B8E;
	s24 =	sld [smem:$0x3FFE];
	[sflag:s23] =	ssyncadd.s32 $0xFFFFFFFF  }
0xa6: {  	s26 =	simm.s32 $execute0_lowered;
	[smem:$0x3FD2] =	sst s25  }
0xa7: {  	s6 =	sshll.u32 s26, $0x1;
	_ =	strace $0x80000046;
	[dreg:$0x1] =	wrdreg $0xFFFFFFFF  }
0xa8: {  	s28 =	simm.s32 $_size_execute0_lowered;
	s4 =	sadd.s32 s4, s6;
	[dreg:$0x0] =	wrdreg $0x0  }
0xa9: {  	s6 =	sshll.u32 s28, $0x1;
	[dreg:$0x2] =	wrdreg s4  }
0xaa: {  	[dreg:$0x3] =	wrdreg s6  }
0xab: {  	[dreg:$0x4] =	wrdreg $0xC0  }
0xac: {  	_ =	task [dreg:s8], $0x5FFFF  }
0xad: {  	[dreg:$0x1] =	wrdreg $0xFFFFFFFF  }
0xae: {  	[dreg:$0x0] =	wrdreg $0x60  }
0xaf: {  	[dreg:$0x2] =	wrdreg s24  }
0xb0: {  	[dreg:$0x3] =	wrdreg s2  }
0xb1: {  	[dreg:$0x4] =	wrdreg s18  }
0xb2: {  	[dreg:$0x5] =	wrdreg $0x9  }
0xb3: {  	_ =	task.clear_ibuf [dreg:s8], $0x6FFFF;
	_ =	strace $0x90000046  }
0xb4: {  	s29 =	simm.s32 $0x9;
	_ =	strace $0x80000048  }
0xb5: {  	_ =	swait.ge [sflag:s29], $0x1  }
0xb6: {  	[sflag:s29] =	ssyncadd.s32 $0xFFFFFFFF  }
0xb7: {  	_ =	strace $0x90000048  }
0xb8: {  	_ =	sfence  }
0xb9: {  	s30 =	sld [smem:$0x0];
	_ =	sdelay $0x2  }
0xba: {  	s31 =	sshll.u32 s1, $0xD;
	s1 =	sshrl.u32 s1, $0x2  }
0xbb: {  	s3 =	sand.u32 $0x4000, s31;
	s1 =	sadd.s32 s1, s30  }
0xbc: {  	s0 =	sor.u32 s3, s0;
	s1 =	sshll.u32 s1, $0x11  }
0xbd: {  	s0 =	sor.u32 s1, s0  }
0xbe: {  	s0 =	sadd.s32 $0x8F2B, s0  }
0xbf: {  	[sflag:s0] =	ssyncadd.remote.s32 $0x1  }
0xc0: {  	_ =	sfence.sel $0xFFFF  }
0xc1: {  	[dreg:$0x0] =	wrdreg $0xFFFFFFFF;
	(pc) =	sbr.abs _section_cstart, $3  }
0xc2: {  	[dreg:$0x1] =	wrdreg $0xFFFFFFFF  }
0xc3: {  	_ =	task.clear_ibuf [dreg:s8], $0x2FFFF;
	_ =	strace $0x9FFFFFFF  }
0xc4: {  	(tm) =	ssettm $0x7FFFFFFF  }
0xc5: {  	_ =	shalt  }
tec
execute0_lowered:
.L_overlay_start_1:
0x0: {  	(tag) =	ssettag $0x1  }
0x1: {  	s0 =	srdreg.scid  }
0x2: {  	s2 =	stileid.u32;
	s1 =	rddreg [dreg:$0x0];
	s4 =	simm.s32 $0x0  }
0x3: {  	s12 =	simm.s32 $0x40;
	s18 =	simm.s32 $0xC400;
	s19 =	simm.s32 $0x1  }
0x4: {  	s20 =	simm.s32 $0xE400;
	s21 =	simm.s32 $0x2;
	s22 =	simm.s32 $0x10400  }
0x5: {  	s23 =	simm.s32 $0x3;
	s24 =	simm.s32 $0x12400;
	s25 =	simm.s32 $0x4  }
0x6: {  	s26 =	simm.s32 $0x14400;
	s29 =	simm.s32 $0x6;
	s30 =	simm.s32 $0x7  }
0x7: {  	s0 =	sand.u32 $0x1, s0;
	s3 =	sshll.u32 s2, $0x1;
	s2 =	rddreg [dreg:$0x1]  }
0x8: {  	s31 =	simm.s32 $0x8;
	[smem:$0x7FF] =	sst s4;
	s5 =	sor.u32 s0, s3  }
0x9: {  	s3 =	rddreg [dreg:$0x2];
	s0 =	ssub.s32 $0x2, s0;
	s9 =	smul.u32 $0x6400, s5  }
.Ltmp0:
0xa: {  	_ =	strace $0x80000047;
	s7 =	sshrl.u32 s0, $0x1;
	(pc) =	sbr.rel .LBB2_1-.Ltmp0, $4  }
0xb: {  	s0 =	ssub.s32 s0, s7;
	s6 =	sshrl.u32 s9, $0x3;
	s7 =	sor.u32 $0x40, s9  }
0xc: {  	s8 =	sor.u32 $0x80, s9;
	s0 =	smax.u32 s0, $0x1;
	s1 =	sadd.s32 s6, s1  }
0xd: {  	s9 =	sor.u32 $0xC0, s9;
	[dreg:$0x5] =	wrdreg s0;
	s1 =	sadd.s32 $0x400, s1  }
0xe: {  	v0 =	vimm.s32 $0xF;
	s6 =	smul.u32 $0x320000, s5;
	[dreg:$0x4] =	wrdreg s1;
	s1 =	simm.s32 $0x0  }
.LBB2_12:
0xf: {  	s0 =	simm.s32 $0x5  }
0x10: {  	_ =	swait.ge [sflag:s0], $0x2000  }
0x11: {  	[sflag:s0] =	ssyncset.done $0x0  }
0x12: {  	[sflag:s0] =	ssyncadd.s32 $0xFFFFE000  }
0x13: {  	_ =	swait.ge [sflag:s29], $0x2000  }
0x14: {  	[sflag:s29] =	ssyncset.done $0x0  }
0x15: {  	[sflag:s29] =	ssyncadd.s32 $0xFFFFE000  }
0x16: {  	_ =	swait.ge [sflag:s30], $0x2000  }
0x17: {  	[sflag:s30] =	ssyncset.done $0x0  }
0x18: {  	[sflag:s30] =	ssyncadd.s32 $0xFFFFE000  }
0x19: {  	_ =	swait.ge [sflag:s31], $0x2000  }
0x1a: {  	s1 =	sadd.s32 $0x1, s1;
	s28 =	rddreg [dreg:$0x5]  }
0x1b: {  	p0 =	sne.s32 s1, s28  }
.Ltmp1:
0x1c: {  	_ = 	snop;
	(pc) =	sbr.rel @!p0 .LBB2_13-.Ltmp1, $3  }
0x1d: {  	_ =	sdelay $0x1  }
0x1e: {  	[sflag:s31] =	ssyncset.done $0x0  }
0x1f: {  	[sflag:s31] =	ssyncadd.s32 $0xFFFFE000  }
.LBB2_1:
0x20: {  	s0 =	rddreg [dreg:$0x4];
	s14 =	simm.s32 $0x9  }
0x21: {  	[tilespmem:s4], [sflag:$0x9] =	stream.linear.gather [hbm4b:s0+s4], $0x6400, $0x38;
	[tilespmem:$0x16400] =	vst v63  }
0x22: {  	_ =	swait.ge [sflag:s14], $0x6400  }
0x23: {  	[sflag:s14] =	ssyncset.done $0x0  }
0x24: {  	s15 =	simm.s32 $0x6400;
	[sflag:s14] =	ssyncadd.s32 $0xFFFF9C00  }
0x25: {  	[tilespmem:s15], [sflag:$0x1] =	stream.indirect.gather [hbm4b:s2+s12], $0x80, s4, s12, $0xb8;
	[tilespmem:$0x16400] =	vst v63  }
0x26: {  	s16 =	simm.s32 $0x8400  }
0x27: {  	[tilespmem:s16], [sflag:$0x2] =	stream.indirect.gather [hbm4b:s2+s12], $0x80, s12, s12, $0xb8;
	[tilespmem:$0x16400] =	vst v63  }
0x28: {  	s17 =	simm.s32 $0x80;
	s5 =	simm.s32 $0xA400  }
0x29: {  	[tilespmem:s5], [sflag:$0x3] =	stream.indirect.gather [hbm4b:s2+s12], $0x80, s17, s12, $0xb8;
	[tilespmem:$0x16400] =	vst v63  }
0x2a: {  	s28 =	simm.s32 $0xC0;
	s0 =	simm.s32 $0x0  }
0x2b: {  	[tilespmem:s18], [sflag:$0x4] =	stream.indirect.gather [hbm4b:s2+s12], $0x80, s28, s12, $0xb8;
	[tilespmem:$0x16400] =	vst v63  }
.LBB2_2:
0x2c: {  	_ =	swait.ge [sflag:s19], $0x2000  }
0x2d: {  	p0 =	seq.s32 s0, $0x0;
	[sflag:s19] =	ssyncset.done $0x0  }
0x2e: {  	s5 =	simm.s32 @!p0 $0x5;
	[sflag:s19] =	ssyncadd.s32 $0xFFFFE000  }
0x2f: {  	_ =	swait.ge @!p0 [sflag:s5], $0x2000  }
0x30: {  	[sflag:s5] =	ssyncset.done @!p0 $0x0  }
0x31: {  	s16 =	simm.s32 $0x6480;
	[sflag:s5] =	ssyncadd.s32 @!p0 $0xFFFFE000  }
0x32: {  	v15 =	vld [tilespmem:s16+$0x0]  }
0x33: {  	v18 =	vld [tilespmem:s16+$0x10]  }
0x34: {  	v19 =	vld [tilespmem:s16+$0x20]  }
0x35: {  	v24 =	vld [tilespmem:s16+$0x30]  }
0x36: {  	v25 =	vld [tilespmem:s16+$0x40]  }
0x37: {  	v26 =	vld [tilespmem:s16+$0x50]  }
0x38: {  	v27 =	vld [tilespmem:s16+$0x60]  }
0x39: {  	v17 =	vld [tilespmem:s16+$0x70];
	_ =	sdelay $0x1  }
0x3a: {  	v39 =	vld [tilespmem:s16+$0xFFFFFF90];
	v1 =	vmul.f32 v15, v15;
	v2 =	vmul.f32 v18, v18  }
0x3b: {  	v38 =	vld [tilespmem:s16+$0xFFFFFFA0];
	v3 =	vmul.f32 v19, v19;
	v7 =	vmul.f32 v24, v24  }
0x3c: {  	v5 =	vld [tilespmem:s16+$0xFFFFFFB0];
	v4 =	vmul.f32 v25, v25;
	v8 =	vmul.f32 v27, v27  }
0x3d: {  	v31 =	vld [tilespmem:s16+$0xFFFFFFF0];
	v9 =	vmul.f32 v26, v26;
	v10 =	vmul.f32 v17, v17  }
0x3e: {  	v32 =	vld [tilespmem:s16+$0xFFFFFF80];
	v1 =	vadd.f32 v4, v1;
	v3 =	vadd.f32 v8, v3  }
0x3f: {  	v30 =	vld [tilespmem:s16+$0xFFFFFFE0];
	v2 =	vadd.f32 v9, v2;
	v7 =	vadd.f32 v10, v7  }
0x40: {  	v4 =	vld [tilespmem:s16+$0xFFFFFFD0]  }
0x41: {  	v6 =	vld [tilespmem:s16+$0xFFFFFFC0];
	v1 =	vadd.f32 v3, v1;
	v2 =	vadd.f32 v7, v2;
	_ =	sdelay $0x1  }
0x42: {  	s17 =	simm.s32 $0x6580;
	v11 =	vmul.f32 v31, v31;
	v12 =	vmul.f32 v32, v32;
	v1 =	vadd.f32 v2, v1  }
0x43: {  	v14 =	vld [tilespmem:s17+$0x30];
	v9 =	vmul.f32 v30, v30;
	v3 =	vmul.f32 v38, v38  }
0x44: {  	v13 =	vld [tilespmem:s17+$0x40];
	v2 =	vmul.f32 v39, v39;
	(xrf2) =	vadd.scan.msk.f32 $0xffff, v1;
	v1 =	vmul.f32 v4, v4  }
0x45: {  	v16 =	vld [tilespmem:s17+$0x50];
	v8 =	vmul.f32 v6, v6;
	v7 =	vmul.f32 v5, v5  }
0x46: {  	v20 =	vld [tilespmem:s17+$0x60];
	v1 =	vadd.f32 v1, v2;
	v2 =	vadd.f32 v9, v3  }
0x47: {  	v41 =	vld [tilespmem:s17+$0x70];
	v3 =	vadd.f32 v11, v7;
	v7 =	vadd.f32 v8, v12  }
0x48: {  	v10 =	vld [tilespmem:s17+$0x0]  }
0x49: {  	v12 =	vld [tilespmem:s17+$0x10];
	v1 =	vadd.f32 v3, v1;
	v2 =	vadd.f32 v2, v7  }
0x4a: {  	v11 =	vld [tilespmem:s17+$0x20]  }
0x4b: {  	v1 =	vadd.f32 v1, v2  }
0x4c: {  	v22 =	vmul.f32 v14, v14;
	v23 =	vmul.f32 v13, v13  }
0x4d: {  	v28 =	vmul.f32 v20, v20;
	v33 =	vmul.f32 v16, v16;
	(xrf2) =	vadd.scan.msk.f32 $0xffff, v1  }
0x4e: {  	v37 =	vld [tilespmem:s17+$0xFFFFFF80];
	v34 =	vmul.f32 v41, v41;
	v7 =	vmul.f32 v10, v10  }
0x4f: {  	v2 =	vld [tilespmem:s17+$0xFFFFFF90];
	v9 =	vmul.f32 v12, v12;
	v21 =	vmul.f32 v11, v11  }
0x50: {  	v22 =	vadd.f32 v34, v22;
	v23 =	vadd.f32 v23, v7;
	v7 =	vld [tilespmem:s17+$0xFFFFFFF0];
	v1, _, _ =	vpop (xrf2)  }
0x51: {  	v21 =	vadd.f32 v28, v21;
	v33 =	vadd.f32 v33, v9;
	v9 =	vld [tilespmem:s17+$0xFFFFFFE0];
	v3 =	vperm.xlane v1, v0  }
0x52: {  	v1 =	vld [tilespmem:s17+$0xFFFFFFA0]  }
0x53: {  	v21 =	vadd.f32 v21, v23;
	v22 =	vadd.f32 v22, v33;
	v8 =	vmax.f32 v3, $1.280000030e-22;
	v3 =	vld [tilespmem:s17+$0xFFFFFFB0]  }
0x54: {  	v44 =	vmul.f32 v37, v37;
	v29 =	vshra.s32 v8, $0x1;
	v35 =	vmul.f32 $3.906250000e-03, v8;
	v8 =	vld [tilespmem:s17+$0xFFFFFFC0]  }
0x55: {  	v23 =	vmul.f32 v2, v2;
	v21 =	vadd.f32 v22, v21;
	v28 =	vsub.s32 $0x60F759DF, v29;
	v29 =	vld [tilespmem:s17+$0xFFFFFFD0]  }
0x56: {  	v43 =	vmul.f32 v7, v7;
	v55 =	vmul.f32 v28, v35  }
0x57: {  	(xrf2) =	vadd.scan.msk.f32 $0xffff, v21;
	v21 =	vmul.f32 v9, v9;
	v58 =	vmul.f32 v1, v1;
	v57, _, _ =	vpop (xrf2)  }
0x58: {  	v56 =	vmul.f32 v28, v55;
	v34 =	vperm.xlane v57, v0  }
0x59: {  	v22 =	vmul.f32 v3, v3;
	v35 =	vadd.f32 v21, v58;
	v36 =	vmul.f32 v8, v8  }
0x5a: {  	v33 =	vsub.f32 $1.500000000e+00, v56;
	v40 =	vmul.f32 v29, v29;
	v34 =	vmax.f32 v34, $1.280000030e-22  }
0x5b: {  	s28 =	simm.s32 $0x6680;
	v59 =	vadd.f32 v43, v22;
	v42 =	vshra.s32 v34, $0x1;
	v34 =	vmul.f32 $3.906250000e-03, v34  }
0x5c: {  	v21 =	vld [tilespmem:s28+$0x10];
	v23 =	vadd.f32 v40, v23;
	v28 =	vmul.f32 v28, v33;
	v42 =	vsub.s32 $0x60F759DF, v42  }
0x5d: {  	v22 =	vld [tilespmem:s28+$0x0];
	v34 =	vmul.f32 v42, v34  }
0x5e: {  	v36 =	vadd.f32 v36, v44;
	v60 =	vmul.f32 v28, v17;
	v33 =	vadd.f32 v59, v23;
	v23 =	vld [tilespmem:s28+$0x20]  }
0x5f: {  	v62 =	vmul.f32 v28, v18;
	v18 =	vld [tilespmem:s28+$0x40];
	v34 =	vmul.f32 v42, v34  }
0x60: {  	v35 =	vadd.f32 v35, v36;
	v17 =	vld [tilespmem:s28+$0x30];
	v61 =	vmul.f32 v28, v15;
	v45 =	vmul.f32 v28, v19  }
0x61: {  	v46 =	vmul.f32 v28, v24;
	v15 =	vld [tilespmem:s28+$0x50];
	v47 =	vmul.f32 v28, v26;
	v34 =	vsub.f32 $1.500000000e+00, v34  }
0x62: {  	v19 =	vld [tilespmem:s28+$0x60];
	v48 =	vmul.f32 v28, v27;
	v26 =	vmul.f32 v22, v22;
	v33 =	vadd.f32 v33, v35  }
0x63: {  	v24, _, _ =	vpop (xrf2);
	v35 =	vmul.f32 v42, v34;
	v42 =	vmul.f32 v28, v25;
	v28 =	vld [tilespmem:s28+$0x70]  }
0x64: {  	(xrf2) =	vadd.scan.msk.f32 $0xffff, v33;
	v51 =	vmul.f32 v18, v18;
	v25 =	vperm.xlane v24, v0;
	v24 =	vld [tilespmem:s28+$0xFFFFFF90]  }
0x65: {  	v34 =	vld [tilespmem:s28+$0xFFFFFFB0]  }
0x66: {  	v27 =	vmul.f32 v21, v21;
	v63 =	vmul.f32 v23, v23;
	v57 =	vadd.f32 v51, v26;
	v26 =	vld [tilespmem:s28+$0xFFFFFFE0]  }
0x67: {  	v55 =	vmul.f32 v19, v19;
	v49 =	vmul.f32 v35, v32;
	v32 =	vld [tilespmem:s28+$0xFFFFFFA0];
	v25 =	vmax.f32 v25, $1.280000030e-22  }
0x68: {  	v54 =	vmul.f32 v15, v15;
	v52 =	vshra.s32 v25, $0x1;
	v53 =	vmul.f32 $3.906250000e-03, v25;
	v25 =	vld [tilespmem:s28+$0xFFFFFFD0]  }
0x69: {  	s13 =	simm.s32 $0xE480;
	v36 =	vld [tilespmem:s28+$0xFFFFFFC0];
	v50 =	vmul.f32 v17, v17;
	v58 =	vadd.f32 v55, v63;
	v52 =	vsub.s32 $0x60F759DF, v52  }
0x6a: {  	[tilespmem:s13+$0x70] =	vst v60;
	v60 =	vadd.f32 v54, v27;
	v27 =	vld [tilespmem:s28+$0xFFFFFFF0];
	v56 =	vmul.f32 v28, v28;
	v53 =	vmul.f32 v52, v53  }
0x6b: {  	[tilespmem:s13+$0x10] =	vst v62;
	v33 =	vld [tilespmem:s28+$0xFFFFFF80];
	v40 =	vadd.f32 v58, v57;
	v59 =	vmul.f32 v24, v24;
	v62 =	vmul.f32 v34, v34  }
0x6c: {  	[tilespmem:s13+$0x0] =	vst v61;
	v57 =	vmul.f32 v26, v26;
	v50 =	vadd.f32 v56, v50;
	v53 =	vmul.f32 v52, v53  }
0x6d: {  	[tilespmem:s13+$0x20] =	vst v45;
	v61 =	vmul.f32 v32, v32;
	v56 =	vmul.f32 v25, v25  }
0x6e: {  	[tilespmem:s13+$0x30] =	vst v46;
	v63, _, _ =	vpop (xrf2);
	v43 =	vadd.f32 v50, v60;
	v50 =	vmul.f32 v36, v36;
	v53 =	vsub.f32 $1.500000000e+00, v53  }
0x6f: {  	[tilespmem:s13+$0xFFFFFF80] =	vst v49;
	v49 =	vperm.xlane v63, v0;
	v58 =	vadd.f32 v56, v59;
	v59 =	vmul.f32 v27, v27  }
0x70: {  	[tilespmem:s13+$0x50] =	vst v47;
	v60 =	vmul.f32 v33, v33;
	v43 =	vadd.f32 v43, v40;
	v40 =	vmul.f32 v52, v53  }
0x71: {  	[tilespmem:s13+$0x40] =	vst v42;
	v42 =	vadd.f32 v57, v61;
	v49 =	vmax.f32 v49, $1.280000030e-22;
	v62 =	vadd.f32 v59, v62  }
0x72: {  	v63 =	vshra.s32 v49, $0x1;
	v49 =	vmul.f32 $3.906250000e-03, v49;
	v61 =	vmul.f32 v40, v41;
	(xrf2) =	vadd.scan.msk.f32 $0xffff, v43  }
0x73: {  	s5 =	simm.s32 $0xE580;
	[tilespmem:s13+$0x60] =	vst v48;
	v46 =	vmul.f32 v35, v39;
	v45 =	vadd.f32 v50, v60;
	v41 =	vsub.s32 $0x60F759DF, v63  }
0x74: {  	s10 =	simm.s32 $0x4;
	s11 =	simm.s32 $0x6780;
	v44 =	vmul.f32 v35, v38;
	v39 =	vadd.f32 v62, v58;
	v43 =	vmul.f32 v41, v49;
	[tilespmem:s5+$0x70] =	vst v61  }
.LBB2_3:
0x75: {  	v42 =	vadd.f32 v42, v45;
	[tilespmem:s13+$0xFFFFFF90] =	vst v46;
	v45 =	vmul.f32 v35, v5;
	v46 =	vmul.f32 v35, v6  }
0x76: {  	v47 =	vld [tilespmem:s11+$0x0];
	v38 =	vmovc v1;
	v1 =	vmovc v32;
	v5 =	vmov v3;
	v3 =	vmov v34;
	v6 =	vmov v8  }
0x77: {  	v8 =	vmovc v36;
	v32 =	vld [tilespmem:s11+$0x10];
	v34 =	vmul.f32 v41, v43;
	[tilespmem:s13+$0xFFFFFFA0] =	vst v44;
	v43 =	vmul.f32 v35, v4;
	v4 =	vmov v29  }
0x78: {  	v30 =	vmul.f32 v35, v30;
	v31 =	vmul.f32 v35, v31;
	v29 =	vld [tilespmem:s11+$0x20];
	v36 =	vadd.f32 v39, v42;
	[tilespmem:s13+$0xFFFFFFB0] =	vst v45  }
0x79: {  	v44 =	vmul.f32 v40, v12;
	v42 =	vmul.f32 v40, v10;
	v10 =	vmovc v22;
	v39 =	vld [tilespmem:s11+$0x30];
	v34 =	vsub.f32 $1.500000000e+00, v34;
	[tilespmem:s13+$0xFFFFFFC0] =	vst v46  }
0x7a: {  	v12 =	vmovc v21;
	v46 =	vmul.f32 v40, v14;
	v45 =	vld [tilespmem:s11+$0x40];
	(xrf2) =	vadd.scan.msk.f32 $0xffff, v36;
	v36 =	vmul.f32 v40, v11;
	[tilespmem:s13+$0xFFFFFFD0] =	vst v43  }
0x7b: {  	v11 =	vmovc v23;
	v43 =	vld [tilespmem:s11+$0x50];
	v35 =	vmul.f32 v41, v34;
	v41 =	vmul.f32 v40, v13;
	[tilespmem:s13+$0xFFFFFFE0] =	vst v30;
	v22 =	vmov v47  }
0x7c: {  	v48 =	vmul.f32 v40, v16;
	v40 =	vmul.f32 v40, v20;
	v30 =	vld [tilespmem:s11+$0x60];
	v13, _, _ =	vpop (xrf2);
	[tilespmem:s13+$0xFFFFFFF0] =	vst v31;
	v21 =	vmov v32;
	s13 =	smov.u32 s5  }
0x7d: {  	s10 =	sadd.s32 $0x2, s10;
	v14 =	vmovc v17;
	v49 =	vld [tilespmem:s11+$0x70];
	v53 =	vperm.xlane v13, v0;
	v20 =	vmul.f32 v35, v37;
	[tilespmem:s5+$0x0] =	vst v42;
	v23 =	vmov v29  }
0x7e: {  	p1 =	slt.u32 s10, $0x3E;
	v31 =	vmul.f32 v47, v22;
	v37 =	vmul.f32 v32, v21;
	v13 =	vmovc v18;
	v50 =	vld [tilespmem:s11+$0xFFFFFF90];
	[tilespmem:s5+$0x10] =	vst v44;
	v17 =	vmov v39  }
0x7f: {  	v42 =	vmul.f32 v29, v23;
	v32 =	vld [tilespmem:s11+$0xFFFFFFA0];
	v39 =	vmul.f32 v39, v17;
	v47 =	vmax.f32 v53, $1.280000030e-22;
	[tilespmem:s5+$0xFFFFFF80] =	vst v20;
	v18 =	vmovc v45  }
0x80: {  	v16 =	vmovc v15;
	v34 =	vld [tilespmem:s11+$0xFFFFFFB0];
	v44 =	vmul.f32 v45, v18;
	v51 =	vshra.s32 v47, $0x1;
	v52 =	vmul.f32 $3.906250000e-03, v47;
	[tilespmem:s5+$0x20] =	vst v36;
	v15 =	vmovc v43  }
0x81: {  	v36 =	vld [tilespmem:s11+$0xFFFFFFC0];
	v43 =	vmul.f32 v43, v15;
	v45 =	vmul.f32 v30, v30;
	v47 =	vsub.s32 $0x60F759DF, v51;
	[tilespmem:s5+$0x30] =	vst v46;
	v20 =	vmovc v19  }
0x82: {  	v29 =	vmovc v25;
	v19 =	vmov v30;
	v46 =	vmul.f32 v49, v49;
	v51 =	vmul.f32 v47, v52;
	[tilespmem:s5+$0x40] =	vst v41;
	v25 =	vld [tilespmem:s11+$0xFFFFFFD0]  }
0x83: {  	v53 =	vadd.f32 v44, v31;
	v41 =	vld [tilespmem:s11+$0xFFFFFFE0];
	v52 =	vmul.f32 v50, v50;
	v54 =	vadd.f32 v45, v42;
	[tilespmem:s5+$0x50] =	vst v48  }
0x84: {  	v55 =	vadd.f32 v43, v37;
	v42 =	vld [tilespmem:s11+$0xFFFFFFF0];
	v39 =	vadd.f32 v46, v39;
	v43 =	vmul.f32 v47, v51;
	v44, _, _ =	vpop (xrf2);
	[tilespmem:s5+$0x60] =	vst v40  }
0x85: {  	v30 =	vmovc v9;
	v46 =	vmul.f32 v32, v32;
	v45 =	vld [tilespmem:s11+$0xFFFFFF80];
	v48 =	vmul.f32 v34, v34;
	v40 =	vadd.f32 v54, v53  }
0x86: {  	v9 =	vmovc v26;
	v31 =	vmovc v7;
	v51 =	vmul.f32 v36, v36;
	v39 =	vadd.f32 v39, v55;
	v43 =	vsub.f32 $1.500000000e+00, v43  }
0x87: {  	v7 =	vmovc v27;
	v37 =	vmov v33;
	v44 =	vperm.xlane v44, v0;
	v53 =	vmul.f32 v25, v25  }
0x88: {  	v54 =	vmul.f32 v41, v41;
	v39 =	vadd.f32 v39, v40;
	v40 =	vmul.f32 v47, v43;
	v26 =	vmovc v41  }
.Ltmp2:
0x89: {  	v44 =	vmax.f32 v44, $1.280000030e-22;
	v41 =	vmul.f32 v42, v42;
	v43 =	vadd.f32 v53, v52;
	v27 =	vmovc v42;
	(pc) =	sbr.rel @p1 .LBB2_3-.Ltmp2, $4  }
0x8a: {  	v47 =	vmul.f32 v45, v45;
	v42 =	vadd.f32 v54, v46;
	(xrf2) =	vadd.scan.msk.f32 $0xffff, v39;
	v39 =	vmul.f32 v40, v28  }
0x8b: {  	s5 =	sadd.s32 $0x100, s5;
	v28 =	vmovc v49;
	v33 =	vmovc v45;
	v48 =	vadd.f32 v41, v48;
	v41 =	vshra.s32 v44, $0x1;
	v44 =	vmul.f32 $3.906250000e-03, v44  }
0x8c: {  	v46 =	vmul.f32 v35, v2;
	v2 =	vmovc v24;
	v45 =	vadd.f32 v51, v47;
	v41 =	vsub.s32 $0x60F759DF, v41;
	[tilespmem:s5+$0x70] =	vst v39  }
0x8d: {  	s11 =	sadd.s32 $0x100, s11;
	v24 =	vmovc v50;
	v39 =	vadd.f32 v48, v43;
	v43 =	vmul.f32 v41, v44;
	v44 =	vmul.f32 v35, v38  }
0x8e: {  	_ = 	snop  }
0x8f: {  	v38 =	vadd.f32 v42, v45;
	_ =	sdelay $0x1  }
0x90: {  	[tilespmem:s13+$0xFFFFFF90] =	vst v46;
	v5 =	vmul.f32 v35, v5;
	v38 =	vadd.f32 v39, v38  }
0x91: {  	v6 =	vmul.f32 v35, v6;
	[tilespmem:s13+$0xFFFFFFA0] =	vst v44  }
0x92: {  	v4 =	vmul.f32 v35, v4;
	[tilespmem:s13+$0xFFFFFFB0] =	vst v5;
	(xrf2) =	vadd.scan.msk.f32 $0xffff, v38  }
0x93: {  	v31 =	vmul.f32 v35, v31;
	v10 =	vmul.f32 v40, v10;
	[tilespmem:s13+$0xFFFFFFC0] =	vst v6;
	v60, _, _ =	vpop (xrf2)  }
0x94: {  	v61 =	vmul.f32 v41, v43;
	[tilespmem:s13+$0xFFFFFFD0] =	vst v4;
	v38 =	vperm.xlane v60, v0  }
0x95: {  	v12 =	vmul.f32 v40, v12;
	v13 =	vmul.f32 v40, v13;
	[tilespmem:s13+$0xFFFFFFF0] =	vst v31  }
0x96: {  	v5 =	vmul.f32 v35, v30;
	[tilespmem:s5+$0x0] =	vst v10;
	v62 =	vsub.f32 $1.500000000e+00, v61;
	v30 =	vmax.f32 v38, $1.280000030e-22  }
0x97: {  	v10 =	vmul.f32 v40, v11;
	[tilespmem:s5+$0x10] =	vst v12;
	v6 =	vshra.s32 v30, $0x1  }
0x98: {  	[tilespmem:s5+$0x40] =	vst v13;
	v30 =	vmul.f32 $3.906250000e-03, v30;
	v4 =	vsub.s32 $0x60F759DF, v6;
	v6 =	vmul.f32 v41, v62  }
0x99: {  	v11 =	vmul.f32 v40, v14;
	[tilespmem:s13+$0xFFFFFFE0] =	vst v5  }
0x9a: {  	[tilespmem:s5+$0x20] =	vst v10;
	v5 =	vmul.f32 v4, v30;
	v30 =	vmul.f32 v6, v37  }
0x9b: {  	[tilespmem:s5+$0x30] =	vst v11;
	v2 =	vmul.f32 v6, v2  }
0x9c: {  	v1 =	vmul.f32 v6, v1;
	v5 =	vmul.f32 v4, v5;
	v12, _, _ =	vpop (xrf2);
	[tilespmem:s5+$0xFFFFFF80] =	vst v30  }
0x9d: {  	v10 =	vperm.xlane v12, v0;
	v12 =	vmul.f32 v40, v16;
	[tilespmem:s5+$0xFFFFFF90] =	vst v2  }
0x9e: {  	v2 =	vmul.f32 v6, v3;
	[tilespmem:s5+$0xFFFFFFA0] =	vst v1;
	v5 =	vsub.f32 $1.500000000e+00, v5  }
0x9f: {  	v3 =	vmul.f32 v6, v8;
	[tilespmem:s5+$0x50] =	vst v12  }
0xa0: {  	v10 =	vmax.f32 v10, $1.280000030e-22;
	[tilespmem:s5+$0xFFFFFFB0] =	vst v2;
	v4 =	vmul.f32 v4, v5;
	v5 =	vmul.f32 v40, v20  }
0xa1: {  	v1 =	vmul.f32 v6, v29;
	[tilespmem:s5+$0xFFFFFFC0] =	vst v3;
	v12 =	vshra.s32 v10, $0x1;
	v10 =	vmul.f32 $3.906250000e-03, v10  }
0xa2: {  	v2 =	vmul.f32 v6, v9;
	[tilespmem:s5+$0x60] =	vst v5;
	v5 =	vsub.s32 $0x60F759DF, v12  }
0xa3: {  	v3 =	vmul.f32 v6, v7;
	[tilespmem:s5+$0xFFFFFFD0] =	vst v1;
	v10 =	vmul.f32 v5, v10  }
0xa4: {  	[tilespmem:s5+$0xFFFFFFE0] =	vst v2;
	v11 =	vmul.f32 v4, v28  }
0xa5: {  	s10 =	sadd.s32 $0x100, s5;
	[tilespmem:s5+$0xFFFFFFF0] =	vst v3;
	v1 =	vmul.f32 v4, v22;
	v8 =	vmul.f32 v5, v10  }
0xa6: {  	v2 =	vmul.f32 v4, v21;
	[tilespmem:s10+$0x70] =	vst v11  }
0xa7: {  	[tilespmem:s10+$0x0] =	vst v1;
	v1 =	vmul.f32 v4, v23;
	v8 =	vsub.f32 $1.500000000e+00, v8  }
0xa8: {  	[tilespmem:s10+$0x10] =	vst v2;
	v2 =	vmul.f32 v4, v17  }
0xa9: {  	[tilespmem:s10+$0x20] =	vst v1;
	v1 =	vmul.f32 v4, v15;
	v5 =	vmul.f32 v5, v8  }
0xaa: {  	[tilespmem:s10+$0x30] =	vst v2;
	v2 =	vmul.f32 v4, v19  }
0xab: {  	[tilespmem:s10+$0x50] =	vst v1;
	v3 =	vmul.f32 v5, v33  }
0xac: {  	[tilespmem:s10+$0x60] =	vst v2;
	v1 =	vmul.f32 v5, v24  }
0xad: {  	v2 =	vmul.f32 v5, v32;
	[tilespmem:s10+$0xFFFFFF80] =	vst v3  }
0xae: {  	v3 =	vmul.f32 v4, v18;
	[tilespmem:s10+$0xFFFFFF90] =	vst v1  }
0xaf: {  	v1 =	vmul.f32 v5, v34;
	[tilespmem:s10+$0xFFFFFFA0] =	vst v2  }
0xb0: {  	v2 =	vmul.f32 v5, v25;
	[tilespmem:s10+$0x40] =	vst v3  }
0xb1: {  	v3 =	vmul.f32 v5, v36;
	[tilespmem:s10+$0xFFFFFFB0] =	vst v1  }
0xb2: {  	s15 =	sshll.u32 s0, $0xF;
	v1 =	vmul.f32 v5, v26;
	[tilespmem:s10+$0xFFFFFFD0] =	vst v2  }
0xb3: {  	s5 =	sadd.s32 s6, s15;
	[tilespmem:s10+$0xFFFFFFC0] =	vst v3;
	v3 =	vmul.f32 v5, v27  }
0xb4: {  	s5 =	sshrl.u32 s5, $0x3;
	[tilespmem:s10+$0xFFFFFFE0] =	vst v1  }
0xb5: {  	p1 =	seq.s32 s0, $0x63;
	s5 =	sadd.s32 s3, s5;
	[tilespmem:s10+$0xFFFFFFF0] =	vst v3  }
0xb6: {  	[hbm4b:s5+s4] =	stream.linear.scatter [tilespmem:s20], [sflag:$0x5], $0x2000, $0x38;
	[tilespmem:$0x16400] =	vst v63  }
0xb7: {  	s5 =	sshll.u32 @!p1 s0, $0x8  }
0xb8: {  	s14 =	sand.u32 @!p1 $0x3FFFFF00, s5  }
0xb9: {  	s11 =	simm.s32 @!p1 $0x6400;
	s10 =	simm.s32 @!p1 $0x40;
	s5 =	sadd.s32 @!p1 $0x100, s14  }
0xba: {  	[tilespmem:s11], [sflag:$0x1] =	stream.indirect.gather @!p1 [hbm4b:s2+s10], $0x80, s5, s10, $0xb8;
	[tilespmem:$0x16400] =	vst v63  }
0xbb: {  	_ =	swait.ge [sflag:s21], $0x2000  }
0xbc: {  	[sflag:s21] =	ssyncset.done $0x0  }
0xbd: {  	s5 =	simm.s32 @!p0 $0x6;
	[sflag:s21] =	ssyncadd.s32 $0xFFFFE000  }
0xbe: {  	_ =	swait.ge @!p0 [sflag:s5], $0x2000  }
0xbf: {  	[sflag:s5] =	ssyncset.done @!p0 $0x0  }
0xc0: {  	s16 =	simm.s32 $0x84F0;
	[sflag:s5] =	ssyncadd.s32 @!p0 $0xFFFFE000  }
0xc1: {  	v15 =	vld [tilespmem:s16+$0xFFFFFF90]  }
0xc2: {  	v18 =	vld [tilespmem:s16+$0xFFFFFFA0]  }
0xc3: {  	v19 =	vld [tilespmem:s16+$0xFFFFFFB0]  }
0xc4: {  	v24 =	vld [tilespmem:s16+$0xFFFFFFC0]  }
0xc5: {  	v25 =	vld [tilespmem:s16+$0xFFFFFFD0]  }
0xc6: {  	v26 =	vld [tilespmem:s16+$0xFFFFFFE0]  }
0xc7: {  	v27 =	vld [tilespmem:s16+$0xFFFFFFF0]  }
0xc8: {  	v17 =	vld [tilespmem:s16+$0x0];
	_ =	sdelay $0x1  }
0xc9: {  	v39 =	vld [tilespmem:s16+$0xFFFFFF20];
	v1 =	vmul.f32 v15, v15;
	v2 =	vmul.f32 v18, v18  }
0xca: {  	v38 =	vld [tilespmem:s16+$0xFFFFFF30];
	v3 =	vmul.f32 v19, v19;
	v7 =	vmul.f32 v24, v24  }
0xcb: {  	v5 =	vld [tilespmem:s16+$0xFFFFFF40];
	v4 =	vmul.f32 v25, v25;
	v8 =	vmul.f32 v27, v27  }
0xcc: {  	v31 =	vld [tilespmem:s16+$0xFFFFFF80];
	v9 =	vmul.f32 v26, v26;
	v10 =	vmul.f32 v17, v17  }
0xcd: {  	v63 =	vld [tilespmem:s16+$0xFFFFFF10];
	v1 =	vadd.f32 v4, v1;
	v3 =	vadd.f32 v8, v3  }
0xce: {  	v30 =	vld [tilespmem:s16+$0xFFFFFF70];
	v2 =	vadd.f32 v9, v2;
	v7 =	vadd.f32 v10, v7  }
0xcf: {  	v4 =	vld [tilespmem:s16+$0xFFFFFF60]  }
0xd0: {  	v6 =	vld [tilespmem:s16+$0xFFFFFF50];
	v1 =	vadd.f32 v3, v1;
	v2 =	vadd.f32 v7, v2;
	_ =	sdelay $0x1  }
0xd1: {  	s17 =	simm.s32 $0x85F0;
	v11 =	vmul.f32 v31, v31;
	v12 =	vmul.f32 v63, v63;
	v1 =	vadd.f32 v2, v1  }
0xd2: {  	v14 =	vld [tilespmem:s17+$0xFFFFFFC0];
	v9 =	vmul.f32 v30, v30;
	v3 =	vmul.f32 v38, v38  }
0xd3: {  	v13 =	vld [tilespmem:s17+$0xFFFFFFD0];
	v2 =	vmul.f32 v39, v39;
	(xrf2) =	vadd.scan.msk.f32 $0xffff, v1;
	v1 =	vmul.f32 v4, v4  }
0xd4: {  	v16 =	vld [tilespmem:s17+$0xFFFFFFE0];
	v8 =	vmul.f32 v6, v6;
	v7 =	vmul.f32 v5, v5  }
0xd5: {  	v20 =	vld [tilespmem:s17+$0xFFFFFFF0];
	v1 =	vadd.f32 v1, v2;
	v2 =	vadd.f32 v9, v3  }
0xd6: {  	v41 =	vld [tilespmem:s17+$0x0];
	v3 =	vadd.f32 v11, v7;
	v7 =	vadd.f32 v8, v12  }
0xd7: {  	v10 =	vld [tilespmem:s17+$0xFFFFFF90]  }
0xd8: {  	v12 =	vld [tilespmem:s17+$0xFFFFFFA0];
	v1 =	vadd.f32 v3, v1;
	v2 =	vadd.f32 v2, v7  }
0xd9: {  	v11 =	vld [tilespmem:s17+$0xFFFFFFB0]  }
0xda: {  	v1 =	vadd.f32 v1, v2  }
0xdb: {  	v22 =	vmul.f32 v14, v14;
	v23 =	vmul.f32 v13, v13  }
0xdc: {  	v28 =	vmul.f32 v20, v20;
	v47 =	vmul.f32 v16, v16;
	(xrf2) =	vadd.scan.msk.f32 $0xffff, v1  }
0xdd: {  	v48 =	vmul.f32 v41, v41;
	v7 =	vmul.f32 v10, v10  }
0xde: {  	v37 =	vld [tilespmem:s17+$0xFFFFFF10];
	v9 =	vmul.f32 v12, v12;
	v21 =	vmul.f32 v11, v11  }
0xdf: {  	v22 =	vadd.f32 v48, v22;
	v2 =	vld [tilespmem:s17+$0xFFFFFF20];
	v23 =	vadd.f32 v23, v7;
	v1, _, _ =	vpop (xrf2)  }
0xe0: {  	v21 =	vadd.f32 v28, v21;
	v33 =	vadd.f32 v47, v9;
	v9 =	vld [tilespmem:s17+$0xFFFFFF70];
	v3 =	vperm.xlane v1, v0  }
0xe1: {  	v1 =	vld [tilespmem:s17+$0xFFFFFF30]  }
0xe2: {  	v7 =	vld [tilespmem:s17+$0xFFFFFF80];
	v21 =	vadd.f32 v21, v23;
	v22 =	vadd.f32 v22, v33;
	v8 =	vmax.f32 v3, $1.280000030e-22  }
0xe3: {  	v3 =	vld [tilespmem:s17+$0xFFFFFF40];
	v29 =	vshra.s32 v8, $0x1;
	v49 =	vmul.f32 $3.906250000e-03, v8  }
0xe4: {  	v58 =	vmul.f32 v37, v37;
	v21 =	vadd.f32 v22, v21;
	v8 =	vld [tilespmem:s17+$0xFFFFFF50];
	v28 =	vsub.s32 $0x60F759DF, v29  }
0xe5: {  	v23 =	vmul.f32 v2, v2;
	v29 =	vld [tilespmem:s17+$0xFFFFFF60];
	v50 =	vmul.f32 v28, v49  }
0xe6: {  	(xrf2) =	vadd.scan.msk.f32 $0xffff, v21;
	v21 =	vmul.f32 v9, v9;
	v53 =	vmul.f32 v1, v1;
	v52, _, _ =	vpop (xrf2)  }
0xe7: {  	v51 =	vmul.f32 v28, v50;
	v34 =	vperm.xlane v52, v0  }
0xe8: {  	v57 =	vmul.f32 v7, v7;
	v22 =	vmul.f32 v3, v3;
	v35 =	vadd.f32 v21, v53  }
0xe9: {  	v54 =	vmul.f32 v8, v8;
	v33 =	vsub.f32 $1.500000000e+00, v51;
	v34 =	vmax.f32 v34, $1.280000030e-22  }
0xea: {  	s28 =	simm.s32 $0x86F0;
	v55 =	vmul.f32 v29, v29;
	v56 =	vshra.s32 v34, $0x1;
	v34 =	vmul.f32 $3.906250000e-03, v34  }
0xeb: {  	v32 =	vld [tilespmem:s28+$0xFFFFFF30];
	v36 =	vadd.f32 v54, v58;
	v28 =	vmul.f32 v28, v33;
	v42 =	vsub.s32 $0x60F759DF, v56  }
0xec: {  	v59 =	vadd.f32 v57, v22;
	v22 =	vld [tilespmem:s28+$0xFFFFFF90];
	v23 =	vadd.f32 v55, v23;
	v34 =	vmul.f32 v42, v34  }
0xed: {  	v35 =	vadd.f32 v35, v36;
	v60 =	vmul.f32 v28, v17;
	v62 =	vmul.f32 v28, v18;
	v18 =	vld [tilespmem:s28+$0xFFFFFFD0]  }
0xee: {  	v21 =	vld [tilespmem:s28+$0xFFFFFFA0];
	v33 =	vadd.f32 v59, v23;
	v61 =	vmul.f32 v28, v15;
	v34 =	vmul.f32 v42, v34  }
0xef: {  	v45 =	vmul.f32 v28, v19;
	v46 =	vmul.f32 v28, v24;
	v19 =	vld [tilespmem:s28+$0xFFFFFFF0]  }
0xf0: {  	v23 =	vld [tilespmem:s28+$0xFFFFFFB0];
	v47 =	vmul.f32 v28, v26;
	v33 =	vadd.f32 v33, v35;
	v34 =	vsub.f32 $1.500000000e+00, v34  }
0xf1: {  	v15 =	vld [tilespmem:s28+$0xFFFFFFE0];
	v48 =	vmul.f32 v28, v27;
	v26 =	vmul.f32 v22, v22  }
0xf2: {  	v17 =	vld [tilespmem:s28+$0xFFFFFFC0];
	v24, _, _ =	vpop (xrf2);
	(xrf2) =	vadd.scan.msk.f32 $0xffff, v33;
	v51 =	vmul.f32 v18, v18;
	v35 =	vmul.f32 v42, v34  }
0xf3: {  	v42 =	vmul.f32 v28, v25;
	v28 =	vld [tilespmem:s28+$0x0];
	v25 =	vperm.xlane v24, v0  }
0xf4: {  	v27 =	vmul.f32 v21, v21;
	v55 =	vmul.f32 v19, v19;
	v57 =	vadd.f32 v51, v26;
	v26 =	vld [tilespmem:s28+$0xFFFFFF70]  }
0xf5: {  	v24 =	vld [tilespmem:s28+$0xFFFFFF20];
	v49 =	vmul.f32 v35, v63;
	v63 =	vmul.f32 v23, v23;
	v25 =	vmax.f32 v25, $1.280000030e-22  }
0xf6: {  	v54 =	vmul.f32 v15, v15;
	v52 =	vshra.s32 v25, $0x1;
	v53 =	vmul.f32 $3.906250000e-03, v25;
	v25 =	vld [tilespmem:s28+$0xFFFFFF60]  }
0xf7: {  	s16 =	simm.s32 $0x104F0;
	v50 =	vmul.f32 v17, v17;
	v34 =	vld [tilespmem:s28+$0xFFFFFF40];
	v52 =	vsub.s32 $0x60F759DF, v52;
	v58 =	vadd.f32 v55, v63  }
0xf8: {  	[tilespmem:s16+$0x0] =	vst v60;
	v60 =	vadd.f32 v54, v27;
	v27 =	vld [tilespmem:s28+$0xFFFFFF80];
	v56 =	vmul.f32 v28, v28;
	v53 =	vmul.f32 v52, v53  }
0xf9: {  	v36 =	vld [tilespmem:s28+$0xFFFFFF50];
	[tilespmem:s16+$0xFFFFFF90] =	vst v61;
	v61 =	vmul.f32 v32, v32;
	v40 =	vadd.f32 v58, v57;
	v57 =	vmul.f32 v26, v26  }
0xfa: {  	[tilespmem:s16+$0xFFFFFFA0] =	vst v62;
	v33 =	vld [tilespmem:s28+$0xFFFFFF10];
	v50 =	vadd.f32 v56, v50;
	v53 =	vmul.f32 v52, v53  }
0xfb: {  	[tilespmem:s16+$0xFFFFFFD0] =	vst v42;
	v59 =	vmul.f32 v24, v24;
	v56 =	vmul.f32 v25, v25;
	v42 =	vadd.f32 v57, v61  }
0xfc: {  	[tilespmem:s16+$0xFFFFFFB0] =	vst v45;
	v62 =	vmul.f32 v34, v34;
	v63, _, _ =	vpop (xrf2);
	v43 =	vadd.f32 v50, v60;
	v53 =	vsub.f32 $1.500000000e+00, v53  }
0xfd: {  	[tilespmem:s16+$0xFFFFFF10] =	vst v49;
	v49 =	vperm.xlane v63, v0;
	v58 =	vadd.f32 v56, v59;
	v59 =	vmul.f32 v27, v27  }
0xfe: {  	[tilespmem:s16+$0xFFFFFFC0] =	vst v46;
	v50 =	vmul.f32 v36, v36;
	v43 =	vadd.f32 v43, v40;
	v40 =	vmul.f32 v52, v53  }
0xff: {  	[tilespmem:s16+$0xFFFFFFE0] =	vst v47;
	v60 =	vmul.f32 v33, v33;
	v49 =	vmax.f32 v49, $1.280000030e-22;
	v62 =	vadd.f32 v59, v62  }
0x100: {  	v63 =	vshra.s32 v49, $0x1;
	v49 =	vmul.f32 $3.906250000e-03, v49;
	v61 =	vmul.f32 v40, v41;
	(xrf2) =	vadd.scan.msk.f32 $0xffff, v43  }
0x101: {  	s13 =	sshll.u32 s0, $0x8;
	s15 =	simm.s32 $0x105F0;
	[tilespmem:s16+$0xFFFFFFF0] =	vst v48;
	v46 =	vmul.f32 v35, v39;
	v45 =	vadd.f32 v50, v60;
	v41 =	vsub.s32 $0x60F759DF, v63  }
0x102: {  	s10 =	simm.s32 $0x4;
	s11 =	simm.s32 $0x87F0;
	s5 =	sadd.s32 s13, s7;
	v44 =	vmul.f32 v35, v38;
	v39 =	vadd.f32 v62, v58;
	v43 =	vmul.f32 v41, v49;
	[tilespmem:s15+$0x0] =	vst v61  }
.LBB2_5:
0x103: {  	v42 =	vadd.f32 v42, v45;
	[tilespmem:s16+$0xFFFFFF20] =	vst v46;
	v45 =	vmul.f32 v35, v5;
	v46 =	vmul.f32 v35, v6  }
0x104: {  	v47 =	vld [tilespmem:s11+$0xFFFFFF90];
	v38 =	vmovc v1;
	v1 =	vmovc v32;
	v5 =	vmov v3;
	v3 =	vmov v34;
	v6 =	vmov v8  }
0x105: {  	v8 =	vmovc v36;
	v32 =	vld [tilespmem:s11+$0xFFFFFFA0];
	v34 =	vmul.f32 v41, v43;
	[tilespmem:s16+$0xFFFFFF30] =	vst v44;
	v43 =	vmul.f32 v35, v4;
	v4 =	vmov v29  }
0x106: {  	v30 =	vmul.f32 v35, v30;
	v31 =	vmul.f32 v35, v31;
	v29 =	vld [tilespmem:s11+$0xFFFFFFB0];
	v36 =	vadd.f32 v39, v42;
	[tilespmem:s16+$0xFFFFFF40] =	vst v45  }
0x107: {  	v44 =	vmul.f32 v40, v12;
	v42 =	vmul.f32 v40, v10;
	v10 =	vmovc v22;
	v39 =	vld [tilespmem:s11+$0xFFFFFFC0];
	v34 =	vsub.f32 $1.500000000e+00, v34;
	[tilespmem:s16+$0xFFFFFF50] =	vst v46  }
0x108: {  	v12 =	vmovc v21;
	v46 =	vmul.f32 v40, v14;
	v45 =	vld [tilespmem:s11+$0xFFFFFFD0];
	(xrf2) =	vadd.scan.msk.f32 $0xffff, v36;
	v36 =	vmul.f32 v40, v11;
	[tilespmem:s16+$0xFFFFFF60] =	vst v43  }
0x109: {  	v11 =	vmovc v23;
	v43 =	vld [tilespmem:s11+$0xFFFFFFE0];
	v35 =	vmul.f32 v41, v34;
	v41 =	vmul.f32 v40, v13;
	[tilespmem:s16+$0xFFFFFF70] =	vst v30;
	v22 =	vmov v47  }
0x10a: {  	v48 =	vmul.f32 v40, v16;
	v40 =	vmul.f32 v40, v20;
	v30 =	vld [tilespmem:s11+$0xFFFFFFF0];
	v13, _, _ =	vpop (xrf2);
	[tilespmem:s16+$0xFFFFFF80] =	vst v31;
	v21 =	vmov v32;
	s16 =	smov.u32 s15  }
0x10b: {  	s10 =	sadd.s32 $0x2, s10;
	v14 =	vmovc v17;
	v49 =	vld [tilespmem:s11+$0x0];
	v53 =	vperm.xlane v13, v0;
	v20 =	vmul.f32 v35, v37;
	[tilespmem:s15+$0xFFFFFF90] =	vst v42;
	v23 =	vmov v29  }
0x10c: {  	p2 =	slt.u32 s10, $0x3E;
	v31 =	vmul.f32 v47, v22;
	v37 =	vmul.f32 v32, v21;
	v13 =	vmovc v18;
	v50 =	vld [tilespmem:s11+$0xFFFFFF20];
	[tilespmem:s15+$0xFFFFFFA0] =	vst v44;
	v17 =	vmov v39  }
0x10d: {  	v42 =	vmul.f32 v29, v23;
	v32 =	vld [tilespmem:s11+$0xFFFFFF30];
	v39 =	vmul.f32 v39, v17;
	v47 =	vmax.f32 v53, $1.280000030e-22;
	[tilespmem:s15+$0xFFFFFF10] =	vst v20;
	v18 =	vmovc v45  }
0x10e: {  	v16 =	vmovc v15;
	v34 =	vld [tilespmem:s11+$0xFFFFFF40];
	v44 =	vmul.f32 v45, v18;
	v51 =	vshra.s32 v47, $0x1;
	v52 =	vmul.f32 $3.906250000e-03, v47;
	[tilespmem:s15+$0xFFFFFFB0] =	vst v36;
	v15 =	vmovc v43  }
0x10f: {  	v36 =	vld [tilespmem:s11+$0xFFFFFF50];
	v43 =	vmul.f32 v43, v15;
	v45 =	vmul.f32 v30, v30;
	v47 =	vsub.s32 $0x60F759DF, v51;
	[tilespmem:s15+$0xFFFFFFC0] =	vst v46;
	v20 =	vmovc v19  }
0x110: {  	v29 =	vmovc v25;
	v19 =	vmov v30;
	v46 =	vmul.f32 v49, v49;
	v51 =	vmul.f32 v47, v52;
	[tilespmem:s15+$0xFFFFFFD0] =	vst v41;
	v25 =	vld [tilespmem:s11+$0xFFFFFF60]  }
0x111: {  	v53 =	vadd.f32 v44, v31;
	v41 =	vld [tilespmem:s11+$0xFFFFFF70];
	v52 =	vmul.f32 v50, v50;
	v54 =	vadd.f32 v45, v42;
	[tilespmem:s15+$0xFFFFFFE0] =	vst v48  }
0x112: {  	v55 =	vadd.f32 v43, v37;
	v42 =	vld [tilespmem:s11+$0xFFFFFF80];
	v39 =	vadd.f32 v46, v39;
	v43 =	vmul.f32 v47, v51;
	v44, _, _ =	vpop (xrf2);
	[tilespmem:s15+$0xFFFFFFF0] =	vst v40  }
0x113: {  	v30 =	vmovc v9;
	v46 =	vmul.f32 v32, v32;
	v45 =	vld [tilespmem:s11+$0xFFFFFF10];
	v48 =	vmul.f32 v34, v34;
	v40 =	vadd.f32 v54, v53  }
0x114: {  	v9 =	vmovc v26;
	v31 =	vmovc v7;
	v51 =	vmul.f32 v36, v36;
	v39 =	vadd.f32 v39, v55;
	v43 =	vsub.f32 $1.500000000e+00, v43  }
0x115: {  	v7 =	vmovc v27;
	v37 =	vmov v33;
	v44 =	vperm.xlane v44, v0;
	v53 =	vmul.f32 v25, v25  }
0x116: {  	v54 =	vmul.f32 v41, v41;
	v39 =	vadd.f32 v39, v40;
	v40 =	vmul.f32 v47, v43;
	v26 =	vmovc v41  }
.Ltmp3:
0x117: {  	v44 =	vmax.f32 v44, $1.280000030e-22;
	v41 =	vmul.f32 v42, v42;
	v43 =	vadd.f32 v53, v52;
	v27 =	vmovc v42;
	(pc) =	sbr.rel @p2 .LBB2_5-.Ltmp3, $4  }
0x118: {  	v47 =	vmul.f32 v45, v45;
	v42 =	vadd.f32 v54, v46;
	(xrf2) =	vadd.scan.msk.f32 $0xffff, v39;
	v39 =	vmul.f32 v40, v28  }
0x119: {  	s15 =	sadd.s32 $0x100, s15;
	v28 =	vmovc v49;
	v33 =	vmovc v45;
	v48 =	vadd.f32 v41, v48;
	v41 =	vshra.s32 v44, $0x1;
	v44 =	vmul.f32 $3.906250000e-03, v44  }
0x11a: {  	v46 =	vmul.f32 v35, v2;
	v2 =	vmovc v24;
	v45 =	vadd.f32 v51, v47;
	v41 =	vsub.s32 $0x60F759DF, v41;
	[tilespmem:s15+$0x0] =	vst v39  }
0x11b: {  	s11 =	sadd.s32 $0x100, s11;
	v24 =	vmovc v50;
	v39 =	vadd.f32 v48, v43;
	v43 =	vmul.f32 v41, v44;
	v44 =	vmul.f32 v35, v38  }
0x11c: {  	_ = 	snop  }
0x11d: {  	v38 =	vadd.f32 v42, v45;
	_ =	sdelay $0x1  }
0x11e: {  	[tilespmem:s16+$0xFFFFFF20] =	vst v46;
	v5 =	vmul.f32 v35, v5;
	v38 =	vadd.f32 v39, v38  }
0x11f: {  	v6 =	vmul.f32 v35, v6;
	[tilespmem:s16+$0xFFFFFF30] =	vst v44  }
0x120: {  	v4 =	vmul.f32 v35, v4;
	[tilespmem:s16+$0xFFFFFF40] =	vst v5;
	(xrf2) =	vadd.scan.msk.f32 $0xffff, v38  }
0x121: {  	v31 =	vmul.f32 v35, v31;
	v10 =	vmul.f32 v40, v10;
	[tilespmem:s16+$0xFFFFFF50] =	vst v6;
	v48, _, _ =	vpop (xrf2)  }
0x122: {  	v49 =	vmul.f32 v41, v43;
	[tilespmem:s16+$0xFFFFFF60] =	vst v4;
	v38 =	vperm.xlane v48, v0  }
0x123: {  	v12 =	vmul.f32 v40, v12;
	v13 =	vmul.f32 v40, v13;
	[tilespmem:s16+$0xFFFFFF80] =	vst v31  }
0x124: {  	v5 =	vmul.f32 v35, v30;
	[tilespmem:s15+$0xFFFFFF90] =	vst v10;
	v50 =	vsub.f32 $1.500000000e+00, v49;
	v30 =	vmax.f32 v38, $1.280000030e-22  }
0x125: {  	v10 =	vmul.f32 v40, v11;
	[tilespmem:s15+$0xFFFFFFA0] =	vst v12;
	v6 =	vshra.s32 v30, $0x1  }
0x126: {  	[tilespmem:s15+$0xFFFFFFD0] =	vst v13;
	v30 =	vmul.f32 $3.906250000e-03, v30;
	v4 =	vsub.s32 $0x60F759DF, v6;
	v6 =	vmul.f32 v41, v50  }
0x127: {  	v11 =	vmul.f32 v40, v14;
	[tilespmem:s16+$0xFFFFFF70] =	vst v5  }
0x128: {  	[tilespmem:s15+$0xFFFFFFB0] =	vst v10;
	v5 =	vmul.f32 v4, v30;
	v30 =	vmul.f32 v6, v37  }
0x129: {  	[tilespmem:s15+$0xFFFFFFC0] =	vst v11;
	v2 =	vmul.f32 v6, v2  }
0x12a: {  	v1 =	vmul.f32 v6, v1;
	v5 =	vmul.f32 v4, v5;
	v12, _, _ =	vpop (xrf2);
	[tilespmem:s15+$0xFFFFFF10] =	vst v30  }
0x12b: {  	v10 =	vperm.xlane v12, v0;
	v12 =	vmul.f32 v40, v16;
	[tilespmem:s15+$0xFFFFFF20] =	vst v2  }
0x12c: {  	v2 =	vmul.f32 v6, v3;
	[tilespmem:s15+$0xFFFFFF30] =	vst v1;
	v5 =	vsub.f32 $1.500000000e+00, v5  }
0x12d: {  	v3 =	vmul.f32 v6, v8;
	[tilespmem:s15+$0xFFFFFFE0] =	vst v12  }
0x12e: {  	v10 =	vmax.f32 v10, $1.280000030e-22;
	[tilespmem:s15+$0xFFFFFF40] =	vst v2;
	v4 =	vmul.f32 v4, v5;
	v5 =	vmul.f32 v40, v20  }
0x12f: {  	v1 =	vmul.f32 v6, v29;
	[tilespmem:s15+$0xFFFFFF50] =	vst v3;
	v12 =	vshra.s32 v10, $0x1;
	v10 =	vmul.f32 $3.906250000e-03, v10  }
0x130: {  	v2 =	vmul.f32 v6, v9;
	[tilespmem:s15+$0xFFFFFFF0] =	vst v5;
	v5 =	vsub.s32 $0x60F759DF, v12  }
0x131: {  	v3 =	vmul.f32 v6, v7;
	[tilespmem:s15+$0xFFFFFF60] =	vst v1;
	v10 =	vmul.f32 v5, v10  }
0x132: {  	[tilespmem:s15+$0xFFFFFF70] =	vst v2;
	v11 =	vmul.f32 v4, v28  }
0x133: {  	s10 =	sadd.s32 $0x100, s15;
	[tilespmem:s15+$0xFFFFFF80] =	vst v3;
	v1 =	vmul.f32 v4, v22;
	v8 =	vmul.f32 v5, v10  }
0x134: {  	v2 =	vmul.f32 v4, v21;
	[tilespmem:s10+$0x0] =	vst v11  }
0x135: {  	[tilespmem:s10+$0xFFFFFF90] =	vst v1;
	v1 =	vmul.f32 v4, v23;
	v8 =	vsub.f32 $1.500000000e+00, v8  }
0x136: {  	[tilespmem:s10+$0xFFFFFFA0] =	vst v2;
	v2 =	vmul.f32 v4, v17  }
0x137: {  	[tilespmem:s10+$0xFFFFFFB0] =	vst v1;
	v1 =	vmul.f32 v4, v15;
	v5 =	vmul.f32 v5, v8  }
0x138: {  	[tilespmem:s10+$0xFFFFFFC0] =	vst v2;
	v2 =	vmul.f32 v4, v19  }
0x139: {  	[tilespmem:s10+$0xFFFFFFE0] =	vst v1;
	v3 =	vmul.f32 v5, v33  }
0x13a: {  	[tilespmem:s10+$0xFFFFFFF0] =	vst v2;
	v1 =	vmul.f32 v5, v24  }
0x13b: {  	v2 =	vmul.f32 v5, v32;
	[tilespmem:s10+$0xFFFFFF10] =	vst v3  }
0x13c: {  	v3 =	vmul.f32 v4, v18;
	[tilespmem:s10+$0xFFFFFF20] =	vst v1  }
0x13d: {  	v1 =	vmul.f32 v5, v34;
	[tilespmem:s10+$0xFFFFFF30] =	vst v2  }
0x13e: {  	v2 =	vmul.f32 v5, v25;
	[tilespmem:s10+$0xFFFFFFD0] =	vst v3  }
0x13f: {  	v3 =	vmul.f32 v5, v36;
	[tilespmem:s10+$0xFFFFFF40] =	vst v1  }
0x140: {  	v1 =	vmul.f32 v5, v26;
	[tilespmem:s10+$0xFFFFFF60] =	vst v2  }
0x141: {  	[tilespmem:s10+$0xFFFFFF50] =	vst v3;
	v3 =	vmul.f32 v5, v27  }
0x142: {  	s5 =	sshll.u32 s5, $0x4;
	[tilespmem:s10+$0xFFFFFF70] =	vst v1  }
0x143: {  	s5 =	sadd.s32 s3, s5;
	[tilespmem:s10+$0xFFFFFF80] =	vst v3  }
0x144: {  	[hbm4b:s5+s4] =	stream.linear.scatter [tilespmem:s22], [sflag:$0x6], $0x2000, $0x38;
	[tilespmem:$0x16400] =	vst v63  }
0x145: {  	s11 =	simm.s32 @!p1 $0x8400;
	s10 =	simm.s32 @!p1 $0x40;
	s5 =	sadd.s32 @!p1 $0x140, s14  }
0x146: {  	[tilespmem:s11], [sflag:$0x2] =	stream.indirect.gather @!p1 [hbm4b:s2+s10], $0x80, s5, s10, $0xb8;
	[tilespmem:$0x16400] =	vst v63  }
0x147: {  	_ =	swait.ge [sflag:s23], $0x2000  }
0x148: {  	[sflag:s23] =	ssyncset.done $0x0  }
0x149: {  	s5 =	simm.s32 @!p0 $0x7;
	[sflag:s23] =	ssyncadd.s32 $0xFFFFE000  }
0x14a: {  	_ =	swait.ge @!p0 [sflag:s5], $0x2000  }
0x14b: {  	[sflag:s5] =	ssyncset.done @!p0 $0x0  }
0x14c: {  	s16 =	simm.s32 $0x0;
	[sflag:s5] =	ssyncadd.s32 @!p0 $0xFFFFE000  }
0x14d: {  	v16 =	vld [tilespmem:s16+$0xA480]  }
0x14e: {  	v19 =	vld [tilespmem:s16+$0xA490]  }
0x14f: {  	v21 =	vld [tilespmem:s16+$0xA4A0]  }
0x150: {  	v25 =	vld [tilespmem:s16+$0xA4B0]  }
0x151: {  	v26 =	vld [tilespmem:s16+$0xA4C0]  }
0x152: {  	v28 =	vld [tilespmem:s16+$0xA4D0]  }
0x153: {  	v29 =	vld [tilespmem:s16+$0xA4E0]  }
0x154: {  	v18 =	vld [tilespmem:s16+$0xA4F0];
	_ =	sdelay $0x1  }
0x155: {  	v33 =	vld [tilespmem:s16+$0xA400];
	v1 =	vmul.f32 v16, v16;
	v2 =	vmul.f32 v19, v19  }
0x156: {  	v39 =	vld [tilespmem:s16+$0xA410];
	v3 =	vmul.f32 v21, v21;
	v5 =	vmul.f32 v25, v25  }
0x157: {  	v4 =	vld [tilespmem:s16+$0xA420];
	v7 =	vmul.f32 v26, v26;
	v8 =	vmul.f32 v29, v29  }
0x158: {  	v6 =	vld [tilespmem:s16+$0xA430];
	v9 =	vmul.f32 v28, v28;
	v10 =	vmul.f32 v18, v18  }
0x159: {  	v32 =	vld [tilespmem:s16+$0xA440];
	v1 =	vadd.f32 v7, v1;
	v3 =	vadd.f32 v8, v3  }
0x15a: {  	v34 =	vld [tilespmem:s16+$0xA450];
	v2 =	vadd.f32 v9, v2;
	v5 =	vadd.f32 v10, v5  }
0x15b: {  	v36 =	vld [tilespmem:s16+$0xA460]  }
0x15c: {  	v3 =	vadd.f32 v3, v1;
	v2 =	vadd.f32 v5, v2;
	v1 =	vld [tilespmem:s16+$0xA470];
	_ =	sdelay $0x1  }
0x15d: {  	s15 =	simm.s32 $0x100;
	v7 =	vmul.f32 v4, v4;
	v8 =	vmul.f32 v6, v6;
	v2 =	vadd.f32 v2, v3  }
0x15e: {  	v11 =	vld [tilespmem:s15+$0xA480];
	v9 =	vmul.f32 v34, v34;
	v5 =	vmul.f32 v39, v39  }
0x15f: {  	v13 =	vld [tilespmem:s15+$0xA490];
	v3 =	vmul.f32 v33, v33;
	(xrf2) =	vadd.scan.msk.f32 $0xffff, v2;
	v2 =	vmul.f32 v32, v32  }
0x160: {  	v14 =	vld [tilespmem:s15+$0xA4C0];
	v10 =	vmul.f32 v36, v36;
	v12 =	vmul.f32 v1, v1  }
0x161: {  	v17 =	vld [tilespmem:s15+$0xA4D0];
	v2 =	vadd.f32 v2, v3;
	v3 =	vadd.f32 v9, v5  }
0x162: {  	v20 =	vld [tilespmem:s15+$0xA4E0];
	v5 =	vadd.f32 v10, v7;
	v7 =	vadd.f32 v12, v8  }
0x163: {  	v41 =	vld [tilespmem:s15+$0xA4F0]  }
0x164: {  	v12 =	vld [tilespmem:s15+$0xA4A0];
	v2 =	vadd.f32 v5, v2;
	v3 =	vadd.f32 v7, v3  }
0x165: {  	v15 =	vld [tilespmem:s15+$0xA4B0]  }
0x166: {  	v2 =	vadd.f32 v3, v2  }
0x167: {  	v22 =	vmul.f32 v14, v14;
	v23 =	vmul.f32 v20, v20  }
0x168: {  	v30 =	vmul.f32 v17, v17;
	v31 =	vmul.f32 v41, v41  }
0x169: {  	v7 =	vmul.f32 v11, v11;
	v9 =	vmul.f32 v12, v12  }
0x16a: {  	v10 =	vmul.f32 v15, v15;
	v8 =	vmul.f32 v13, v13;
	(xrf2) =	vadd.scan.msk.f32 $0xffff, v2;
	v2, _, _ =	vpop (xrf2)  }
0x16b: {  	v27 =	vld [tilespmem:s15+$0xA400];
	v22 =	vadd.f32 v22, v7;
	v23 =	vadd.f32 v23, v9;
	v3 =	vperm.xlane v2, v0  }
0x16c: {  	v10 =	vadd.f32 v31, v10;
	v30 =	vadd.f32 v30, v8;
	v8 =	vld [tilespmem:s15+$0xA460]  }
0x16d: {  	v7 =	vld [tilespmem:s15+$0xA440];
	v22 =	vadd.f32 v23, v22;
	v5 =	vmax.f32 v3, $1.280000030e-22  }
0x16e: {  	v9 =	vld [tilespmem:s15+$0xA450];
	v23 =	vadd.f32 v10, v30;
	v24 =	vshra.s32 v5, $0x1;
	v51 =	vmul.f32 $3.906250000e-03, v5  }
0x16f: {  	v3 =	vld [tilespmem:s15+$0xA420];
	v24 =	vsub.s32 $0x60F759DF, v24  }
0x170: {  	v2 =	vld [tilespmem:s15+$0xA410];
	v22 =	vadd.f32 v23, v22;
	v31 =	vmul.f32 v24, v51  }
0x171: {  	v10 =	vld [tilespmem:s15+$0xA470]  }
0x172: {  	v57 =	vmul.f32 v8, v8;
	v5 =	vld [tilespmem:s15+$0xA430];
	(xrf2) =	vadd.scan.msk.f32 $0xffff, v22;
	v31 =	vmul.f32 v24, v31  }
0x173: {  	v30 =	vmul.f32 v27, v27;
	v55 =	vmul.f32 v7, v7  }
0x174: {  	v22 =	vmul.f32 v9, v9;
	v52, _, _ =	vpop (xrf2);
	v23 =	vmul.f32 v3, v3;
	v31 =	vsub.f32 $1.500000000e+00, v31  }
0x175: {  	v30 =	vadd.f32 v55, v30;
	v53 =	vmul.f32 v2, v2;
	v35 =	vperm.xlane v52, v0  }
0x176: {  	s17 =	simm.s32 $0x200;
	v58 =	vmul.f32 v10, v10;
	v59 =	vmul.f32 v24, v31;
	v24 =	vadd.f32 v57, v23  }
0x177: {  	v37 =	vadd.f32 v22, v53;
	v54 =	vmul.f32 v5, v5;
	v35 =	vmax.f32 v35, $1.280000030e-22;
	v23 =	vld [tilespmem:s17+$0xA490]  }
0x178: {  	v56 =	vshra.s32 v35, $0x1;
	v35 =	vmul.f32 $3.906250000e-03, v35;
	v30 =	vadd.f32 v24, v30;
	v24 =	vld [tilespmem:s17+$0xA4A0]  }
0x179: {  	v31 =	vadd.f32 v58, v54;
	v42 =	vsub.s32 $0x60F759DF, v56;
	v60 =	vmul.f32 v59, v18;
	v18 =	vld [tilespmem:s17+$0xA4B0]  }
0x17a: {  	v35 =	vmul.f32 v42, v35;
	v62 =	vmul.f32 v59, v19;
	v19 =	vld [tilespmem:s17+$0xA4C0]  }
0x17b: {  	v31 =	vadd.f32 v31, v37;
	v61 =	vmul.f32 v59, v16;
	v63 =	vmul.f32 v59, v21;
	v16 =	vld [tilespmem:s17+$0xA4D0]  }
0x17c: {  	v46 =	vmul.f32 v59, v25;
	v21 =	vld [tilespmem:s17+$0xA4E0];
	v47 =	vmul.f32 v59, v28;
	v25, _, _ =	vpop (xrf2)  }
0x17d: {  	v48 =	vmul.f32 v59, v29;
	v30 =	vadd.f32 v31, v30;
	v25 =	vperm.xlane v25, v0  }
0x17e: {  	v22 =	vld [tilespmem:s17+$0xA480];
	v35 =	vmul.f32 v42, v35;
	v28 =	vmul.f32 v23, v23  }
0x17f: {  	v29 =	vld [tilespmem:s17+$0xA400];
	(xrf2) =	vadd.scan.msk.f32 $0xffff, v30;
	v25 =	vmax.f32 v25, $1.280000030e-22;
	v49 =	vmul.f32 v24, v24;
	v50 =	vmul.f32 v18, v18  }
0x180: {  	v35 =	vsub.f32 $1.500000000e+00, v35;
	v30 =	vld [tilespmem:s17+$0xA4F0];
	v51 =	vmul.f32 v19, v19;
	v53 =	vmul.f32 $3.906250000e-03, v25  }
0x181: {  	v37 =	vld [tilespmem:s17+$0xA420];
	v54 =	vmul.f32 v16, v16;
	v55 =	vmul.f32 v21, v21  }
0x182: {  	v52 =	vshra.s32 v25, $0x1;
	v25 =	vld [tilespmem:s17+$0xA440];
	v31 =	vmul.f32 v42, v35;
	v42 =	vmul.f32 v59, v26  }
0x183: {  	[tilespmem:s16+$0x124F0] =	vst v60;
	v26 =	vmul.f32 v22, v22;
	v52 =	vsub.s32 $0x60F759DF, v52;
	v60 =	vadd.f32 v54, v28;
	v28 =	vld [tilespmem:s17+$0xA460]  }
0x184: {  	v53 =	vmul.f32 v52, v53;
	v57 =	vmul.f32 v31, v33;
	v33 =	vld [tilespmem:s17+$0xA410]  }
0x185: {  	[tilespmem:s16+$0x12480] =	vst v61;
	v35 =	vld [tilespmem:s17+$0xA430];
	v49 =	vadd.f32 v55, v49;
	v59 =	vadd.f32 v51, v26;
	v58 =	vmul.f32 v30, v30  }
0x186: {  	[tilespmem:s16+$0x12490] =	vst v62;
	v26 =	vld [tilespmem:s17+$0xA450];
	v51 =	vmul.f32 v29, v29;
	v53 =	vmul.f32 v52, v53  }
0x187: {  	v38 =	vld [tilespmem:s17+$0xA470];
	[tilespmem:s16+$0x124D0] =	vst v47;
	v47 =	vmul.f32 v31, v39;
	v61 =	vadd.f32 v49, v59;
	v50 =	vadd.f32 v58, v50  }
0x188: {  	[tilespmem:s16+$0x124A0] =	vst v63;
	v49 =	vmul.f32 v37, v37;
	v56 =	vmul.f32 v25, v25;
	v63 =	vsub.f32 $1.500000000e+00, v53  }
0x189: {  	[tilespmem:s16+$0x124B0] =	vst v46;
	v59 =	vmul.f32 v28, v28;
	v54 =	vmul.f32 v33, v33;
	v44 =	vadd.f32 v50, v60;
	v62, _, _ =	vpop (xrf2)  }
0x18a: {  	[tilespmem:s16+$0x12400] =	vst v57;
	v43 =	vadd.f32 v56, v51;
	v40 =	vmul.f32 v52, v63;
	v57 =	vperm.xlane v62, v0  }
0x18b: {  	[tilespmem:s16+$0x124E0] =	vst v48;
	v50 =	vmul.f32 v35, v35;
	v58 =	vmul.f32 v26, v26;
	v44 =	vadd.f32 v44, v61  }
0x18c: {  	[tilespmem:s16+$0x124C0] =	vst v42;
	v61 =	vmul.f32 v38, v38;
	v62 =	vmul.f32 v40, v41;
	v60 =	vmax.f32 v57, $1.280000030e-22  }
0x18d: {  	v45 =	vadd.f32 v59, v49;
	(xrf2) =	vadd.scan.msk.f32 $0xffff, v44;
	v63 =	vshra.s32 v60, $0x1;
	v46 =	vmul.f32 $3.906250000e-03, v60  }
0x18e: {  	s10 =	simm.s32 $0x4;
	s11 =	simm.s32 $0xC00;
	s5 =	sadd.s32 s13, s8;
	v42 =	vadd.f32 v58, v54;
	v44 =	vadd.f32 v61, v50;
	[tilespmem:s15+$0x124F0] =	vst v62;
	v41 =	vsub.s32 $0x60F759DF, v63  }
.LBB2_7:
0x18f: {  	v43 =	vadd.f32 v45, v43;
	v45 =	vmul.f32 v41, v46;
	v46 =	vmul.f32 v31, v4;
	v39 =	vmovc v33  }
0x190: {  	s28 =	sshra.s32 s11, $0x2;
	v4 =	vmovc v3;
	v3 =	vmovc v37;
	v33 =	vmov v1;
	v1 =	vmov v10;
	v10 =	vmov v38  }
0x191: {  	v32 =	vmul.f32 v31, v32;
	v37 =	vld [tilespmem:s28+$0xA480];
	v38 =	vadd.f32 v44, v42;
	[tilespmem:s16+$0x12410] =	vst v47;
	v42 =	vmul.f32 v31, v6  }
0x192: {  	v34 =	vmul.f32 v31, v34;
	v6 =	vmovc v5;
	v5 =	vmov v35;
	v44 =	vld [tilespmem:s28+$0xA490];
	v45 =	vmul.f32 v41, v45;
	[tilespmem:s16+$0x12420] =	vst v46  }
0x193: {  	v36 =	vmul.f32 v31, v36;
	v33 =	vmul.f32 v31, v33;
	v35 =	vld [tilespmem:s28+$0xA4A0];
	v38 =	vadd.f32 v38, v43;
	[tilespmem:s16+$0x12430] =	vst v42  }
0x194: {  	v43 =	vmul.f32 v40, v11;
	v11 =	vmovc v22;
	v42 =	vld [tilespmem:s28+$0xA4B0];
	v31 =	vsub.f32 $1.500000000e+00, v45;
	v45 =	vmul.f32 v40, v13;
	[tilespmem:s16+$0x12440] =	vst v32  }
0x195: {  	v46 =	vmul.f32 v40, v15;
	v13 =	vmovc v23;
	v32 =	vld [tilespmem:s28+$0xA4C0];
	(xrf2) =	vadd.scan.msk.f32 $0xffff, v38;
	v38 =	vmul.f32 v40, v12;
	[tilespmem:s16+$0x12450] =	vst v34  }
0x196: {  	v12 =	vmovc v24;
	v34 =	vld [tilespmem:s28+$0xA4D0];
	v31 =	vmul.f32 v41, v31;
	v41 =	vmul.f32 v40, v14;
	[tilespmem:s16+$0x12460] =	vst v36;
	v22 =	vmov v37  }
0x197: {  	s10 =	sadd.s32 $0x2, s10;
	v47 =	vmul.f32 v40, v17;
	v40 =	vmul.f32 v40, v20;
	v36 =	vld [tilespmem:s28+$0xA4E0];
	v14, _, _ =	vpop (xrf2);
	[tilespmem:s16+$0x12470] =	vst v33;
	v23 =	vmov v44;
	s16 =	smov.u32 s15;
	s15 =	smov.u32 s17  }
0x198: {  	p2 =	slt.u32 s10, $0x3E;
	v15 =	vmovc v18;
	s17 =	smov.u32 s28;
	v48 =	vld [tilespmem:s28+$0xA4F0];
	v50 =	vperm.xlane v14, v0;
	v20 =	vmul.f32 v31, v27;
	[tilespmem:s16+$0x12480] =	vst v43;
	v24 =	vmov v35  }
0x199: {  	v49 =	vmul.f32 v37, v22;
	v44 =	vmul.f32 v44, v23;
	v14 =	vmovc v19;
	v43 =	vld [tilespmem:s17+$0xA400];
	[tilespmem:s16+$0x12490] =	vst v45;
	v18 =	vmov v42  }
0x19a: {  	v45 =	vmul.f32 v35, v24;
	v33 =	vld [tilespmem:s17+$0xA410];
	v42 =	vmul.f32 v42, v18;
	v35 =	vmax.f32 v50, $1.280000030e-22;
	[tilespmem:s16+$0x12400] =	vst v20;
	v19 =	vmovc v32  }
0x19b: {  	v17 =	vmovc v16;
	v37 =	vld [tilespmem:s17+$0xA420];
	v32 =	vmul.f32 v32, v19;
	v51 =	vshra.s32 v35, $0x1;
	v53 =	vmul.f32 $3.906250000e-03, v35;
	[tilespmem:s16+$0x124A0] =	vst v38;
	v16 =	vmovc v34  }
0x19c: {  	v35 =	vld [tilespmem:s17+$0xA430];
	v34 =	vmul.f32 v34, v16;
	v38 =	vmul.f32 v36, v36;
	v50 =	vsub.s32 $0x60F759DF, v51;
	[tilespmem:s16+$0x124B0] =	vst v46;
	v20 =	vmovc v21  }
0x19d: {  	v27 =	vmovc v29;
	v21 =	vmov v36;
	v46 =	vld [tilespmem:s17+$0xA440];
	v51 =	vmul.f32 v48, v48;
	v52 =	vmul.f32 v50, v53;
	[tilespmem:s16+$0x124C0] =	vst v41  }
0x19e: {  	v53 =	vadd.f32 v32, v49;
	v36 =	vld [tilespmem:s17+$0xA450];
	v41 =	vmul.f32 v43, v43;
	v54 =	vadd.f32 v38, v45;
	[tilespmem:s16+$0x124D0] =	vst v47  }
0x19f: {  	v55 =	vadd.f32 v34, v44;
	v47 =	vld [tilespmem:s17+$0xA460];
	v42 =	vadd.f32 v51, v42;
	v44 =	vmul.f32 v50, v52;
	v45, _, _ =	vpop (xrf2);
	[tilespmem:s16+$0x124E0] =	vst v40  }
0x1a0: {  	v29 =	vmovc v43;
	v49 =	vmul.f32 v33, v33;
	v38 =	vld [tilespmem:s17+$0xA470];
	v51 =	vmul.f32 v37, v37;
	v40 =	vadd.f32 v54, v53  }
0x1a1: {  	v32 =	vmovc v7;
	v7 =	vmovc v25;
	v52 =	vmul.f32 v35, v35;
	v42 =	vadd.f32 v42, v55;
	v43 =	vsub.f32 $1.500000000e+00, v44  }
0x1a2: {  	v45 =	vperm.xlane v45, v0;
	v34 =	vmovc v9;
	v9 =	vmovc v26;
	v44 =	vmul.f32 v46, v46;
	v25 =	vmov v46  }
.Ltmp4:
0x1a3: {  	v46 =	vmul.f32 v36, v36;
	v53 =	vadd.f32 v42, v40;
	v40 =	vmul.f32 v50, v43;
	v26 =	vmovc v36;
	(pc) =	sbr.rel @p2 .LBB2_7-.Ltmp4, $4  }
0x1a4: {  	v36 =	vmovc v8;
	v8 =	vmovc v28;
	v50 =	vmul.f32 v47, v47;
	v43 =	vadd.f32 v44, v41;
	v41 =	vmax.f32 v45, $1.280000030e-22  }
0x1a5: {  	v44 =	vmul.f32 v38, v38;
	v42 =	vadd.f32 v46, v49;
	(xrf2) =	vadd.scan.msk.f32 $0xffff, v53;
	v49 =	vmul.f32 v40, v30  }
0x1a6: {  	v28 =	vmovc v47;
	v46 =	vmul.f32 $3.906250000e-03, v41;
	v30 =	vmovc v48;
	v45 =	vadd.f32 v50, v51;
	v50 =	vshra.s32 v41, $0x1  }
0x1a7: {  	s11 =	sadd.s32 $0x400, s11;
	v47 =	vmul.f32 v31, v2;
	v2 =	vmovc v39;
	v44 =	vadd.f32 v44, v52;
	v41 =	vsub.s32 $0x60F759DF, v50;
	[tilespmem:s15+$0x124F0] =	vst v49  }
0x1a8: {  	_ =	sdelay $0x1  }
0x1a9: {  	v39 =	vadd.f32 v45, v43;
	v4 =	vmul.f32 v31, v4;
	v42 =	vadd.f32 v44, v42  }
0x1aa: {  	v6 =	vmul.f32 v31, v6;
	[tilespmem:s16+$0x12410] =	vst v47  }
0x1ab: {  	v45 =	vmul.f32 v41, v46;
	v32 =	vmul.f32 v31, v32;
	[tilespmem:s16+$0x12420] =	vst v4;
	v39 =	vadd.f32 v42, v39  }
0x1ac: {  	v1 =	vmul.f32 v31, v1;
	[tilespmem:s16+$0x12430] =	vst v6  }
0x1ad: {  	v11 =	vmul.f32 v40, v11;
	[tilespmem:s16+$0x12440] =	vst v32;
	v42 =	vmul.f32 v41, v45;
	(xrf2) =	vadd.scan.msk.f32 $0xffff, v39  }
0x1ae: {  	v13 =	vmul.f32 v40, v13;
	[tilespmem:s16+$0x12470] =	vst v1;
	v46, _, _ =	vpop (xrf2)  }
0x1af: {  	v4 =	vmul.f32 v31, v34;
	[tilespmem:s15+$0x12480] =	vst v11;
	v49 =	vsub.f32 $1.500000000e+00, v42;
	v39 =	vperm.xlane v46, v0  }
0x1b0: {  	v6 =	vmul.f32 v31, v36;
	[tilespmem:s15+$0x12490] =	vst v13  }
0x1b1: {  	v11 =	vmul.f32 v40, v12;
	[tilespmem:s16+$0x12450] =	vst v4;
	v31 =	vmul.f32 v41, v49;
	v48 =	vmax.f32 v39, $1.280000030e-22  }
0x1b2: {  	v12 =	vmul.f32 v40, v15;
	[tilespmem:s16+$0x12460] =	vst v6;
	v50 =	vshra.s32 v48, $0x1;
	v34 =	vmul.f32 $3.906250000e-03, v48  }
0x1b3: {  	v13 =	vmul.f32 v40, v14;
	[tilespmem:s15+$0x124A0] =	vst v11;
	v1 =	vmul.f32 v31, v27;
	v4 =	vsub.s32 $0x60F759DF, v50  }
0x1b4: {  	v11 =	vmul.f32 v40, v17;
	[tilespmem:s15+$0x124B0] =	vst v12;
	v6 =	vmul.f32 v4, v34  }
0x1b5: {  	[tilespmem:s15+$0x124C0] =	vst v13  }
0x1b6: {  	[tilespmem:s15+$0x124D0] =	vst v11;
	v2 =	vmul.f32 v31, v2;
	v6 =	vmul.f32 v4, v6  }
0x1b7: {  	v3 =	vmul.f32 v31, v3;
	[tilespmem:s15+$0x12400] =	vst v1;
	v1, _, _ =	vpop (xrf2)  }
0x1b8: {  	[tilespmem:s15+$0x12410] =	vst v2;
	v2 =	vmul.f32 v31, v5;
	v1 =	vperm.xlane v1, v0;
	v6 =	vsub.f32 $1.500000000e+00, v6  }
0x1b9: {  	v5 =	vmul.f32 v31, v7;
	[tilespmem:s15+$0x12420] =	vst v3  }
0x1ba: {  	[tilespmem:s15+$0x12430] =	vst v2;
	v1 =	vmax.f32 v1, $1.280000030e-22;
	v4 =	vmul.f32 v4, v6;
	v6 =	vmul.f32 v40, v20  }
0x1bb: {  	v3 =	vmul.f32 v31, v9;
	[tilespmem:s15+$0x12440] =	vst v5;
	v12 =	vshra.s32 v1, $0x1;
	v1 =	vmul.f32 $3.906250000e-03, v1  }
0x1bc: {  	v2 =	vmul.f32 v31, v8;
	[tilespmem:s15+$0x124E0] =	vst v6;
	v6 =	vsub.s32 $0x60F759DF, v12  }
0x1bd: {  	v5 =	vmul.f32 v31, v10;
	[tilespmem:s15+$0x12450] =	vst v3;
	v1 =	vmul.f32 v6, v1  }
0x1be: {  	[tilespmem:s15+$0x12460] =	vst v2;
	v11 =	vmul.f32 v4, v30  }
0x1bf: {  	[tilespmem:s15+$0x12470] =	vst v5;
	v3 =	vmul.f32 v4, v22;
	v1 =	vmul.f32 v6, v1  }
0x1c0: {  	v2 =	vmul.f32 v4, v23;
	[tilespmem:s17+$0x124F0] =	vst v11  }
0x1c1: {  	[tilespmem:s17+$0x12480] =	vst v3;
	v3 =	vmul.f32 v4, v24;
	v1 =	vsub.f32 $1.500000000e+00, v1  }
0x1c2: {  	[tilespmem:s17+$0x12490] =	vst v2;
	v2 =	vmul.f32 v4, v18  }
0x1c3: {  	[tilespmem:s17+$0x124A0] =	vst v3;
	v3 =	vmul.f32 v4, v16;
	v1 =	vmul.f32 v6, v1  }
0x1c4: {  	[tilespmem:s17+$0x124B0] =	vst v2;
	v2 =	vmul.f32 v4, v21  }
0x1c5: {  	[tilespmem:s17+$0x124D0] =	vst v3;
	v5 =	vmul.f32 v1, v29  }
0x1c6: {  	[tilespmem:s17+$0x124E0] =	vst v2;
	v3 =	vmul.f32 v1, v33  }
0x1c7: {  	v2 =	vmul.f32 v1, v37;
	[tilespmem:s17+$0x12400] =	vst v5  }
0x1c8: {  	v5 =	vmul.f32 v4, v19;
	[tilespmem:s17+$0x12410] =	vst v3  }
0x1c9: {  	v3 =	vmul.f32 v1, v35;
	[tilespmem:s17+$0x12420] =	vst v2  }
0x1ca: {  	v4 =	vmul.f32 v1, v25;
	[tilespmem:s17+$0x124C0] =	vst v5  }
0x1cb: {  	v2 =	vmul.f32 v1, v26;
	[tilespmem:s17+$0x12430] =	vst v3  }
0x1cc: {  	v3 =	vmul.f32 v1, v28;
	[tilespmem:s17+$0x12440] =	vst v4  }
0x1cd: {  	v1 =	vmul.f32 v1, v38;
	[tilespmem:s17+$0x12450] =	vst v2  }
0x1ce: {  	s5 =	sshll.u32 s5, $0x4;
	[tilespmem:s17+$0x12460] =	vst v3  }
0x1cf: {  	s5 =	sadd.s32 s3, s5;
	[tilespmem:s17+$0x12470] =	vst v1  }
0x1d0: {  	[hbm4b:s5+s4] =	stream.linear.scatter [tilespmem:s24], [sflag:$0x7], $0x2000, $0x38;
	[tilespmem:$0x16400] =	vst v63  }
0x1d1: {  	s10 =	simm.s32 @!p1 $0x40;
	s11 =	simm.s32 @!p1 $0xA400;
	s5 =	sadd.s32 @!p1 $0x180, s14  }
0x1d2: {  	[tilespmem:s11], [sflag:$0x3] =	stream.indirect.gather @!p1 [hbm4b:s2+s10], $0x80, s5, s10, $0xb8;
	[tilespmem:$0x16400] =	vst v63  }
0x1d3: {  	_ =	swait.ge [sflag:s25], $0x2000  }
0x1d4: {  	[sflag:s25] =	ssyncset.done $0x0  }
0x1d5: {  	s5 =	simm.s32 @!p0 $0x8;
	[sflag:s25] =	ssyncadd.s32 $0xFFFFE000  }
0x1d6: {  	_ =	swait.ge @!p0 [sflag:s5], $0x2000  }
0x1d7: {  	[sflag:s5] =	ssyncset.done @!p0 $0x0  }
0x1d8: {  	s15 =	simm.s32 $0x0;
	[sflag:s5] =	ssyncadd.s32 @!p0 $0xFFFFE000  }
0x1d9: {  	v16 =	vld [tilespmem:s15+$0xC480]  }
0x1da: {  	v19 =	vld [tilespmem:s15+$0xC490]  }
0x1db: {  	v21 =	vld [tilespmem:s15+$0xC4A0]  }
0x1dc: {  	v25 =	vld [tilespmem:s15+$0xC4B0]  }
0x1dd: {  	v26 =	vld [tilespmem:s15+$0xC4C0]  }
0x1de: {  	v28 =	vld [tilespmem:s15+$0xC4D0]  }
0x1df: {  	v29 =	vld [tilespmem:s15+$0xC4E0]  }
0x1e0: {  	v18 =	vld [tilespmem:s15+$0xC4F0];
	_ =	sdelay $0x1  }
0x1e1: {  	v33 =	vld [tilespmem:s15+$0xC400];
	v1 =	vmul.f32 v16, v16;
	v2 =	vmul.f32 v19, v19  }
0x1e2: {  	v39 =	vld [tilespmem:s15+$0xC410];
	v3 =	vmul.f32 v21, v21;
	v5 =	vmul.f32 v25, v25  }
0x1e3: {  	v4 =	vld [tilespmem:s15+$0xC420];
	v7 =	vmul.f32 v26, v26;
	v8 =	vmul.f32 v29, v29  }
0x1e4: {  	v6 =	vld [tilespmem:s15+$0xC430];
	v9 =	vmul.f32 v28, v28;
	v10 =	vmul.f32 v18, v18  }
0x1e5: {  	v32 =	vld [tilespmem:s15+$0xC440];
	v1 =	vadd.f32 v7, v1;
	v3 =	vadd.f32 v8, v3  }
0x1e6: {  	v34 =	vld [tilespmem:s15+$0xC450];
	v2 =	vadd.f32 v9, v2;
	v5 =	vadd.f32 v10, v5  }
0x1e7: {  	v36 =	vld [tilespmem:s15+$0xC460]  }
0x1e8: {  	v3 =	vadd.f32 v3, v1;
	v2 =	vadd.f32 v5, v2;
	v1 =	vld [tilespmem:s15+$0xC470];
	_ =	sdelay $0x1  }
0x1e9: {  	s14 =	simm.s32 $0x100;
	v7 =	vmul.f32 v4, v4;
	v8 =	vmul.f32 v6, v6;
	v2 =	vadd.f32 v2, v3  }
0x1ea: {  	v11 =	vld [tilespmem:s14+$0xC480];
	v9 =	vmul.f32 v34, v34;
	v5 =	vmul.f32 v39, v39  }
0x1eb: {  	v13 =	vld [tilespmem:s14+$0xC490];
	v3 =	vmul.f32 v33, v33;
	(xrf2) =	vadd.scan.msk.f32 $0xffff, v2;
	v2 =	vmul.f32 v32, v32  }
0x1ec: {  	v14 =	vld [tilespmem:s14+$0xC4C0];
	v10 =	vmul.f32 v36, v36;
	v12 =	vmul.f32 v1, v1  }
0x1ed: {  	v17 =	vld [tilespmem:s14+$0xC4D0];
	v2 =	vadd.f32 v2, v3;
	v3 =	vadd.f32 v9, v5  }
0x1ee: {  	v20 =	vld [tilespmem:s14+$0xC4E0];
	v5 =	vadd.f32 v10, v7;
	v7 =	vadd.f32 v12, v8  }
0x1ef: {  	v41 =	vld [tilespmem:s14+$0xC4F0]  }
0x1f0: {  	v12 =	vld [tilespmem:s14+$0xC4A0];
	v2 =	vadd.f32 v5, v2;
	v3 =	vadd.f32 v7, v3  }
0x1f1: {  	v15 =	vld [tilespmem:s14+$0xC4B0]  }
0x1f2: {  	v2 =	vadd.f32 v3, v2  }
0x1f3: {  	v22 =	vmul.f32 v14, v14;
	v23 =	vmul.f32 v20, v20  }
0x1f4: {  	v30 =	vmul.f32 v17, v17;
	v31 =	vmul.f32 v41, v41  }
0x1f5: {  	v7 =	vmul.f32 v11, v11;
	v9 =	vmul.f32 v12, v12  }
0x1f6: {  	v10 =	vmul.f32 v15, v15;
	v8 =	vmul.f32 v13, v13;
	(xrf2) =	vadd.scan.msk.f32 $0xffff, v2;
	v2, _, _ =	vpop (xrf2)  }
0x1f7: {  	v27 =	vld [tilespmem:s14+$0xC400];
	v22 =	vadd.f32 v22, v7;
	v23 =	vadd.f32 v23, v9;
	v3 =	vperm.xlane v2, v0  }
0x1f8: {  	v10 =	vadd.f32 v31, v10;
	v30 =	vadd.f32 v30, v8;
	v8 =	vld [tilespmem:s14+$0xC460]  }
0x1f9: {  	v7 =	vld [tilespmem:s14+$0xC440];
	v22 =	vadd.f32 v23, v22;
	v5 =	vmax.f32 v3, $1.280000030e-22  }
0x1fa: {  	v9 =	vld [tilespmem:s14+$0xC450];
	v23 =	vadd.f32 v10, v30;
	v24 =	vshra.s32 v5, $0x1;
	v51 =	vmul.f32 $3.906250000e-03, v5  }
0x1fb: {  	v3 =	vld [tilespmem:s14+$0xC420];
	v24 =	vsub.s32 $0x60F759DF, v24  }
0x1fc: {  	v2 =	vld [tilespmem:s14+$0xC410];
	v22 =	vadd.f32 v23, v22;
	v31 =	vmul.f32 v24, v51  }
0x1fd: {  	v10 =	vld [tilespmem:s14+$0xC470]  }
0x1fe: {  	v57 =	vmul.f32 v8, v8;
	v5 =	vld [tilespmem:s14+$0xC430];
	(xrf2) =	vadd.scan.msk.f32 $0xffff, v22;
	v31 =	vmul.f32 v24, v31  }
0x1ff: {  	v30 =	vmul.f32 v27, v27;
	v55 =	vmul.f32 v7, v7  }
0x200: {  	v22 =	vmul.f32 v9, v9;
	v52, _, _ =	vpop (xrf2);
	v23 =	vmul.f32 v3, v3;
	v31 =	vsub.f32 $1.500000000e+00, v31  }
0x201: {  	v30 =	vadd.f32 v55, v30;
	v53 =	vmul.f32 v2, v2;
	v35 =	vperm.xlane v52, v0  }
0x202: {  	s16 =	simm.s32 $0x200;
	v58 =	vmul.f32 v10, v10;
	v59 =	vmul.f32 v24, v31;
	v24 =	vadd.f32 v57, v23  }
0x203: {  	v37 =	vadd.f32 v22, v53;
	v54 =	vmul.f32 v5, v5;
	v35 =	vmax.f32 v35, $1.280000030e-22;
	v23 =	vld [tilespmem:s16+$0xC490]  }
0x204: {  	v56 =	vshra.s32 v35, $0x1;
	v35 =	vmul.f32 $3.906250000e-03, v35;
	v30 =	vadd.f32 v24, v30;
	v24 =	vld [tilespmem:s16+$0xC4A0]  }
0x205: {  	v31 =	vadd.f32 v58, v54;
	v42 =	vsub.s32 $0x60F759DF, v56;
	v60 =	vmul.f32 v59, v18;
	v18 =	vld [tilespmem:s16+$0xC4B0]  }
0x206: {  	v35 =	vmul.f32 v42, v35;
	v62 =	vmul.f32 v59, v19;
	v19 =	vld [tilespmem:s16+$0xC4C0]  }
0x207: {  	v31 =	vadd.f32 v31, v37;
	v61 =	vmul.f32 v59, v16;
	v63 =	vmul.f32 v59, v21;
	v16 =	vld [tilespmem:s16+$0xC4D0]  }
0x208: {  	v46 =	vmul.f32 v59, v25;
	v21 =	vld [tilespmem:s16+$0xC4E0];
	v47 =	vmul.f32 v59, v28;
	v25, _, _ =	vpop (xrf2)  }
0x209: {  	v48 =	vmul.f32 v59, v29;
	v30 =	vadd.f32 v31, v30;
	v25 =	vperm.xlane v25, v0  }
0x20a: {  	v22 =	vld [tilespmem:s16+$0xC480];
	v35 =	vmul.f32 v42, v35;
	v28 =	vmul.f32 v23, v23  }
0x20b: {  	v29 =	vld [tilespmem:s16+$0xC400];
	(xrf2) =	vadd.scan.msk.f32 $0xffff, v30;
	v25 =	vmax.f32 v25, $1.280000030e-22;
	v49 =	vmul.f32 v24, v24;
	v50 =	vmul.f32 v18, v18  }
0x20c: {  	v35 =	vsub.f32 $1.500000000e+00, v35;
	v30 =	vld [tilespmem:s16+$0xC4F0];
	v51 =	vmul.f32 v19, v19;
	v53 =	vmul.f32 $3.906250000e-03, v25  }
0x20d: {  	v37 =	vld [tilespmem:s16+$0xC420];
	v54 =	vmul.f32 v16, v16;
	v55 =	vmul.f32 v21, v21  }
0x20e: {  	v52 =	vshra.s32 v25, $0x1;
	v25 =	vld [tilespmem:s16+$0xC440];
	v31 =	vmul.f32 v42, v35;
	v42 =	vmul.f32 v59, v26  }
0x20f: {  	[tilespmem:s15+$0x144F0] =	vst v60;
	v26 =	vmul.f32 v22, v22;
	v52 =	vsub.s32 $0x60F759DF, v52;
	v60 =	vadd.f32 v54, v28;
	v28 =	vld [tilespmem:s16+$0xC460]  }
0x210: {  	v53 =	vmul.f32 v52, v53;
	v57 =	vmul.f32 v31, v33;
	v33 =	vld [tilespmem:s16+$0xC410]  }
0x211: {  	[tilespmem:s15+$0x14480] =	vst v61;
	v35 =	vld [tilespmem:s16+$0xC430];
	v49 =	vadd.f32 v55, v49;
	v59 =	vadd.f32 v51, v26;
	v58 =	vmul.f32 v30, v30  }
0x212: {  	[tilespmem:s15+$0x14490] =	vst v62;
	v26 =	vld [tilespmem:s16+$0xC450];
	v51 =	vmul.f32 v29, v29;
	v53 =	vmul.f32 v52, v53  }
0x213: {  	v38 =	vld [tilespmem:s16+$0xC470];
	[tilespmem:s15+$0x144D0] =	vst v47;
	v47 =	vmul.f32 v31, v39;
	v61 =	vadd.f32 v49, v59;
	v50 =	vadd.f32 v58, v50  }
0x214: {  	[tilespmem:s15+$0x144A0] =	vst v63;
	v49 =	vmul.f32 v37, v37;
	v56 =	vmul.f32 v25, v25;
	v63 =	vsub.f32 $1.500000000e+00, v53  }
0x215: {  	[tilespmem:s15+$0x144B0] =	vst v46;
	v59 =	vmul.f32 v28, v28;
	v54 =	vmul.f32 v33, v33;
	v44 =	vadd.f32 v50, v60;
	v62, _, _ =	vpop (xrf2)  }
0x216: {  	[tilespmem:s15+$0x14400] =	vst v57;
	v43 =	vadd.f32 v56, v51;
	v40 =	vmul.f32 v52, v63;
	v57 =	vperm.xlane v62, v0  }
0x217: {  	[tilespmem:s15+$0x144E0] =	vst v48;
	v50 =	vmul.f32 v35, v35;
	v58 =	vmul.f32 v26, v26;
	v44 =	vadd.f32 v44, v61  }
0x218: {  	[tilespmem:s15+$0x144C0] =	vst v42;
	v61 =	vmul.f32 v38, v38;
	v62 =	vmul.f32 v40, v41;
	v60 =	vmax.f32 v57, $1.280000030e-22  }
0x219: {  	v45 =	vadd.f32 v59, v49;
	(xrf2) =	vadd.scan.msk.f32 $0xffff, v44;
	v63 =	vshra.s32 v60, $0x1;
	v46 =	vmul.f32 $3.906250000e-03, v60  }
0x21a: {  	s10 =	simm.s32 $0x4;
	s11 =	simm.s32 $0xC00;
	s5 =	sadd.s32 s13, s9;
	v42 =	vadd.f32 v58, v54;
	v44 =	vadd.f32 v61, v50;
	[tilespmem:s14+$0x144F0] =	vst v62;
	v41 =	vsub.s32 $0x60F759DF, v63  }
.LBB2_9:
0x21b: {  	v43 =	vadd.f32 v45, v43;
	v45 =	vmul.f32 v41, v46;
	v46 =	vmul.f32 v31, v4;
	v39 =	vmovc v33  }
0x21c: {  	s17 =	sshra.s32 s11, $0x2;
	v4 =	vmovc v3;
	v3 =	vmovc v37;
	v33 =	vmov v1;
	v1 =	vmov v10;
	v10 =	vmov v38  }
0x21d: {  	v32 =	vmul.f32 v31, v32;
	v37 =	vld [tilespmem:s17+$0xC480];
	v38 =	vadd.f32 v44, v42;
	[tilespmem:s15+$0x14410] =	vst v47;
	v42 =	vmul.f32 v31, v6  }
0x21e: {  	v34 =	vmul.f32 v31, v34;
	v6 =	vmovc v5;
	v5 =	vmov v35;
	v44 =	vld [tilespmem:s17+$0xC490];
	v45 =	vmul.f32 v41, v45;
	[tilespmem:s15+$0x14420] =	vst v46  }
0x21f: {  	v36 =	vmul.f32 v31, v36;
	v33 =	vmul.f32 v31, v33;
	v35 =	vld [tilespmem:s17+$0xC4A0];
	v38 =	vadd.f32 v38, v43;
	[tilespmem:s15+$0x14430] =	vst v42  }
0x220: {  	v43 =	vmul.f32 v40, v11;
	v11 =	vmovc v22;
	v42 =	vld [tilespmem:s17+$0xC4B0];
	v31 =	vsub.f32 $1.500000000e+00, v45;
	v45 =	vmul.f32 v40, v13;
	[tilespmem:s15+$0x14440] =	vst v32  }
0x221: {  	v46 =	vmul.f32 v40, v15;
	v13 =	vmovc v23;
	v32 =	vld [tilespmem:s17+$0xC4C0];
	(xrf2) =	vadd.scan.msk.f32 $0xffff, v38;
	v38 =	vmul.f32 v40, v12;
	[tilespmem:s15+$0x14450] =	vst v34  }
0x222: {  	v12 =	vmovc v24;
	v34 =	vld [tilespmem:s17+$0xC4D0];
	v31 =	vmul.f32 v41, v31;
	v41 =	vmul.f32 v40, v14;
	[tilespmem:s15+$0x14460] =	vst v36;
	v22 =	vmov v37  }
0x223: {  	s10 =	sadd.s32 $0x2, s10;
	v47 =	vmul.f32 v40, v17;
	v40 =	vmul.f32 v40, v20;
	v36 =	vld [tilespmem:s17+$0xC4E0];
	v14, _, _ =	vpop (xrf2);
	[tilespmem:s15+$0x14470] =	vst v33;
	v23 =	vmov v44;
	s15 =	smov.u32 s14;
	s14 =	smov.u32 s16  }
0x224: {  	p0 =	slt.u32 s10, $0x3E;
	v15 =	vmovc v18;
	s16 =	smov.u32 s17;
	v48 =	vld [tilespmem:s17+$0xC4F0];
	v50 =	vperm.xlane v14, v0;
	v20 =	vmul.f32 v31, v27;
	[tilespmem:s15+$0x14480] =	vst v43;
	v24 =	vmov v35  }
0x225: {  	v49 =	vmul.f32 v37, v22;
	v44 =	vmul.f32 v44, v23;
	v14 =	vmovc v19;
	v43 =	vld [tilespmem:s16+$0xC400];
	[tilespmem:s15+$0x14490] =	vst v45;
	v18 =	vmov v42  }
0x226: {  	v45 =	vmul.f32 v35, v24;
	v33 =	vld [tilespmem:s16+$0xC410];
	v42 =	vmul.f32 v42, v18;
	v35 =	vmax.f32 v50, $1.280000030e-22;
	[tilespmem:s15+$0x14400] =	vst v20;
	v19 =	vmovc v32  }
0x227: {  	v17 =	vmovc v16;
	v37 =	vld [tilespmem:s16+$0xC420];
	v32 =	vmul.f32 v32, v19;
	v51 =	vshra.s32 v35, $0x1;
	v53 =	vmul.f32 $3.906250000e-03, v35;
	[tilespmem:s15+$0x144A0] =	vst v38;
	v16 =	vmovc v34  }
0x228: {  	v35 =	vld [tilespmem:s16+$0xC430];
	v34 =	vmul.f32 v34, v16;
	v38 =	vmul.f32 v36, v36;
	v50 =	vsub.s32 $0x60F759DF, v51;
	[tilespmem:s15+$0x144B0] =	vst v46;
	v20 =	vmovc v21  }
0x229: {  	v27 =	vmovc v29;
	v21 =	vmov v36;
	v46 =	vld [tilespmem:s16+$0xC440];
	v51 =	vmul.f32 v48, v48;
	v52 =	vmul.f32 v50, v53;
	[tilespmem:s15+$0x144C0] =	vst v41  }
0x22a: {  	v53 =	vadd.f32 v32, v49;
	v36 =	vld [tilespmem:s16+$0xC450];
	v41 =	vmul.f32 v43, v43;
	v54 =	vadd.f32 v38, v45;
	[tilespmem:s15+$0x144D0] =	vst v47  }
0x22b: {  	v55 =	vadd.f32 v34, v44;
	v47 =	vld [tilespmem:s16+$0xC460];
	v42 =	vadd.f32 v51, v42;
	v44 =	vmul.f32 v50, v52;
	v45, _, _ =	vpop (xrf2);
	[tilespmem:s15+$0x144E0] =	vst v40  }
0x22c: {  	v29 =	vmovc v43;
	v49 =	vmul.f32 v33, v33;
	v38 =	vld [tilespmem:s16+$0xC470];
	v51 =	vmul.f32 v37, v37;
	v40 =	vadd.f32 v54, v53  }
0x22d: {  	v32 =	vmovc v7;
	v7 =	vmovc v25;
	v52 =	vmul.f32 v35, v35;
	v42 =	vadd.f32 v42, v55;
	v43 =	vsub.f32 $1.500000000e+00, v44  }
0x22e: {  	v45 =	vperm.xlane v45, v0;
	v34 =	vmovc v9;
	v9 =	vmovc v26;
	v44 =	vmul.f32 v46, v46;
	v25 =	vmov v46  }
.Ltmp5:
0x22f: {  	v46 =	vmul.f32 v36, v36;
	v53 =	vadd.f32 v42, v40;
	v40 =	vmul.f32 v50, v43;
	v26 =	vmovc v36;
	(pc) =	sbr.rel @p0 .LBB2_9-.Ltmp5, $4  }
0x230: {  	v36 =	vmovc v8;
	v8 =	vmovc v28;
	v50 =	vmul.f32 v47, v47;
	v43 =	vadd.f32 v44, v41;
	v41 =	vmax.f32 v45, $1.280000030e-22  }
0x231: {  	v44 =	vmul.f32 v38, v38;
	v42 =	vadd.f32 v46, v49;
	(xrf2) =	vadd.scan.msk.f32 $0xffff, v53;
	v49 =	vmul.f32 v40, v30  }
0x232: {  	v28 =	vmovc v47;
	v46 =	vmul.f32 $3.906250000e-03, v41;
	v30 =	vmovc v48;
	v45 =	vadd.f32 v50, v51;
	v50 =	vshra.s32 v41, $0x1  }
0x233: {  	s11 =	sadd.s32 $0x400, s11;
	v47 =	vmul.f32 v31, v2;
	v2 =	vmovc v39;
	v44 =	vadd.f32 v44, v52;
	v41 =	vsub.s32 $0x60F759DF, v50;
	[tilespmem:s14+$0x144F0] =	vst v49  }
0x234: {  	v4 =	vmul.f32 v31, v4  }
0x235: {  	v39 =	vadd.f32 v45, v43;
	v6 =	vmul.f32 v31, v6;
	v42 =	vadd.f32 v44, v42;
	[tilespmem:s15+$0x14410] =	vst v47  }
0x236: {  	v32 =	vmul.f32 v31, v32;
	[tilespmem:s15+$0x14420] =	vst v4  }
0x237: {  	v62 =	vmul.f32 v41, v46;
	v43 =	vmul.f32 v31, v34;
	[tilespmem:s15+$0x14430] =	vst v6;
	v39 =	vadd.f32 v42, v39  }
0x238: {  	v1 =	vmul.f32 v31, v1;
	[tilespmem:s15+$0x14440] =	vst v32  }
0x239: {  	v11 =	vmul.f32 v40, v11;
	[tilespmem:s15+$0x14450] =	vst v43;
	v42 =	vmul.f32 v41, v62;
	(xrf2) =	vadd.scan.msk.f32 $0xffff, v39  }
0x23a: {  	v13 =	vmul.f32 v40, v13;
	[tilespmem:s15+$0x14470] =	vst v1  }
0x23b: {  	v51 =	vmul.f32 v40, v12;
	[tilespmem:s14+$0x14480] =	vst v11;
	v46 =	vsub.f32 $1.500000000e+00, v42;
	v63, _, _ =	vpop (xrf2)  }
0x23c: {  	v52 =	vmul.f32 v40, v15;
	[tilespmem:s14+$0x14490] =	vst v13;
	v39 =	vperm.xlane v63, v0  }
0x23d: {  	v53 =	vmul.f32 v40, v14;
	[tilespmem:s14+$0x144A0] =	vst v51;
	v49 =	vmul.f32 v41, v46  }
0x23e: {  	v54 =	vmul.f32 v40, v17;
	v55 =	vmul.f32 v40, v20;
	[tilespmem:s14+$0x144B0] =	vst v52;
	v45 =	vmax.f32 v39, $1.280000030e-22  }
0x23f: {  	[tilespmem:s14+$0x144C0] =	vst v53;
	v1 =	vmul.f32 v49, v27;
	v47 =	vshra.s32 v45, $0x1;
	v34 =	vmul.f32 $3.906250000e-03, v45  }
0x240: {  	v44 =	vmul.f32 v31, v36;
	[tilespmem:s14+$0x144D0] =	vst v54;
	v48 =	vsub.s32 $0x60F759DF, v47  }
0x241: {  	[tilespmem:s14+$0x144E0] =	vst v55;
	v50 =	vmul.f32 v48, v34  }
0x242: {  	[tilespmem:s15+$0x14460] =	vst v44;
	v2 =	vmul.f32 v49, v2  }
0x243: {  	v3 =	vmul.f32 v49, v3;
	[tilespmem:s14+$0x14400] =	vst v1;
	v6 =	vmul.f32 v48, v50;
	v1, _, _ =	vpop (xrf2)  }
0x244: {  	v59 =	vmul.f32 v49, v7;
	[tilespmem:s14+$0x14410] =	vst v2;
	v1 =	vperm.xlane v1, v0  }
0x245: {  	v60 =	vmul.f32 v49, v10;
	[tilespmem:s14+$0x14420] =	vst v3;
	v6 =	vsub.f32 $1.500000000e+00, v6  }
0x246: {  	v2 =	vmul.f32 v49, v5;
	v3 =	vmul.f32 v49, v9;
	[tilespmem:s14+$0x14440] =	vst v59;
	v1 =	vmax.f32 v1, $1.280000030e-22  }
0x247: {  	[tilespmem:s14+$0x14470] =	vst v60;
	v4 =	vmul.f32 v48, v6;
	v57 =	vshra.s32 v1, $0x1;
	v1 =	vmul.f32 $3.906250000e-03, v1  }
0x248: {  	[tilespmem:s14+$0x14430] =	vst v2;
	v2 =	vmul.f32 v49, v8;
	v58 =	vsub.s32 $0x60F759DF, v57  }
0x249: {  	[tilespmem:s14+$0x14450] =	vst v3;
	v56 =	vmul.f32 v4, v30;
	v1 =	vmul.f32 v58, v1  }
0x24a: {  	[tilespmem:s14+$0x14460] =	vst v2;
	v3 =	vmul.f32 v4, v22  }
0x24b: {  	v2 =	vmul.f32 v4, v23;
	[tilespmem:s16+$0x144F0] =	vst v56;
	v1 =	vmul.f32 v58, v1  }
0x24c: {  	v62 =	vmul.f32 v4, v19;
	[tilespmem:s16+$0x14480] =	vst v3  }
0x24d: {  	v3 =	vmul.f32 v4, v24;
	[tilespmem:s16+$0x14490] =	vst v2;
	v1 =	vsub.f32 $1.500000000e+00, v1  }
0x24e: {  	v2 =	vmul.f32 v4, v18;
	[tilespmem:s16+$0x144C0] =	vst v62  }
0x24f: {  	[tilespmem:s16+$0x144A0] =	vst v3;
	v3 =	vmul.f32 v4, v16;
	v1 =	vmul.f32 v58, v1  }
0x250: {  	[tilespmem:s16+$0x144B0] =	vst v2;
	v2 =	vmul.f32 v4, v21  }
0x251: {  	[tilespmem:s16+$0x144D0] =	vst v3;
	v61 =	vmul.f32 v1, v29  }
0x252: {  	[tilespmem:s16+$0x144E0] =	vst v2;
	v3 =	vmul.f32 v1, v33  }
0x253: {  	v2 =	vmul.f32 v1, v37;
	[tilespmem:s16+$0x14400] =	vst v61  }
0x254: {  	v63 =	vmul.f32 v1, v25;
	[tilespmem:s16+$0x14410] =	vst v3  }
0x255: {  	v3 =	vmul.f32 v1, v35;
	[tilespmem:s16+$0x14420] =	vst v2  }
0x256: {  	v2 =	vmul.f32 v1, v26;
	[tilespmem:s16+$0x14440] =	vst v63  }
.Ltmp6:
0x257: {  	[tilespmem:s16+$0x14430] =	vst v3;
	v3 =	vmul.f32 v1, v28;
	(pc) =	sbr.rel @p1 .LBB2_12-.Ltmp6, $4  }
0x258: {  	v1 =	vmul.f32 v1, v38;
	[tilespmem:s16+$0x14450] =	vst v2  }
0x259: {  	s5 =	sshll.u32 s5, $0x4;
	[tilespmem:s16+$0x14460] =	vst v3  }
0x25a: {  	s5 =	sadd.s32 s3, s5;
	[tilespmem:s16+$0x14470] =	vst v1  }
0x25b: {  	[hbm4b:s5+s4] =	stream.linear.scatter [tilespmem:s26], [sflag:$0x8], $0x2000, $0x38;
	[tilespmem:$0x16400] =	vst v63  }
.Ltmp7:
0x25c: {  	(pc) =	sbr.rel .LBB2_2-.Ltmp7, $4  }
0x25d: {  	_ = 	snop  }
0x25e: {  	s5 =	sand.u32 $0x3FFFFF00, s13  }
0x25f: {  	s0 =	sadd.s32 $0x1, s0;
	s5 =	sadd.s32 $0x1C0, s5  }
0x260: {  	[tilespmem:s18], [sflag:$0x4] =	stream.indirect.gather [hbm4b:s2+s12], $0x80, s5, s12, $0xb8;
	[tilespmem:$0x16400] =	vst v63  }
.LBB2_13:
0x261: {  	_ =	sfence.sel $0x180000  }
0x262: {  	[bflag:$0x0] =	sbarrier.arrive $0xFFFF  }
0x263: {  	_ =	strace $0x90000047  }
0x264: {  	s0 =	stileid.u32;
	[bflag:$0x2] =	sbarrier.arrive $0xFFFF  }
0x265: {  	p0 =	sne.s32 s0, $0x0;
	s0 =	rddreg [dreg:$0x3]  }
0x266: {  	s0 =	sadd.s32 @!p0 $0x100000, s0  }
0x267: {  	[sflag:s0] =	ssyncadd.tile.s32 @!p0 $0x1;
	_ =	shalt  }
.Lfunc_end2:
_tile_overlayer_lowered:
.L_overlay_start_2:
0x268: {  	(tag) =	ssettag $0x2  }
0x269: {  	s0 =	rddreg [dreg:$0x0];
	s2 =	stileid.u32  }
0x26a: {  	s1 =	rddreg [dreg:$0x1];
	p0 =	sne.s32 s2, $0x0  }
0x26b: {  	s3 =	rddreg [dreg:$0x2];
	[bflag:$0x3] =	sbarrier.arrive $0xFFFF;
	s2 =	simm.s32 @!p0 $0x1C09  }
0x26c: {  	[timem:s3], [sflag:s2] =	dma.local @!p0 [hbm:s0], s1  }
0x26d: {  	s0 =	simm.s32 @!p0 $0x9  }
0x26e: {  	_ =	swait.ge @!p0 [sflag:s0], s1  }
0x26f: {  	s1 =	ssub.s32 @!p0 $0x0, s1;
	[sflag:s0] =	ssyncset.done @!p0 $0x0  }
0x270: {  	[sflag:s0] =	ssyncadd.s32 @!p0 s1  }
0x271: {  	[bflag:$0x3] =	sbarrier.arrive $0xFFFF  }
0x272: {  	_ =	shalt  }

</sc_bundles>
